<compile_context>
chip_gen: v7x
topology: tpu7x:2x2x1
jax: 0.10.2.dev20260603
libtpu: 0.0.44.dev20260713+nightly
codegen_flags: <defaults>
</compile_context>

<pallas_src>
import functools

import jax
import jax.numpy as jnp
from jax import lax
from jax.experimental import pallas as pl
from jax.experimental.pallas import tpu as pltpu
from jax.experimental.pallas import tpu_sc as plsc

_NT = 2048
_NB = 64
_NF = 5
_NS = 512
_BLK = 768
_GO = 128
_SSH = 640

_C = (0.9996203753455158, -0.4866430640453205, 0.254622206847047,
      -0.0747361476617855)


def _log1p_poly(x):
    r = jnp.float32(_C[3])
    for i in range(2, -1, -1):
        r = r * x + jnp.float32(_C[i])
    return r * x


def _logaddexp16(a, b):
    m = jnp.maximum(a, b)
    d = jnp.minimum(a, b) - m
    return m + _log1p_poly(jnp.exp(d))


def _make_sc_kernel():
    mesh = plsc.VectorSubcoreMesh(core_axis_name="c", subcore_axis_name="s")

    @functools.partial(
        pl.kernel,
        mesh=mesh,
        compiler_params=pltpu.CompilerParams(needs_layout_passes=False),
        out_type=jax.ShapeDtypeStruct((_NB, _BLK - _GO), jnp.float32),
        scratch_types=[
            pltpu.VMEM((2 * _NT * _NF,), jnp.float32),
            pltpu.VMEM((2 * _BLK,), jnp.int32),
            pltpu.VMEM((2 * _BLK,), jnp.float32),
            pltpu.VMEM((2 * _BLK,), jnp.float32),
            pltpu.VMEM((2 * _NB,), jnp.int32),
        ],
    )
    def sc_ctc(x_hbm, seq_hbm, info_hbm, out_hbm, xv, sv, fa, fb, iv):
        wid = lax.axis_index("c") * 16 + lax.axis_index("s")
        pltpu.sync_copy(info_hbm, iv)

        def scalar_at(i):
            return jnp.max(plsc.load_gather(
                iv, [jnp.full((16,), i, dtype=jnp.int32)]))

        ba = scalar_at(2 * wid)
        bb = scalar_at(2 * wid + 1)
        la = scalar_at(_NB + 2 * wid)
        lb = scalar_at(_NB + 2 * wid + 1)

        nx = _NT * _NF
        pltpu.sync_copy(x_hbm.at[ba], xv.at[pl.ds(0, nx)])
        pltpu.sync_copy(x_hbm.at[bb], xv.at[pl.ds(nx, nx)])
        pltpu.sync_copy(seq_hbm.at[ba], sv.at[pl.ds(0, _SSH)])
        pltpu.sync_copy(seq_hbm.at[bb], sv.at[pl.ds(_BLK, _SSH)])

        iot = lax.iota(jnp.int32, 16)
        iot5 = 5 * iot + 4

        def blank_sum(bi):
            def bsum(i, acc):
                idx = jnp.full((16,), bi * nx + 80 * i, dtype=jnp.int32)
                return acc + plsc.load_gather(xv, [idx + iot5])
            acc = lax.fori_loop(0, _NT // 16, bsum,
                                jnp.zeros((16,), jnp.float32))
            return jnp.sum(acc)

        tot_a = blank_sum(0)
        tot_b = blank_sum(1)

        cidx = []
        for k in range(5):
            s = iot + k
            q = (3 * k + (s >= 5).astype(jnp.int32)
                 + (s >= 10).astype(jnp.int32) + (s >= 15).astype(jnp.int32))
            cidx.append(q * 5 + 4)

        @plsc.parallel_loop(0, 2 * nx, step=80, unroll=2)
        def xform(goff):
            gv = jnp.full((16,), goff, dtype=jnp.int32)
            vals = [xv[pl.ds(goff + 16 * k, 16)] for k in range(5)]
            bls = [plsc.load_gather(xv, [gv + cidx[k]]) for k in range(5)]
            for k in range(5):
                xv[pl.ds(goff + 16 * k, 16)] = vals[k] - bls[k]

        neg = jnp.full((16,), -1e30, dtype=jnp.float32)
        for i in range(2 * _BLK // 16):
            fa[pl.ds(i * 16, 16)] = neg
            fb[pl.ds(i * 16, 16)] = neg
        init0 = jnp.where(lax.iota(jnp.int32, 16) == 0,
                          jnp.float32(0.0), jnp.float32(-1e30))
        fa[pl.ds(_GO, 16)] = init0
        fa[pl.ds(_BLK + _GO, 16)] = init0

        def one_step(t, prev, new):
            rem = jnp.int32(_NT - 1) - t
            fcap = (t + 1) // 16
            xb0 = jnp.full((16,), t * _NF, dtype=jnp.int32)
            loa = (jnp.maximum(la - rem, 0) // 16) * 16
            ta = jnp.minimum(fcap, la // 16) * 16 + 16 - loa
            lob = (jnp.maximum(lb - rem, 0) // 16) * 16
            tb = jnp.minimum(fcap, lb // 16) * 16 + 16 - lob
            total = ((ta + tb + 63) // 64) * 64
            ba_ = _GO + loa
            bb_ = _BLK + _GO + lob - ta

            @plsc.parallel_loop(0, total, step=16, unroll=4)
            def chunk(w):
                isb = w >= ta
                base = jnp.where(isb, bb_, ba_) + w
                stay = prev[pl.ds(base, 16)]
                move = prev[pl.ds(base - 1, 16)]
                sq = sv[pl.ds(base - _GO, 16)]
                emit = plsc.load_gather(xv, [xb0 + sq])
                r = _logaddexp16(stay, move + emit)
                new[pl.ds(base, 16)] = r

        def two_steps(i, carry):
            t0 = 2 * i
            one_step(t0, fa, fb)
            one_step(t0 + 1, fb, fa)
            return carry

        lax.fori_loop(0, _NT // 2, two_steps, 0)

        @plsc.parallel_loop(0, _BLK - _GO, step=16, unroll=4)
        def addtot(off):
            fa[pl.ds(_GO + off, 16)] = fa[pl.ds(_GO + off, 16)] + tot_a
            fa[pl.ds(_BLK + _GO + off, 16)] = (
                fa[pl.ds(_BLK + _GO + off, 16)] + tot_b)

        pltpu.sync_copy(fa.at[pl.ds(_GO, _BLK - _GO)], out_hbm.at[ba])
        pltpu.sync_copy(fa.at[pl.ds(_BLK + _GO, _BLK - _GO)],
                        out_hbm.at[bb])

    return sc_ctc


_SC_CTC = _make_sc_kernel()


@jax.jit
def kernel(x, seqs, seqlens):
    nt, nb, _ = x.shape
    ns = seqs.shape[1]
    xT = jnp.transpose(x, (1, 0, 2)).astype(jnp.float32).reshape(nb, -1)
    s32 = seqs.astype(jnp.int32)
    l32 = seqlens.astype(jnp.int32)
    order = jnp.argsort(l32)
    perm = jnp.stack([order[:nb // 2], jnp.flip(order[nb // 2:])],
                     axis=1).reshape(-1)
    info = jnp.concatenate([perm, l32[perm]])
    role = jnp.zeros((nb,), jnp.int32).at[perm[1::2]].set(1)
    seqshift = jnp.zeros((nb, _SSH), jnp.int32).at[:, 1:1 + ns].set(s32)
    seqshift = seqshift + role[:, None] * jnp.int32(_NT * _NF)
    fwd = _SC_CTC(xT, seqshift, info)
    vals = jnp.take_along_axis(fwd, l32[:, None], axis=1)
    return -vals / jnp.float32(nt)

# --- scband reference (transcript-rebuilt; emitter-appended) ---
"""Pipeline reference for scband-ctcloss-32959579030260 (READ-ONLY COPY).

The authoritative reference and input builder live on the scoring server;
editing this copy changes nothing except your own understanding.
"""

import jax, jax.numpy as jnp
import numpy as np

SHARP = 1.0

def setup_inputs(seed: int = 0) -> dict:
    key = jax.random.key(seed)
    k1, k2, k3 = jax.random.split(key, 3)
    x = jax.random.normal(k1, (2048, 64, 5), dtype=jnp.float32)
    seqs = jax.random.randint(k2, (64, 512), 0, 4, dtype=jnp.int64)
    seqlens = jax.random.randint(k3, (64,), 0, 512, dtype=jnp.int64)
    return {"x": x, "seqs": seqs, "seqlens": seqlens}

def _ctc_fwd_step(prev, xt, seqs):
    # score for staying in same position (blank/stay feature index 4)
    score = xt[:, 4][:, None] + prev
    # score for moving one position forward, emitting the feature at that position
    move_score = jnp.take_along_axis(xt, seqs, axis=1) + prev[:, :-1]
    score = score.at[:, 1:].set(jnp.logaddexp(move_score, score[:, 1:]))
    return score

def reference(x, seqs, seqlens):
    nt, nb, nf = x.shape
    nbs, ns = seqs.shape
    assert nf == 5
    assert nbs == nb
    assert seqlens.shape[0] == nb
    fwd0 = jnp.full((nb, ns + 1), -1e30, dtype=x.dtype)
    fwd0 = fwd0.at[:, 0].set(0.0)

    def step(fwd, xt):
        fwd = _ctc_fwd_step(fwd, xt * SHARP, seqs)
        return fwd, None

    fwd, _ = jax.lax.scan(step, fwd0, x)
    return -jnp.take_along_axis(fwd, seqlens[:, None], axis=1) / (nt * SHARP)

if False:  # reference __main__ guard neutralized (emitter)
    out = reference(**setup_inputs())
    print(out.shape, out.dtype)

if __name__ == "__main__":
    import jax
    _d = setup_inputs()
    print(jax.jit(kernel)(*tuple(_d.values())))

</pallas_src>

<mosaic_0001>
#map = affine_map<(d0, d1) -> (0, 0)>
#map1 = affine_map<(d0, d1) -> (0)>
module attributes {stable_mosaic.version = 14 : i64} {
  func.func @sc_ctc(%arg0: i32, %arg1: i32, %arg2: memref<64x10240xf32, #tpu.memory_space<hbm>>, %arg3: memref<64x640xi32, #tpu.memory_space<hbm>>, %arg4: memref<128xi32, #tpu.memory_space<hbm>>, %arg5: memref<64x640xf32, #tpu.memory_space<hbm>>, %arg6: memref<20480xf32, #tpu.memory_space<vmem>>, %arg7: memref<1536xi32, #tpu.memory_space<vmem>>, %arg8: memref<1536xf32, #tpu.memory_space<vmem>>, %arg9: memref<1536xf32, #tpu.memory_space<vmem>>, %arg10: memref<128xi32, #tpu.memory_space<vmem>>) attributes {dimension_semantics = [#tpu.dimension_semantics<core_parallel>, #tpu.dimension_semantics<subcore_parallel>], iteration_bounds = array<i64: 2, 16>, scalar_prefetch = 0 : i64, scratch_operands = 5 : i64, tpu.core_type = #tpu.core_type<sc_vector_subcore>, window_params = [{transform_indices = #map}, {transform_indices = #map}, {transform_indices = #map1}, {transform_indices = #map}]} {
    %mul3A = arith.constant 16 : i32
    %mul3A_0 = arith.muli %arg0, %mul3A : i32
    %add3A = arith.addi %mul3A_0, %arg1 : i32
    "tpu.region"() ({
      %run_scoped3A = tpu.sem_alloc : memref<!tpu.dma_semaphore, #tpu.memory_space<semaphore_mem>>
      tpu.enqueue_dma source(%arg4 : memref<128xi32, #tpu.memory_space<hbm>>) target(%arg10 : memref<128xi32, #tpu.memory_space<vmem>>) target_semaphore(%run_scoped3A : memref<!tpu.dma_semaphore, #tpu.memory_space<semaphore_mem>>)
      tpu.wait_dma2 semaphore(%run_scoped3A : memref<!tpu.dma_semaphore, #tpu.memory_space<semaphore_mem>>) src(%arg4 : memref<128xi32, #tpu.memory_space<hbm>>) dst(%arg10 : memref<128xi32, #tpu.memory_space<vmem>>)
      tpu.yield
    }) : () -> ()
    %mul3A_1 = arith.constant 2 : i32
    %mul3A_2 = arith.muli %mul3A_1, %add3A : i32
    %broadcast_in_dim3A = vector.broadcast %mul3A_2 : i32 to vector<16xi32>
    %gather3A = tpu.vector_load_idx %arg10[%broadcast_in_dim3A] : memref<128xi32, #tpu.memory_space<vmem>>[vector<16xi32>], vector<16xi32>,
    %reduce_max3A = arith.constant true
    %reduce_max3A_3 = vector.broadcast %reduce_max3A : i1 to vector<16xi1>
    %reduce_max3A_4 = arith.constant -2147483648 : i32
    %reduce_max3A_5 = vector.broadcast %reduce_max3A_4 : i32 to vector<16xi32>
    %reduce_max3A_6 = arith.xori %gather3A, %reduce_max3A_5 : vector<16xi32>
    %reduce_max3A_7 = tpu.scan <max>, %reduce_max3A_6 masked %reduce_max3A_3 : vector<16xi32>, vector<16xi1> -> vector<16xi32>
    %reduce_max3A_8 = arith.xori %reduce_max3A_7, %reduce_max3A_5 : vector<16xi32>
    %reduce_max3A_9 = vector.extract %reduce_max3A_8[15] : i32 from vector<16xi32>
    %mul3A_10 = arith.constant 2 : i32
    %mul3A_11 = arith.muli %mul3A_10, %add3A : i32
    %add3A_12 = arith.constant 1 : i32
    %add3A_13 = arith.addi %mul3A_11, %add3A_12 : i32
    %broadcast_in_dim3A_14 = vector.broadcast %add3A_13 : i32 to vector<16xi32>
    %gather3A_15 = tpu.vector_load_idx %arg10[%broadcast_in_dim3A_14] : memref<128xi32, #tpu.memory_space<vmem>>[vector<16xi32>], vector<16xi32>,
    %reduce_max3A_16 = arith.constant true
    %reduce_max3A_17 = vector.broadcast %reduce_max3A_16 : i1 to vector<16xi1>
    %reduce_max3A_18 = arith.constant -2147483648 : i32
    %reduce_max3A_19 = vector.broadcast %reduce_max3A_18 : i32 to vector<16xi32>
    %reduce_max3A_20 = arith.xori %gather3A_15, %reduce_max3A_19 : vector<16xi32>
    %reduce_max3A_21 = tpu.scan <max>, %reduce_max3A_20 masked %reduce_max3A_17 : vector<16xi32>, vector<16xi1> -> vector<16xi32>
    %reduce_max3A_22 = arith.xori %reduce_max3A_21, %reduce_max3A_19 : vector<16xi32>
    %reduce_max3A_23 = vector.extract %reduce_max3A_22[15] : i32 from vector<16xi32>
    %mul3A_24 = arith.constant 2 : i32
    %mul3A_25 = arith.muli %mul3A_24, %add3A : i32
    %add3A_26 = arith.constant 64 : i32
    %add3A_27 = arith.addi %add3A_26, %mul3A_25 : i32
    %broadcast_in_dim3A_28 = vector.broadcast %add3A_27 : i32 to vector<16xi32>
    %gather3A_29 = tpu.vector_load_idx %arg10[%broadcast_in_dim3A_28] : memref<128xi32, #tpu.memory_space<vmem>>[vector<16xi32>], vector<16xi32>,
    %reduce_max3A_30 = arith.constant true
    %reduce_max3A_31 = vector.broadcast %reduce_max3A_30 : i1 to vector<16xi1>
    %reduce_max3A_32 = arith.constant -2147483648 : i32
    %reduce_max3A_33 = vector.broadcast %reduce_max3A_32 : i32 to vector<16xi32>
    %reduce_max3A_34 = arith.xori %gather3A_29, %reduce_max3A_33 : vector<16xi32>
    %reduce_max3A_35 = tpu.scan <max>, %reduce_max3A_34 masked %reduce_max3A_31 : vector<16xi32>, vector<16xi1> -> vector<16xi32>
    %reduce_max3A_36 = arith.xori %reduce_max3A_35, %reduce_max3A_33 : vector<16xi32>
    %reduce_max3A_37 = vector.extract %reduce_max3A_36[15] : i32 from vector<16xi32>
    %mul3A_38 = arith.constant 2 : i32
    %mul3A_39 = arith.muli %mul3A_38, %add3A : i32
    %add3A_40 = arith.constant 64 : i32
    %add3A_41 = arith.addi %add3A_40, %mul3A_39 : i32
    %add3A_42 = arith.constant 1 : i32
    %add3A_43 = arith.addi %add3A_41, %add3A_42 : i32
    %broadcast_in_dim3A_44 = vector.broadcast %add3A_43 : i32 to vector<16xi32>
    %gather3A_45 = tpu.vector_load_idx %arg10[%broadcast_in_dim3A_44] : memref<128xi32, #tpu.memory_space<vmem>>[vector<16xi32>], vector<16xi32>,
    %reduce_max3A_46 = arith.constant true
    %reduce_max3A_47 = vector.broadcast %reduce_max3A_46 : i1 to vector<16xi1>
    %reduce_max3A_48 = arith.constant -2147483648 : i32
    %reduce_max3A_49 = vector.broadcast %reduce_max3A_48 : i32 to vector<16xi32>
    %reduce_max3A_50 = arith.xori %gather3A_45, %reduce_max3A_49 : vector<16xi32>
    %reduce_max3A_51 = tpu.scan <max>, %reduce_max3A_50 masked %reduce_max3A_47 : vector<16xi32>, vector<16xi1> -> vector<16xi32>
    %reduce_max3A_52 = arith.xori %reduce_max3A_51, %reduce_max3A_49 : vector<16xi32>
    %reduce_max3A_53 = vector.extract %reduce_max3A_52[15] : i32 from vector<16xi32>
    "tpu.region"() ({
      %run_scoped3A = tpu.sem_alloc : memref<!tpu.dma_semaphore, #tpu.memory_space<semaphore_mem>>
      %dma_start3A = arith.constant 0 : i32
      %dma_start3A_616 = tpu.memref_slice %arg6[%dma_start3A] : memref<20480xf32, #tpu.memory_space<vmem>> -> memref<10240xf32, #tpu.memory_space<vmem>>
      %dma_start3A_617 = arith.constant 0 : i32
      %dma_start3A_618 = tpu.memref_slice %arg2[%reduce_max3A_9, %dma_start3A_617] : memref<64x10240xf32, #tpu.memory_space<hbm>> -> memref<1x10240xf32, #tpu.memory_space<hbm>>
      %dma_start3A_619 = tpu.memref_squeeze %dma_start3A_618 : memref<1x10240xf32, #tpu.memory_space<hbm>> -> memref<10240xf32, #tpu.memory_space<hbm>>
      %dma_start3A_620 = arith.constant 0 : i32
      %dma_start3A_621 = tpu.memref_slice %arg6[%dma_start3A_620] : memref<20480xf32, #tpu.memory_space<vmem>> -> memref<10240xf32, #tpu.memory_space<vmem>>
      %dma_start3A_622 = arith.constant 0 : i32
      %dma_start3A_623 = tpu.memref_slice %arg2[%reduce_max3A_9, %dma_start3A_622] : memref<64x10240xf32, #tpu.memory_space<hbm>> -> memref<1x10240xf32, #tpu.memory_space<hbm>>
      %dma_start3A_624 = tpu.memref_squeeze %dma_start3A_623 : memref<1x10240xf32, #tpu.memory_space<hbm>> -> memref<10240xf32, #tpu.memory_space<hbm>>
      tpu.enqueue_dma source(%dma_start3A_624 : memref<10240xf32, #tpu.memory_space<hbm>>) target(%dma_start3A_621 : memref<10240xf32, #tpu.memory_space<vmem>>) target_semaphore(%run_scoped3A : memref<!tpu.dma_semaphore, #tpu.memory_space<semaphore_mem>>)
      %dma_wait3A = arith.constant 0 : i32
      %dma_wait3A_625 = tpu.memref_slice %arg6[%dma_wait3A] : memref<20480xf32, #tpu.memory_space<vmem>> -> memref<10240xf32, #tpu.memory_space<vmem>>
      %dma_wait3A_626 = arith.constant 0 : i32
      %dma_wait3A_627 = tpu.memref_slice %arg2[%reduce_max3A_9, %dma_wait3A_626] : memref<64x10240xf32, #tpu.memory_space<hbm>> -> memref<1x10240xf32, #tpu.memory_space<hbm>>
      %dma_wait3A_628 = tpu.memref_squeeze %dma_wait3A_627 : memref<1x10240xf32, #tpu.memory_space<hbm>> -> memref<10240xf32, #tpu.memory_space<hbm>>
      %dma_wait3A_629 = arith.constant 0 : i32
      %dma_wait3A_630 = tpu.memref_slice %arg6[%dma_wait3A_629] : memref<20480xf32, #tpu.memory_space<vmem>> -> memref<10240xf32, #tpu.memory_space<vmem>>
      %dma_wait3A_631 = arith.constant 0 : i32
      %dma_wait3A_632 = tpu.memref_slice %arg2[%reduce_max3A_9, %dma_wait3A_631] : memref<64x10240xf32, #tpu.memory_space<hbm>> -> memref<1x10240xf32, #tpu.memory_space<hbm>>
      %dma_wait3A_633 = tpu.memref_squeeze %dma_wait3A_632 : memref<1x10240xf32, #tpu.memory_space<hbm>> -> memref<10240xf32, #tpu.memory_space<hbm>>
      tpu.wait_dma2 semaphore(%run_scoped3A : memref<!tpu.dma_semaphore, #tpu.memory_space<semaphore_mem>>) src(%dma_wait3A_633 : memref<10240xf32, #tpu.memory_space<hbm>>) dst(%dma_wait3A_630 : memref<10240xf32, #tpu.memory_space<vmem>>)
      tpu.yield
    }) : () -> ()
    "tpu.region"() ({
      %run_scoped3A = tpu.sem_alloc : memref<!tpu.dma_semaphore, #tpu.memory_space<semaphore_mem>>
      %dma_start3A = arith.constant 10240 : i32
      %dma_start3A_616 = tpu.memref_slice %arg6[%dma_start3A] : memref<20480xf32, #tpu.memory_space<vmem>> -> memref<10240xf32, #tpu.memory_space<vmem>>
      %dma_start3A_617 = arith.constant 0 : i32
      %dma_start3A_618 = tpu.memref_slice %arg2[%reduce_max3A_23, %dma_start3A_617] : memref<64x10240xf32, #tpu.memory_space<hbm>> -> memref<1x10240xf32, #tpu.memory_space<hbm>>
      %dma_start3A_619 = tpu.memref_squeeze %dma_start3A_618 : memref<1x10240xf32, #tpu.memory_space<hbm>> -> memref<10240xf32, #tpu.memory_space<hbm>>
      %dma_start3A_620 = arith.constant 10240 : i32
      %dma_start3A_621 = tpu.memref_slice %arg6[%dma_start3A_620] : memref<20480xf32, #tpu.memory_space<vmem>> -> memref<10240xf32, #tpu.memory_space<vmem>>
      %dma_start3A_622 = arith.constant 0 : i32
      %dma_start3A_623 = tpu.memref_slice %arg2[%reduce_max3A_23, %dma_start3A_622] : memref<64x10240xf32, #tpu.memory_space<hbm>> -> memref<1x10240xf32, #tpu.memory_space<hbm>>
      %dma_start3A_624 = tpu.memref_squeeze %dma_start3A_623 : memref<1x10240xf32, #tpu.memory_space<hbm>> -> memref<10240xf32, #tpu.memory_space<hbm>>
      tpu.enqueue_dma source(%dma_start3A_624 : memref<10240xf32, #tpu.memory_space<hbm>>) target(%dma_start3A_621 : memref<10240xf32, #tpu.memory_space<vmem>>) target_semaphore(%run_scoped3A : memref<!tpu.dma_semaphore, #tpu.memory_space<semaphore_mem>>)
      %dma_wait3A = arith.constant 10240 : i32
      %dma_wait3A_625 = tpu.memref_slice %arg6[%dma_wait3A] : memref<20480xf32, #tpu.memory_space<vmem>> -> memref<10240xf32, #tpu.memory_space<vmem>>
      %dma_wait3A_626 = arith.constant 0 : i32
      %dma_wait3A_627 = tpu.memref_slice %arg2[%reduce_max3A_23, %dma_wait3A_626] : memref<64x10240xf32, #tpu.memory_space<hbm>> -> memref<1x10240xf32, #tpu.memory_space<hbm>>
      %dma_wait3A_628 = tpu.memref_squeeze %dma_wait3A_627 : memref<1x10240xf32, #tpu.memory_space<hbm>> -> memref<10240xf32, #tpu.memory_space<hbm>>
      %dma_wait3A_629 = arith.constant 10240 : i32
      %dma_wait3A_630 = tpu.memref_slice %arg6[%dma_wait3A_629] : memref<20480xf32, #tpu.memory_space<vmem>> -> memref<10240xf32, #tpu.memory_space<vmem>>
      %dma_wait3A_631 = arith.constant 0 : i32
      %dma_wait3A_632 = tpu.memref_slice %arg2[%reduce_max3A_23, %dma_wait3A_631] : memref<64x10240xf32, #tpu.memory_space<hbm>> -> memref<1x10240xf32, #tpu.memory_space<hbm>>
      %dma_wait3A_633 = tpu.memref_squeeze %dma_wait3A_632 : memref<1x10240xf32, #tpu.memory_space<hbm>> -> memref<10240xf32, #tpu.memory_space<hbm>>
      tpu.wait_dma2 semaphore(%run_scoped3A : memref<!tpu.dma_semaphore, #tpu.memory_space<semaphore_mem>>) src(%dma_wait3A_633 : memref<10240xf32, #tpu.memory_space<hbm>>) dst(%dma_wait3A_630 : memref<10240xf32, #tpu.memory_space<vmem>>)
      tpu.yield
    }) : () -> ()
    "tpu.region"() ({
      %run_scoped3A = tpu.sem_alloc : memref<!tpu.dma_semaphore, #tpu.memory_space<semaphore_mem>>
      %dma_start3A = arith.constant 0 : i32
      %dma_start3A_616 = tpu.memref_slice %arg7[%dma_start3A] : memref<1536xi32, #tpu.memory_space<vmem>> -> memref<640xi32, #tpu.memory_space<vmem>>
      %dma_start3A_617 = arith.constant 0 : i32
      %dma_start3A_618 = tpu.memref_slice %arg3[%reduce_max3A_9, %dma_start3A_617] : memref<64x640xi32, #tpu.memory_space<hbm>> -> memref<1x640xi32, #tpu.memory_space<hbm>>
      %dma_start3A_619 = tpu.memref_squeeze %dma_start3A_618 : memref<1x640xi32, #tpu.memory_space<hbm>> -> memref<640xi32, #tpu.memory_space<hbm>>
      %dma_start3A_620 = arith.constant 0 : i32
      %dma_start3A_621 = tpu.memref_slice %arg7[%dma_start3A_620] : memref<1536xi32, #tpu.memory_space<vmem>> -> memref<640xi32, #tpu.memory_space<vmem>>
      %dma_start3A_622 = arith.constant 0 : i32
      %dma_start3A_623 = tpu.memref_slice %arg3[%reduce_max3A_9, %dma_start3A_622] : memref<64x640xi32, #tpu.memory_space<hbm>> -> memref<1x640xi32, #tpu.memory_space<hbm>>
      %dma_start3A_624 = tpu.memref_squeeze %dma_start3A_623 : memref<1x640xi32, #tpu.memory_space<hbm>> -> memref<640xi32, #tpu.memory_space<hbm>>
      tpu.enqueue_dma source(%dma_start3A_624 : memref<640xi32, #tpu.memory_space<hbm>>) target(%dma_start3A_621 : memref<640xi32, #tpu.memory_space<vmem>>) target_semaphore(%run_scoped3A : memref<!tpu.dma_semaphore, #tpu.memory_space<semaphore_mem>>)
      %dma_wait3A = arith.constant 0 : i32
      %dma_wait3A_625 = tpu.memref_slice %arg7[%dma_wait3A] : memref<1536xi32, #tpu.memory_space<vmem>> -> memref<640xi32, #tpu.memory_space<vmem>>
      %dma_wait3A_626 = arith.constant 0 : i32
      %dma_wait3A_627 = tpu.memref_slice %arg3[%reduce_max3A_9, %dma_wait3A_626] : memref<64x640xi32, #tpu.memory_space<hbm>> -> memref<1x640xi32, #tpu.memory_space<hbm>>
      %dma_wait3A_628 = tpu.memref_squeeze %dma_wait3A_627 : memref<1x640xi32, #tpu.memory_space<hbm>> -> memref<640xi32, #tpu.memory_space<hbm>>
      %dma_wait3A_629 = arith.constant 0 : i32
      %dma_wait3A_630 = tpu.memref_slice %arg7[%dma_wait3A_629] : memref<1536xi32, #tpu.memory_space<vmem>> -> memref<640xi32, #tpu.memory_space<vmem>>
      %dma_wait3A_631 = arith.constant 0 : i32
      %dma_wait3A_632 = tpu.memref_slice %arg3[%reduce_max3A_9, %dma_wait3A_631] : memref<64x640xi32, #tpu.memory_space<hbm>> -> memref<1x640xi32, #tpu.memory_space<hbm>>
      %dma_wait3A_633 = tpu.memref_squeeze %dma_wait3A_632 : memref<1x640xi32, #tpu.memory_space<hbm>> -> memref<640xi32, #tpu.memory_space<hbm>>
      tpu.wait_dma2 semaphore(%run_scoped3A : memref<!tpu.dma_semaphore, #tpu.memory_space<semaphore_mem>>) src(%dma_wait3A_633 : memref<640xi32, #tpu.memory_space<hbm>>) dst(%dma_wait3A_630 : memref<640xi32, #tpu.memory_space<vmem>>)
      tpu.yield
    }) : () -> ()
    "tpu.region"() ({
      %run_scoped3A = tpu.sem_alloc : memref<!tpu.dma_semaphore, #tpu.memory_space<semaphore_mem>>
      %dma_start3A = arith.constant 768 : i32
      %dma_start3A_616 = tpu.memref_slice %arg7[%dma_start3A] : memref<1536xi32, #tpu.memory_space<vmem>> -> memref<640xi32, #tpu.memory_space<vmem>>
      %dma_start3A_617 = arith.constant 0 : i32
      %dma_start3A_618 = tpu.memref_slice %arg3[%reduce_max3A_23, %dma_start3A_617] : memref<64x640xi32, #tpu.memory_space<hbm>> -> memref<1x640xi32, #tpu.memory_space<hbm>>
      %dma_start3A_619 = tpu.memref_squeeze %dma_start3A_618 : memref<1x640xi32, #tpu.memory_space<hbm>> -> memref<640xi32, #tpu.memory_space<hbm>>
      %dma_start3A_620 = arith.constant 768 : i32
      %dma_start3A_621 = tpu.memref_slice %arg7[%dma_start3A_620] : memref<1536xi32, #tpu.memory_space<vmem>> -> memref<640xi32, #tpu.memory_space<vmem>>
      %dma_start3A_622 = arith.constant 0 : i32
      %dma_start3A_623 = tpu.memref_slice %arg3[%reduce_max3A_23, %dma_start3A_622] : memref<64x640xi32, #tpu.memory_space<hbm>> -> memref<1x640xi32, #tpu.memory_space<hbm>>
      %dma_start3A_624 = tpu.memref_squeeze %dma_start3A_623 : memref<1x640xi32, #tpu.memory_space<hbm>> -> memref<640xi32, #tpu.memory_space<hbm>>
      tpu.enqueue_dma source(%dma_start3A_624 : memref<640xi32, #tpu.memory_space<hbm>>) target(%dma_start3A_621 : memref<640xi32, #tpu.memory_space<vmem>>) target_semaphore(%run_scoped3A : memref<!tpu.dma_semaphore, #tpu.memory_space<semaphore_mem>>)
      %dma_wait3A = arith.constant 768 : i32
      %dma_wait3A_625 = tpu.memref_slice %arg7[%dma_wait3A] : memref<1536xi32, #tpu.memory_space<vmem>> -> memref<640xi32, #tpu.memory_space<vmem>>
      %dma_wait3A_626 = arith.constant 0 : i32
      %dma_wait3A_627 = tpu.memref_slice %arg3[%reduce_max3A_23, %dma_wait3A_626] : memref<64x640xi32, #tpu.memory_space<hbm>> -> memref<1x640xi32, #tpu.memory_space<hbm>>
      %dma_wait3A_628 = tpu.memref_squeeze %dma_wait3A_627 : memref<1x640xi32, #tpu.memory_space<hbm>> -> memref<640xi32, #tpu.memory_space<hbm>>
      %dma_wait3A_629 = arith.constant 768 : i32
      %dma_wait3A_630 = tpu.memref_slice %arg7[%dma_wait3A_629] : memref<1536xi32, #tpu.memory_space<vmem>> -> memref<640xi32, #tpu.memory_space<vmem>>
      %dma_wait3A_631 = arith.constant 0 : i32
      %dma_wait3A_632 = tpu.memref_slice %arg3[%reduce_max3A_23, %dma_wait3A_631] : memref<64x640xi32, #tpu.memory_space<hbm>> -> memref<1x640xi32, #tpu.memory_space<hbm>>
      %dma_wait3A_633 = tpu.memref_squeeze %dma_wait3A_632 : memref<1x640xi32, #tpu.memory_space<hbm>> -> memref<640xi32, #tpu.memory_space<hbm>>
      tpu.wait_dma2 semaphore(%run_scoped3A : memref<!tpu.dma_semaphore, #tpu.memory_space<semaphore_mem>>) src(%dma_wait3A_633 : memref<640xi32, #tpu.memory_space<hbm>>) dst(%dma_wait3A_630 : memref<640xi32, #tpu.memory_space<vmem>>)
      tpu.yield
    }) : () -> ()
    %iota3A = tpu.iota {dimensions = array<i32: 0>} : vector<16xi32>
    %mul3A_54 = arith.constant 5 : i32
    %mul3A_55 = vector.broadcast %mul3A_54 : i32 to vector<16xi32>
    %mul3A_56 = arith.muli %mul3A_55, %iota3A : vector<16xi32>
    %add3A_57 = arith.constant 4 : i32
    %add3A_58 = vector.broadcast %add3A_57 : i32 to vector<16xi32>
    %add3A_59 = arith.addi %mul3A_56, %add3A_58 : vector<16xi32>
    %broadcast_in_dim3A_60 = arith.constant 0.000000e+00 : f32
    %broadcast_in_dim3A_61 = vector.broadcast %broadcast_in_dim3A_60 : f32 to vector<16xf32>
    %scan3A = arith.constant 0 : i32
    %scan3A_62 = arith.constant 128 : i32
    %scan3A_63 = arith.addi %scan3A, %scan3A_62 : i32
    %scan3A_64 = arith.constant 1 : i32
    %scan3A_65 = scf.for %scan3A_616 = %scan3A to %scan3A_63 step %scan3A_64 iter_args(%scan3A_617 = %broadcast_in_dim3A_61) -> (vector<16xf32>)  : i32 {
      %mul3A_618 = arith.constant 80 : i32
      %mul3A_619 = arith.muli %mul3A_618, %scan3A_616 : i32
      %add3A_620 = arith.constant 0 : i32
      %add3A_621 = arith.addi %add3A_620, %mul3A_619 : i32
      %broadcast_in_dim3A_622 = vector.broadcast %add3A_621 : i32 to vector<16xi32>
      %add3A_623 = arith.addi %broadcast_in_dim3A_622, %add3A_59 : vector<16xi32>
      %gather3A_624 = tpu.vector_load_idx %arg6[%add3A_623] : memref<20480xf32, #tpu.memory_space<vmem>>[vector<16xi32>], vector<16xf32>,
      %add3A_625 = arith.addf %scan3A_617, %gather3A_624 : vector<16xf32>
      scf.yield %add3A_625 : vector<16xf32>
    }
    %scan3A_66 = arith.constant 128 : i32
    %reduce_sum3A = arith.constant true
    %reduce_sum3A_67 = vector.broadcast %reduce_sum3A : i1 to vector<16xi1>
    %reduce_sum3A_68 = tpu.scan <sum>, %scan3A_65 masked %reduce_sum3A_67 : vector<16xf32>, vector<16xi1> -> vector<16xf32>
    %reduce_sum3A_69 = vector.extract %reduce_sum3A_68[15] : f32 from vector<16xf32>
    %broadcast_in_dim3A_70 = arith.constant 0.000000e+00 : f32
    %broadcast_in_dim3A_71 = vector.broadcast %broadcast_in_dim3A_70 : f32 to vector<16xf32>
    %scan3A_72 = arith.constant 0 : i32
    %scan3A_73 = arith.constant 128 : i32
    %scan3A_74 = arith.addi %scan3A_72, %scan3A_73 : i32
    %scan3A_75 = arith.constant 1 : i32
    %scan3A_76 = scf.for %scan3A_616 = %scan3A_72 to %scan3A_74 step %scan3A_75 iter_args(%scan3A_617 = %broadcast_in_dim3A_71) -> (vector<16xf32>)  : i32 {
      %mul3A_618 = arith.constant 80 : i32
      %mul3A_619 = arith.muli %mul3A_618, %scan3A_616 : i32
      %add3A_620 = arith.constant 10240 : i32
      %add3A_621 = arith.addi %add3A_620, %mul3A_619 : i32
      %broadcast_in_dim3A_622 = vector.broadcast %add3A_621 : i32 to vector<16xi32>
      %add3A_623 = arith.addi %broadcast_in_dim3A_622, %add3A_59 : vector<16xi32>
      %gather3A_624 = tpu.vector_load_idx %arg6[%add3A_623] : memref<20480xf32, #tpu.memory_space<vmem>>[vector<16xi32>], vector<16xf32>,
      %add3A_625 = arith.addf %scan3A_617, %gather3A_624 : vector<16xf32>
      scf.yield %add3A_625 : vector<16xf32>
    }
    %scan3A_77 = arith.constant 128 : i32
    %reduce_sum3A_78 = arith.constant true
    %reduce_sum3A_79 = vector.broadcast %reduce_sum3A_78 : i1 to vector<16xi1>
    %reduce_sum3A_80 = tpu.scan <sum>, %scan3A_76 masked %reduce_sum3A_79 : vector<16xf32>, vector<16xi1> -> vector<16xf32>
    %reduce_sum3A_81 = vector.extract %reduce_sum3A_80[15] : f32 from vector<16xf32>
    %add3A_82 = arith.constant 0 : i32
    %add3A_83 = vector.broadcast %add3A_82 : i32 to vector<16xi32>
    %add3A_84 = arith.addi %iota3A, %add3A_83 : vector<16xi32>
    %ge3A = arith.constant 5 : i32
    %ge3A_85 = vector.broadcast %ge3A : i32 to vector<16xi32>
    %ge3A_86 = arith.cmpi sge, %add3A_84, %ge3A_85 : vector<16xi32>
    %convert_element_type3A = arith.extui %ge3A_86 : vector<16xi1> to vector<16xi32>
    %add3A_87 = arith.constant 0 : i32
    %add3A_88 = vector.broadcast %add3A_87 : i32 to vector<16xi32>
    %add3A_89 = arith.addi %add3A_88, %convert_element_type3A : vector<16xi32>
    %ge3A_90 = arith.constant 10 : i32
    %ge3A_91 = vector.broadcast %ge3A_90 : i32 to vector<16xi32>
    %ge3A_92 = arith.cmpi sge, %add3A_84, %ge3A_91 : vector<16xi32>
    %convert_element_type3A_93 = arith.extui %ge3A_92 : vector<16xi1> to vector<16xi32>
    %add3A_94 = arith.addi %add3A_89, %convert_element_type3A_93 : vector<16xi32>
    %ge3A_95 = arith.constant 15 : i32
    %ge3A_96 = vector.broadcast %ge3A_95 : i32 to vector<16xi32>
    %ge3A_97 = arith.cmpi sge, %add3A_84, %ge3A_96 : vector<16xi32>
    %convert_element_type3A_98 = arith.extui %ge3A_97 : vector<16xi1> to vector<16xi32>
    %add3A_99 = arith.addi %add3A_94, %convert_element_type3A_98 : vector<16xi32>
    %mul3A_100 = arith.constant 5 : i32
    %mul3A_101 = vector.broadcast %mul3A_100 : i32 to vector<16xi32>
    %mul3A_102 = arith.muli %add3A_99, %mul3A_101 : vector<16xi32>
    %add3A_103 = arith.constant 4 : i32
    %add3A_104 = vector.broadcast %add3A_103 : i32 to vector<16xi32>
    %add3A_105 = arith.addi %mul3A_102, %add3A_104 : vector<16xi32>
    %add3A_106 = arith.constant 1 : i32
    %add3A_107 = vector.broadcast %add3A_106 : i32 to vector<16xi32>
    %add3A_108 = arith.addi %iota3A, %add3A_107 : vector<16xi32>
    %ge3A_109 = arith.constant 5 : i32
    %ge3A_110 = vector.broadcast %ge3A_109 : i32 to vector<16xi32>
    %ge3A_111 = arith.cmpi sge, %add3A_108, %ge3A_110 : vector<16xi32>
    %convert_element_type3A_112 = arith.extui %ge3A_111 : vector<16xi1> to vector<16xi32>
    %add3A_113 = arith.constant 3 : i32
    %add3A_114 = vector.broadcast %add3A_113 : i32 to vector<16xi32>
    %add3A_115 = arith.addi %add3A_114, %convert_element_type3A_112 : vector<16xi32>
    %ge3A_116 = arith.constant 10 : i32
    %ge3A_117 = vector.broadcast %ge3A_116 : i32 to vector<16xi32>
    %ge3A_118 = arith.cmpi sge, %add3A_108, %ge3A_117 : vector<16xi32>
    %convert_element_type3A_119 = arith.extui %ge3A_118 : vector<16xi1> to vector<16xi32>
    %add3A_120 = arith.addi %add3A_115, %convert_element_type3A_119 : vector<16xi32>
    %ge3A_121 = arith.constant 15 : i32
    %ge3A_122 = vector.broadcast %ge3A_121 : i32 to vector<16xi32>
    %ge3A_123 = arith.cmpi sge, %add3A_108, %ge3A_122 : vector<16xi32>
    %convert_element_type3A_124 = arith.extui %ge3A_123 : vector<16xi1> to vector<16xi32>
    %add3A_125 = arith.addi %add3A_120, %convert_element_type3A_124 : vector<16xi32>
    %mul3A_126 = arith.constant 5 : i32
    %mul3A_127 = vector.broadcast %mul3A_126 : i32 to vector<16xi32>
    %mul3A_128 = arith.muli %add3A_125, %mul3A_127 : vector<16xi32>
    %add3A_129 = arith.constant 4 : i32
    %add3A_130 = vector.broadcast %add3A_129 : i32 to vector<16xi32>
    %add3A_131 = arith.addi %mul3A_128, %add3A_130 : vector<16xi32>
    %add3A_132 = arith.constant 2 : i32
    %add3A_133 = vector.broadcast %add3A_132 : i32 to vector<16xi32>
    %add3A_134 = arith.addi %iota3A, %add3A_133 : vector<16xi32>
    %ge3A_135 = arith.constant 5 : i32
    %ge3A_136 = vector.broadcast %ge3A_135 : i32 to vector<16xi32>
    %ge3A_137 = arith.cmpi sge, %add3A_134, %ge3A_136 : vector<16xi32>
    %convert_element_type3A_138 = arith.extui %ge3A_137 : vector<16xi1> to vector<16xi32>
    %add3A_139 = arith.constant 6 : i32
    %add3A_140 = vector.broadcast %add3A_139 : i32 to vector<16xi32>
    %add3A_141 = arith.addi %add3A_140, %convert_element_type3A_138 : vector<16xi32>
    %ge3A_142 = arith.constant 10 : i32
    %ge3A_143 = vector.broadcast %ge3A_142 : i32 to vector<16xi32>
    %ge3A_144 = arith.cmpi sge, %add3A_134, %ge3A_143 : vector<16xi32>
    %convert_element_type3A_145 = arith.extui %ge3A_144 : vector<16xi1> to vector<16xi32>
    %add3A_146 = arith.addi %add3A_141, %convert_element_type3A_145 : vector<16xi32>
    %ge3A_147 = arith.constant 15 : i32
    %ge3A_148 = vector.broadcast %ge3A_147 : i32 to vector<16xi32>
    %ge3A_149 = arith.cmpi sge, %add3A_134, %ge3A_148 : vector<16xi32>
    %convert_element_type3A_150 = arith.extui %ge3A_149 : vector<16xi1> to vector<16xi32>
    %add3A_151 = arith.addi %add3A_146, %convert_element_type3A_150 : vector<16xi32>
    %mul3A_152 = arith.constant 5 : i32
    %mul3A_153 = vector.broadcast %mul3A_152 : i32 to vector<16xi32>
    %mul3A_154 = arith.muli %add3A_151, %mul3A_153 : vector<16xi32>
    %add3A_155 = arith.constant 4 : i32
    %add3A_156 = vector.broadcast %add3A_155 : i32 to vector<16xi32>
    %add3A_157 = arith.addi %mul3A_154, %add3A_156 : vector<16xi32>
    %add3A_158 = arith.constant 3 : i32
    %add3A_159 = vector.broadcast %add3A_158 : i32 to vector<16xi32>
    %add3A_160 = arith.addi %iota3A, %add3A_159 : vector<16xi32>
    %ge3A_161 = arith.constant 5 : i32
    %ge3A_162 = vector.broadcast %ge3A_161 : i32 to vector<16xi32>
    %ge3A_163 = arith.cmpi sge, %add3A_160, %ge3A_162 : vector<16xi32>
    %convert_element_type3A_164 = arith.extui %ge3A_163 : vector<16xi1> to vector<16xi32>
    %add3A_165 = arith.constant 9 : i32
    %add3A_166 = vector.broadcast %add3A_165 : i32 to vector<16xi32>
    %add3A_167 = arith.addi %add3A_166, %convert_element_type3A_164 : vector<16xi32>
    %ge3A_168 = arith.constant 10 : i32
    %ge3A_169 = vector.broadcast %ge3A_168 : i32 to vector<16xi32>
    %ge3A_170 = arith.cmpi sge, %add3A_160, %ge3A_169 : vector<16xi32>
    %convert_element_type3A_171 = arith.extui %ge3A_170 : vector<16xi1> to vector<16xi32>
    %add3A_172 = arith.addi %add3A_167, %convert_element_type3A_171 : vector<16xi32>
    %ge3A_173 = arith.constant 15 : i32
    %ge3A_174 = vector.broadcast %ge3A_173 : i32 to vector<16xi32>
    %ge3A_175 = arith.cmpi sge, %add3A_160, %ge3A_174 : vector<16xi32>
    %convert_element_type3A_176 = arith.extui %ge3A_175 : vector<16xi1> to vector<16xi32>
    %add3A_177 = arith.addi %add3A_172, %convert_element_type3A_176 : vector<16xi32>
    %mul3A_178 = arith.constant 5 : i32
    %mul3A_179 = vector.broadcast %mul3A_178 : i32 to vector<16xi32>
    %mul3A_180 = arith.muli %add3A_177, %mul3A_179 : vector<16xi32>
    %add3A_181 = arith.constant 4 : i32
    %add3A_182 = vector.broadcast %add3A_181 : i32 to vector<16xi32>
    %add3A_183 = arith.addi %mul3A_180, %add3A_182 : vector<16xi32>
    %add3A_184 = arith.constant 4 : i32
    %add3A_185 = vector.broadcast %add3A_184 : i32 to vector<16xi32>
    %add3A_186 = arith.addi %iota3A, %add3A_185 : vector<16xi32>
    %ge3A_187 = arith.constant 5 : i32
    %ge3A_188 = vector.broadcast %ge3A_187 : i32 to vector<16xi32>
    %ge3A_189 = arith.cmpi sge, %add3A_186, %ge3A_188 : vector<16xi32>
    %convert_element_type3A_190 = arith.extui %ge3A_189 : vector<16xi1> to vector<16xi32>
    %add3A_191 = arith.constant 12 : i32
    %add3A_192 = vector.broadcast %add3A_191 : i32 to vector<16xi32>
    %add3A_193 = arith.addi %add3A_192, %convert_element_type3A_190 : vector<16xi32>
    %ge3A_194 = arith.constant 10 : i32
    %ge3A_195 = vector.broadcast %ge3A_194 : i32 to vector<16xi32>
    %ge3A_196 = arith.cmpi sge, %add3A_186, %ge3A_195 : vector<16xi32>
    %convert_element_type3A_197 = arith.extui %ge3A_196 : vector<16xi1> to vector<16xi32>
    %add3A_198 = arith.addi %add3A_193, %convert_element_type3A_197 : vector<16xi32>
    %ge3A_199 = arith.constant 15 : i32
    %ge3A_200 = vector.broadcast %ge3A_199 : i32 to vector<16xi32>
    %ge3A_201 = arith.cmpi sge, %add3A_186, %ge3A_200 : vector<16xi32>
    %convert_element_type3A_202 = arith.extui %ge3A_201 : vector<16xi1> to vector<16xi32>
    %add3A_203 = arith.addi %add3A_198, %convert_element_type3A_202 : vector<16xi32>
    %mul3A_204 = arith.constant 5 : i32
    %mul3A_205 = vector.broadcast %mul3A_204 : i32 to vector<16xi32>
    %mul3A_206 = arith.muli %add3A_203, %mul3A_205 : vector<16xi32>
    %add3A_207 = arith.constant 4 : i32
    %add3A_208 = vector.broadcast %add3A_207 : i32 to vector<16xi32>
    %add3A_209 = arith.addi %mul3A_206, %add3A_208 : vector<16xi32>
    %parallel_loop3A = arith.constant 0 : i32
    %parallel_loop3A_210 = arith.constant 20480 : i32
    %parallel_loop3A_211 = arith.constant 80 : i32
    scf.for %parallel_loop3A_616 = %parallel_loop3A to %parallel_loop3A_210 step %parallel_loop3A_211  : i32 {
      %parallel_loop3A_617 = vector.broadcast %parallel_loop3A_616 : i32 to vector<16xi32>
      %parallel_loop3A_618 = arith.constant 0 : i32
      %parallel_loop3A_619 = arith.addi %parallel_loop3A_616, %parallel_loop3A_618 : i32
      %parallel_loop3A_620 = arith.index_cast %parallel_loop3A_619 : i32 to index
      %parallel_loop3A_621 = tpu.vector_load %arg6[%parallel_loop3A_620] {strides = array<i32>} : memref<20480xf32, #tpu.memory_space<vmem>>, vector<16xf32>,
      %parallel_loop3A_622 = arith.constant 16 : i32
      %parallel_loop3A_623 = arith.addi %parallel_loop3A_616, %parallel_loop3A_622 : i32
      %parallel_loop3A_624 = arith.index_cast %parallel_loop3A_623 : i32 to index
      %parallel_loop3A_625 = tpu.vector_load %arg6[%parallel_loop3A_624] {strides = array<i32>} : memref<20480xf32, #tpu.memory_space<vmem>>, vector<16xf32>,
      %parallel_loop3A_626 = arith.constant 32 : i32
      %parallel_loop3A_627 = arith.addi %parallel_loop3A_616, %parallel_loop3A_626 : i32
      %parallel_loop3A_628 = arith.index_cast %parallel_loop3A_627 : i32 to index
      %parallel_loop3A_629 = tpu.vector_load %arg6[%parallel_loop3A_628] {strides = array<i32>} : memref<20480xf32, #tpu.memory_space<vmem>>, vector<16xf32>,
      %parallel_loop3A_630 = arith.constant 48 : i32
      %parallel_loop3A_631 = arith.addi %parallel_loop3A_616, %parallel_loop3A_630 : i32
      %parallel_loop3A_632 = arith.index_cast %parallel_loop3A_631 : i32 to index
      %parallel_loop3A_633 = tpu.vector_load %arg6[%parallel_loop3A_632] {strides = array<i32>} : memref<20480xf32, #tpu.memory_space<vmem>>, vector<16xf32>,
      %parallel_loop3A_634 = arith.constant 64 : i32
      %parallel_loop3A_635 = arith.addi %parallel_loop3A_616, %parallel_loop3A_634 : i32
      %parallel_loop3A_636 = arith.index_cast %parallel_loop3A_635 : i32 to index
      %parallel_loop3A_637 = tpu.vector_load %arg6[%parallel_loop3A_636] {strides = array<i32>} : memref<20480xf32, #tpu.memory_space<vmem>>, vector<16xf32>,
      %parallel_loop3A_638 = arith.addi %parallel_loop3A_617, %add3A_105 : vector<16xi32>
      %parallel_loop3A_639 = tpu.vector_load_idx %arg6[%parallel_loop3A_638] : memref<20480xf32, #tpu.memory_space<vmem>>[vector<16xi32>], vector<16xf32>,
      %parallel_loop3A_640 = arith.addi %parallel_loop3A_617, %add3A_131 : vector<16xi32>
      %parallel_loop3A_641 = tpu.vector_load_idx %arg6[%parallel_loop3A_640] : memref<20480xf32, #tpu.memory_space<vmem>>[vector<16xi32>], vector<16xf32>,
      %parallel_loop3A_642 = arith.addi %parallel_loop3A_617, %add3A_157 : vector<16xi32>
      %parallel_loop3A_643 = tpu.vector_load_idx %arg6[%parallel_loop3A_642] : memref<20480xf32, #tpu.memory_space<vmem>>[vector<16xi32>], vector<16xf32>,
      %parallel_loop3A_644 = arith.addi %parallel_loop3A_617, %add3A_183 : vector<16xi32>
      %parallel_loop3A_645 = tpu.vector_load_idx %arg6[%parallel_loop3A_644] : memref<20480xf32, #tpu.memory_space<vmem>>[vector<16xi32>], vector<16xf32>,
      %parallel_loop3A_646 = arith.addi %parallel_loop3A_617, %add3A_209 : vector<16xi32>
      %parallel_loop3A_647 = tpu.vector_load_idx %arg6[%parallel_loop3A_646] : memref<20480xf32, #tpu.memory_space<vmem>>[vector<16xi32>], vector<16xf32>,
      %parallel_loop3A_648 = arith.subf %parallel_loop3A_621, %parallel_loop3A_639 : vector<16xf32>
      %parallel_loop3A_649 = arith.constant 0 : i32
      %parallel_loop3A_650 = arith.addi %parallel_loop3A_616, %parallel_loop3A_649 : i32
      %parallel_loop3A_651 = arith.index_cast %parallel_loop3A_650 : i32 to index
      %parallel_loop3A_652 = tpu.vector_load %arg6[%parallel_loop3A_651] {strides = array<i32>} : memref<20480xf32, #tpu.memory_space<vmem>>, vector<16xf32>,
      tpu.vector_store %arg6[%parallel_loop3A_651], %parallel_loop3A_648 {strides = array<i32>} : memref<20480xf32, #tpu.memory_space<vmem>>, vector<16xf32>,
      %parallel_loop3A_653 = arith.subf %parallel_loop3A_625, %parallel_loop3A_641 : vector<16xf32>
      %parallel_loop3A_654 = arith.constant 16 : i32
      %parallel_loop3A_655 = arith.addi %parallel_loop3A_616, %parallel_loop3A_654 : i32
      %parallel_loop3A_656 = arith.index_cast %parallel_loop3A_655 : i32 to index
      %parallel_loop3A_657 = tpu.vector_load %arg6[%parallel_loop3A_656] {strides = array<i32>} : memref<20480xf32, #tpu.memory_space<vmem>>, vector<16xf32>,
      tpu.vector_store %arg6[%parallel_loop3A_656], %parallel_loop3A_653 {strides = array<i32>} : memref<20480xf32, #tpu.memory_space<vmem>>, vector<16xf32>,
      %parallel_loop3A_658 = arith.subf %parallel_loop3A_629, %parallel_loop3A_643 : vector<16xf32>
      %parallel_loop3A_659 = arith.constant 32 : i32
      %parallel_loop3A_660 = arith.addi %parallel_loop3A_616, %parallel_loop3A_659 : i32
      %parallel_loop3A_661 = arith.index_cast %parallel_loop3A_660 : i32 to index
      %parallel_loop3A_662 = tpu.vector_load %arg6[%parallel_loop3A_661] {strides = array<i32>} : memref<20480xf32, #tpu.memory_space<vmem>>, vector<16xf32>,
      tpu.vector_store %arg6[%parallel_loop3A_661], %parallel_loop3A_658 {strides = array<i32>} : memref<20480xf32, #tpu.memory_space<vmem>>, vector<16xf32>,
      %parallel_loop3A_663 = arith.subf %parallel_loop3A_633, %parallel_loop3A_645 : vector<16xf32>
      %parallel_loop3A_664 = arith.constant 48 : i32
      %parallel_loop3A_665 = arith.addi %parallel_loop3A_616, %parallel_loop3A_664 : i32
      %parallel_loop3A_666 = arith.index_cast %parallel_loop3A_665 : i32 to index
      %parallel_loop3A_667 = tpu.vector_load %arg6[%parallel_loop3A_666] {strides = array<i32>} : memref<20480xf32, #tpu.memory_space<vmem>>, vector<16xf32>,
      tpu.vector_store %arg6[%parallel_loop3A_666], %parallel_loop3A_663 {strides = array<i32>} : memref<20480xf32, #tpu.memory_space<vmem>>, vector<16xf32>,
      %parallel_loop3A_668 = arith.subf %parallel_loop3A_637, %parallel_loop3A_647 : vector<16xf32>
      %parallel_loop3A_669 = arith.constant 64 : i32
      %parallel_loop3A_670 = arith.addi %parallel_loop3A_616, %parallel_loop3A_669 : i32
      %parallel_loop3A_671 = arith.index_cast %parallel_loop3A_670 : i32 to index
      %parallel_loop3A_672 = tpu.vector_load %arg6[%parallel_loop3A_671] {strides = array<i32>} : memref<20480xf32, #tpu.memory_space<vmem>>, vector<16xf32>,
      tpu.vector_store %arg6[%parallel_loop3A_671], %parallel_loop3A_668 {strides = array<i32>} : memref<20480xf32, #tpu.memory_space<vmem>>, vector<16xf32>,
    } {sc.loop_unroll_factor = 2 : i64, sc.parallel_access}
    %broadcast_in_dim3A_212 = arith.constant -1.000000e+30 : f32
    %broadcast_in_dim3A_213 = vector.broadcast %broadcast_in_dim3A_212 : f32 to vector<16xf32>
    %swap3A = arith.constant 0 : index
    %swap3A_214 = tpu.vector_load %arg8[%swap3A] {strides = array<i32>} : memref<1536xf32, #tpu.memory_space<vmem>>, vector<16xf32>,
    tpu.vector_store %arg8[%swap3A], %broadcast_in_dim3A_213 {strides = array<i32>} : memref<1536xf32, #tpu.memory_space<vmem>>, vector<16xf32>,
    %swap3A_215 = arith.constant 0 : index
    %swap3A_216 = tpu.vector_load %arg9[%swap3A_215] {strides = array<i32>} : memref<1536xf32, #tpu.memory_space<vmem>>, vector<16xf32>,
    tpu.vector_store %arg9[%swap3A_215], %broadcast_in_dim3A_213 {strides = array<i32>} : memref<1536xf32, #tpu.memory_space<vmem>>, vector<16xf32>,
    %swap3A_217 = arith.constant 16 : index
    %swap3A_218 = tpu.vector_load %arg8[%swap3A_217] {strides = array<i32>} : memref<1536xf32, #tpu.memory_space<vmem>>, vector<16xf32>,
    tpu.vector_store %arg8[%swap3A_217], %broadcast_in_dim3A_213 {strides = array<i32>} : memref<1536xf32, #tpu.memory_space<vmem>>, vector<16xf32>,
    %swap3A_219 = arith.constant 16 : index
    %swap3A_220 = tpu.vector_load %arg9[%swap3A_219] {strides = array<i32>} : memref<1536xf32, #tpu.memory_space<vmem>>, vector<16xf32>,
    tpu.vector_store %arg9[%swap3A_219], %broadcast_in_dim3A_213 {strides = array<i32>} : memref<1536xf32, #tpu.memory_space<vmem>>, vector<16xf32>,
    %swap3A_221 = arith.constant 32 : index
    %swap3A_222 = tpu.vector_load %arg8[%swap3A_221] {strides = array<i32>} : memref<1536xf32, #tpu.memory_space<vmem>>, vector<16xf32>,
    tpu.vector_store %arg8[%swap3A_221], %broadcast_in_dim3A_213 {strides = array<i32>} : memref<1536xf32, #tpu.memory_space<vmem>>, vector<16xf32>,
    %swap3A_223 = arith.constant 32 : index
    %swap3A_224 = tpu.vector_load %arg9[%swap3A_223] {strides = array<i32>} : memref<1536xf32, #tpu.memory_space<vmem>>, vector<16xf32>,
    tpu.vector_store %arg9[%swap3A_223], %broadcast_in_dim3A_213 {strides = array<i32>} : memref<1536xf32, #tpu.memory_space<vmem>>, vector<16xf32>,
    %swap3A_225 = arith.constant 48 : index
    %swap3A_226 = tpu.vector_load %arg8[%swap3A_225] {strides = array<i32>} : memref<1536xf32, #tpu.memory_space<vmem>>, vector<16xf32>,
    tpu.vector_store %arg8[%swap3A_225], %broadcast_in_dim3A_213 {strides = array<i32>} : memref<1536xf32, #tpu.memory_space<vmem>>, vector<16xf32>,
    %swap3A_227 = arith.constant 48 : index
    %swap3A_228 = tpu.vector_load %arg9[%swap3A_227] {strides = array<i32>} : memref<1536xf32, #tpu.memory_space<vmem>>, vector<16xf32>,
    tpu.vector_store %arg9[%swap3A_227], %broadcast_in_dim3A_213 {strides = array<i32>} : memref<1536xf32, #tpu.memory_space<vmem>>, vector<16xf32>,
    %swap3A_229 = arith.constant 64 : index
    %swap3A_230 = tpu.vector_load %arg8[%swap3A_229] {strides = array<i32>} : memref<1536xf32, #tpu.memory_space<vmem>>, vector<16xf32>,
    tpu.vector_store %arg8[%swap3A_229], %broadcast_in_dim3A_213 {strides = array<i32>} : memref<1536xf32, #tpu.memory_space<vmem>>, vector<16xf32>,
    %swap3A_231 = arith.constant 64 : index
    %swap3A_232 = tpu.vector_load %arg9[%swap3A_231] {strides = array<i32>} : memref<1536xf32, #tpu.memory_space<vmem>>, vector<16xf32>,
    tpu.vector_store %arg9[%swap3A_231], %broadcast_in_dim3A_213 {strides = array<i32>} : memref<1536xf32, #tpu.memory_space<vmem>>, vector<16xf32>,
    %swap3A_233 = arith.constant 80 : index
    %swap3A_234 = tpu.vector_load %arg8[%swap3A_233] {strides = array<i32>} : memref<1536xf32, #tpu.memory_space<vmem>>, vector<16xf32>,
    tpu.vector_store %arg8[%swap3A_233], %broadcast_in_dim3A_213 {strides = array<i32>} : memref<1536xf32, #tpu.memory_space<vmem>>, vector<16xf32>,
    %swap3A_235 = arith.constant 80 : index
    %swap3A_236 = tpu.vector_load %arg9[%swap3A_235] {strides = array<i32>} : memref<1536xf32, #tpu.memory_space<vmem>>, vector<16xf32>,
    tpu.vector_store %arg9[%swap3A_235], %broadcast_in_dim3A_213 {strides = array<i32>} : memref<1536xf32, #tpu.memory_space<vmem>>, vector<16xf32>,
    %swap3A_237 = arith.constant 96 : index
    %swap3A_238 = tpu.vector_load %arg8[%swap3A_237] {strides = array<i32>} : memref<1536xf32, #tpu.memory_space<vmem>>, vector<16xf32>,
    tpu.vector_store %arg8[%swap3A_237], %broadcast_in_dim3A_213 {strides = array<i32>} : memref<1536xf32, #tpu.memory_space<vmem>>, vector<16xf32>,
    %swap3A_239 = arith.constant 96 : index
    %swap3A_240 = tpu.vector_load %arg9[%swap3A_239] {strides = array<i32>} : memref<1536xf32, #tpu.memory_space<vmem>>, vector<16xf32>,
    tpu.vector_store %arg9[%swap3A_239], %broadcast_in_dim3A_213 {strides = array<i32>} : memref<1536xf32, #tpu.memory_space<vmem>>, vector<16xf32>,
    %swap3A_241 = arith.constant 112 : index
    %swap3A_242 = tpu.vector_load %arg8[%swap3A_241] {strides = array<i32>} : memref<1536xf32, #tpu.memory_space<vmem>>, vector<16xf32>,
    tpu.vector_store %arg8[%swap3A_241], %broadcast_in_dim3A_213 {strides = array<i32>} : memref<1536xf32, #tpu.memory_space<vmem>>, vector<16xf32>,
    %swap3A_243 = arith.constant 112 : index
    %swap3A_244 = tpu.vector_load %arg9[%swap3A_243] {strides = array<i32>} : memref<1536xf32, #tpu.memory_space<vmem>>, vector<16xf32>,
    tpu.vector_store %arg9[%swap3A_243], %broadcast_in_dim3A_213 {strides = array<i32>} : memref<1536xf32, #tpu.memory_space<vmem>>, vector<16xf32>,
    %swap3A_245 = arith.constant 128 : index
    %swap3A_246 = tpu.vector_load %arg8[%swap3A_245] {strides = array<i32>} : memref<1536xf32, #tpu.memory_space<vmem>>, vector<16xf32>,
    tpu.vector_store %arg8[%swap3A_245], %broadcast_in_dim3A_213 {strides = array<i32>} : memref<1536xf32, #tpu.memory_space<vmem>>, vector<16xf32>,
    %swap3A_247 = arith.constant 128 : index
    %swap3A_248 = tpu.vector_load %arg9[%swap3A_247] {strides = array<i32>} : memref<1536xf32, #tpu.memory_space<vmem>>, vector<16xf32>,
    tpu.vector_store %arg9[%swap3A_247], %broadcast_in_dim3A_213 {strides = array<i32>} : memref<1536xf32, #tpu.memory_space<vmem>>, vector<16xf32>,
    %swap3A_249 = arith.constant 144 : index
    %swap3A_250 = tpu.vector_load %arg8[%swap3A_249] {strides = array<i32>} : memref<1536xf32, #tpu.memory_space<vmem>>, vector<16xf32>,
    tpu.vector_store %arg8[%swap3A_249], %broadcast_in_dim3A_213 {strides = array<i32>} : memref<1536xf32, #tpu.memory_space<vmem>>, vector<16xf32>,
    %swap3A_251 = arith.constant 144 : index
    %swap3A_252 = tpu.vector_load %arg9[%swap3A_251] {strides = array<i32>} : memref<1536xf32, #tpu.memory_space<vmem>>, vector<16xf32>,
    tpu.vector_store %arg9[%swap3A_251], %broadcast_in_dim3A_213 {strides = array<i32>} : memref<1536xf32, #tpu.memory_space<vmem>>, vector<16xf32>,
    %swap3A_253 = arith.constant 160 : index
    %swap3A_254 = tpu.vector_load %arg8[%swap3A_253] {strides = array<i32>} : memref<1536xf32, #tpu.memory_space<vmem>>, vector<16xf32>,
    tpu.vector_store %arg8[%swap3A_253], %broadcast_in_dim3A_213 {strides = array<i32>} : memref<1536xf32, #tpu.memory_space<vmem>>, vector<16xf32>,
    %swap3A_255 = arith.constant 160 : index
    %swap3A_256 = tpu.vector_load %arg9[%swap3A_255] {strides = array<i32>} : memref<1536xf32, #tpu.memory_space<vmem>>, vector<16xf32>,
    tpu.vector_store %arg9[%swap3A_255], %broadcast_in_dim3A_213 {strides = array<i32>} : memref<1536xf32, #tpu.memory_space<vmem>>, vector<16xf32>,
    %swap3A_257 = arith.constant 176 : index
    %swap3A_258 = tpu.vector_load %arg8[%swap3A_257] {strides = array<i32>} : memref<1536xf32, #tpu.memory_space<vmem>>, vector<16xf32>,
    tpu.vector_store %arg8[%swap3A_257], %broadcast_in_dim3A_213 {strides = array<i32>} : memref<1536xf32, #tpu.memory_space<vmem>>, vector<16xf32>,
    %swap3A_259 = arith.constant 176 : index
    %swap3A_260 = tpu.vector_load %arg9[%swap3A_259] {strides = array<i32>} : memref<1536xf32, #tpu.memory_space<vmem>>, vector<16xf32>,
    tpu.vector_store %arg9[%swap3A_259], %broadcast_in_dim3A_213 {strides = array<i32>} : memref<1536xf32, #tpu.memory_space<vmem>>, vector<16xf32>,
    %swap3A_261 = arith.constant 192 : index
    %swap3A_262 = tpu.vector_load %arg8[%swap3A_261] {strides = array<i32>} : memref<1536xf32, #tpu.memory_space<vmem>>, vector<16xf32>,
    tpu.vector_store %arg8[%swap3A_261], %broadcast_in_dim3A_213 {strides = array<i32>} : memref<1536xf32, #tpu.memory_space<vmem>>, vector<16xf32>,
    %swap3A_263 = arith.constant 192 : index
    %swap3A_264 = tpu.vector_load %arg9[%swap3A_263] {strides = array<i32>} : memref<1536xf32, #tpu.memory_space<vmem>>, vector<16xf32>,
    tpu.vector_store %arg9[%swap3A_263], %broadcast_in_dim3A_213 {strides = array<i32>} : memref<1536xf32, #tpu.memory_space<vmem>>, vector<16xf32>,
    %swap3A_265 = arith.constant 208 : index
    %swap3A_266 = tpu.vector_load %arg8[%swap3A_265] {strides = array<i32>} : memref<1536xf32, #tpu.memory_space<vmem>>, vector<16xf32>,
    tpu.vector_store %arg8[%swap3A_265], %broadcast_in_dim3A_213 {strides = array<i32>} : memref<1536xf32, #tpu.memory_space<vmem>>, vector<16xf32>,
    %swap3A_267 = arith.constant 208 : index
    %swap3A_268 = tpu.vector_load %arg9[%swap3A_267] {strides = array<i32>} : memref<1536xf32, #tpu.memory_space<vmem>>, vector<16xf32>,
    tpu.vector_store %arg9[%swap3A_267], %broadcast_in_dim3A_213 {strides = array<i32>} : memref<1536xf32, #tpu.memory_space<vmem>>, vector<16xf32>,
    %swap3A_269 = arith.constant 224 : index
    %swap3A_270 = tpu.vector_load %arg8[%swap3A_269] {strides = array<i32>} : memref<1536xf32, #tpu.memory_space<vmem>>, vector<16xf32>,
    tpu.vector_store %arg8[%swap3A_269], %broadcast_in_dim3A_213 {strides = array<i32>} : memref<1536xf32, #tpu.memory_space<vmem>>, vector<16xf32>,
    %swap3A_271 = arith.constant 224 : index
    %swap3A_272 = tpu.vector_load %arg9[%swap3A_271] {strides = array<i32>} : memref<1536xf32, #tpu.memory_space<vmem>>, vector<16xf32>,
    tpu.vector_store %arg9[%swap3A_271], %broadcast_in_dim3A_213 {strides = array<i32>} : memref<1536xf32, #tpu.memory_space<vmem>>, vector<16xf32>,
    %swap3A_273 = arith.constant 240 : index
    %swap3A_274 = tpu.vector_load %arg8[%swap3A_273] {strides = array<i32>} : memref<1536xf32, #tpu.memory_space<vmem>>, vector<16xf32>,
    tpu.vector_store %arg8[%swap3A_273], %broadcast_in_dim3A_213 {strides = array<i32>} : memref<1536xf32, #tpu.memory_space<vmem>>, vector<16xf32>,
    %swap3A_275 = arith.constant 240 : index
    %swap3A_276 = tpu.vector_load %arg9[%swap3A_275] {strides = array<i32>} : memref<1536xf32, #tpu.memory_space<vmem>>, vector<16xf32>,
    tpu.vector_store %arg9[%swap3A_275], %broadcast_in_dim3A_213 {strides = array<i32>} : memref<1536xf32, #tpu.memory_space<vmem>>, vector<16xf32>,
    %swap3A_277 = arith.constant 256 : index
    %swap3A_278 = tpu.vector_load %arg8[%swap3A_277] {strides = array<i32>} : memref<1536xf32, #tpu.memory_space<vmem>>, vector<16xf32>,
    tpu.vector_store %arg8[%swap3A_277], %broadcast_in_dim3A_213 {strides = array<i32>} : memref<1536xf32, #tpu.memory_space<vmem>>, vector<16xf32>,
    %swap3A_279 = arith.constant 256 : index
    %swap3A_280 = tpu.vector_load %arg9[%swap3A_279] {strides = array<i32>} : memref<1536xf32, #tpu.memory_space<vmem>>, vector<16xf32>,
    tpu.vector_store %arg9[%swap3A_279], %broadcast_in_dim3A_213 {strides = array<i32>} : memref<1536xf32, #tpu.memory_space<vmem>>, vector<16xf32>,
    %swap3A_281 = arith.constant 272 : index
    %swap3A_282 = tpu.vector_load %arg8[%swap3A_281] {strides = array<i32>} : memref<1536xf32, #tpu.memory_space<vmem>>, vector<16xf32>,
    tpu.vector_store %arg8[%swap3A_281], %broadcast_in_dim3A_213 {strides = array<i32>} : memref<1536xf32, #tpu.memory_space<vmem>>, vector<16xf32>,
    %swap3A_283 = arith.constant 272 : index
    %swap3A_284 = tpu.vector_load %arg9[%swap3A_283] {strides = array<i32>} : memref<1536xf32, #tpu.memory_space<vmem>>, vector<16xf32>,
    tpu.vector_store %arg9[%swap3A_283], %broadcast_in_dim3A_213 {strides = array<i32>} : memref<1536xf32, #tpu.memory_space<vmem>>, vector<16xf32>,
    %swap3A_285 = arith.constant 288 : index
    %swap3A_286 = tpu.vector_load %arg8[%swap3A_285] {strides = array<i32>} : memref<1536xf32, #tpu.memory_space<vmem>>, vector<16xf32>,
    tpu.vector_store %arg8[%swap3A_285], %broadcast_in_dim3A_213 {strides = array<i32>} : memref<1536xf32, #tpu.memory_space<vmem>>, vector<16xf32>,
    %swap3A_287 = arith.constant 288 : index
    %swap3A_288 = tpu.vector_load %arg9[%swap3A_287] {strides = array<i32>} : memref<1536xf32, #tpu.memory_space<vmem>>, vector<16xf32>,
    tpu.vector_store %arg9[%swap3A_287], %broadcast_in_dim3A_213 {strides = array<i32>} : memref<1536xf32, #tpu.memory_space<vmem>>, vector<16xf32>,
    %swap3A_289 = arith.constant 304 : index
    %swap3A_290 = tpu.vector_load %arg8[%swap3A_289] {strides = array<i32>} : memref<1536xf32, #tpu.memory_space<vmem>>, vector<16xf32>,
    tpu.vector_store %arg8[%swap3A_289], %broadcast_in_dim3A_213 {strides = array<i32>} : memref<1536xf32, #tpu.memory_space<vmem>>, vector<16xf32>,
    %swap3A_291 = arith.constant 304 : index
    %swap3A_292 = tpu.vector_load %arg9[%swap3A_291] {strides = array<i32>} : memref<1536xf32, #tpu.memory_space<vmem>>, vector<16xf32>,
    tpu.vector_store %arg9[%swap3A_291], %broadcast_in_dim3A_213 {strides = array<i32>} : memref<1536xf32, #tpu.memory_space<vmem>>, vector<16xf32>,
    %swap3A_293 = arith.constant 320 : index
    %swap3A_294 = tpu.vector_load %arg8[%swap3A_293] {strides = array<i32>} : memref<1536xf32, #tpu.memory_space<vmem>>, vector<16xf32>,
    tpu.vector_store %arg8[%swap3A_293], %broadcast_in_dim3A_213 {strides = array<i32>} : memref<1536xf32, #tpu.memory_space<vmem>>, vector<16xf32>,
    %swap3A_295 = arith.constant 320 : index
    %swap3A_296 = tpu.vector_load %arg9[%swap3A_295] {strides = array<i32>} : memref<1536xf32, #tpu.memory_space<vmem>>, vector<16xf32>,
    tpu.vector_store %arg9[%swap3A_295], %broadcast_in_dim3A_213 {strides = array<i32>} : memref<1536xf32, #tpu.memory_space<vmem>>, vector<16xf32>,
    %swap3A_297 = arith.constant 336 : index
    %swap3A_298 = tpu.vector_load %arg8[%swap3A_297] {strides = array<i32>} : memref<1536xf32, #tpu.memory_space<vmem>>, vector<16xf32>,
    tpu.vector_store %arg8[%swap3A_297], %broadcast_in_dim3A_213 {strides = array<i32>} : memref<1536xf32, #tpu.memory_space<vmem>>, vector<16xf32>,
    %swap3A_299 = arith.constant 336 : index
    %swap3A_300 = tpu.vector_load %arg9[%swap3A_299] {strides = array<i32>} : memref<1536xf32, #tpu.memory_space<vmem>>, vector<16xf32>,
    tpu.vector_store %arg9[%swap3A_299], %broadcast_in_dim3A_213 {strides = array<i32>} : memref<1536xf32, #tpu.memory_space<vmem>>, vector<16xf32>,
    %swap3A_301 = arith.constant 352 : index
    %swap3A_302 = tpu.vector_load %arg8[%swap3A_301] {strides = array<i32>} : memref<1536xf32, #tpu.memory_space<vmem>>, vector<16xf32>,
    tpu.vector_store %arg8[%swap3A_301], %broadcast_in_dim3A_213 {strides = array<i32>} : memref<1536xf32, #tpu.memory_space<vmem>>, vector<16xf32>,
    %swap3A_303 = arith.constant 352 : index
    %swap3A_304 = tpu.vector_load %arg9[%swap3A_303] {strides = array<i32>} : memref<1536xf32, #tpu.memory_space<vmem>>, vector<16xf32>,
    tpu.vector_store %arg9[%swap3A_303], %broadcast_in_dim3A_213 {strides = array<i32>} : memref<1536xf32, #tpu.memory_space<vmem>>, vector<16xf32>,
    %swap3A_305 = arith.constant 368 : index
    %swap3A_306 = tpu.vector_load %arg8[%swap3A_305] {strides = array<i32>} : memref<1536xf32, #tpu.memory_space<vmem>>, vector<16xf32>,
    tpu.vector_store %arg8[%swap3A_305], %broadcast_in_dim3A_213 {strides = array<i32>} : memref<1536xf32, #tpu.memory_space<vmem>>, vector<16xf32>,
    %swap3A_307 = arith.constant 368 : index
    %swap3A_308 = tpu.vector_load %arg9[%swap3A_307] {strides = array<i32>} : memref<1536xf32, #tpu.memory_space<vmem>>, vector<16xf32>,
    tpu.vector_store %arg9[%swap3A_307], %broadcast_in_dim3A_213 {strides = array<i32>} : memref<1536xf32, #tpu.memory_space<vmem>>, vector<16xf32>,
    %swap3A_309 = arith.constant 384 : index
    %swap3A_310 = tpu.vector_load %arg8[%swap3A_309] {strides = array<i32>} : memref<1536xf32, #tpu.memory_space<vmem>>, vector<16xf32>,
    tpu.vector_store %arg8[%swap3A_309], %broadcast_in_dim3A_213 {strides = array<i32>} : memref<1536xf32, #tpu.memory_space<vmem>>, vector<16xf32>,
    %swap3A_311 = arith.constant 384 : index
    %swap3A_312 = tpu.vector_load %arg9[%swap3A_311] {strides = array<i32>} : memref<1536xf32, #tpu.memory_space<vmem>>, vector<16xf32>,
    tpu.vector_store %arg9[%swap3A_311], %broadcast_in_dim3A_213 {strides = array<i32>} : memref<1536xf32, #tpu.memory_space<vmem>>, vector<16xf32>,
    %swap3A_313 = arith.constant 400 : index
    %swap3A_314 = tpu.vector_load %arg8[%swap3A_313] {strides = array<i32>} : memref<1536xf32, #tpu.memory_space<vmem>>, vector<16xf32>,
    tpu.vector_store %arg8[%swap3A_313], %broadcast_in_dim3A_213 {strides = array<i32>} : memref<1536xf32, #tpu.memory_space<vmem>>, vector<16xf32>,
    %swap3A_315 = arith.constant 400 : index
    %swap3A_316 = tpu.vector_load %arg9[%swap3A_315] {strides = array<i32>} : memref<1536xf32, #tpu.memory_space<vmem>>, vector<16xf32>,
    tpu.vector_store %arg9[%swap3A_315], %broadcast_in_dim3A_213 {strides = array<i32>} : memref<1536xf32, #tpu.memory_space<vmem>>, vector<16xf32>,
    %swap3A_317 = arith.constant 416 : index
    %swap3A_318 = tpu.vector_load %arg8[%swap3A_317] {strides = array<i32>} : memref<1536xf32, #tpu.memory_space<vmem>>, vector<16xf32>,
    tpu.vector_store %arg8[%swap3A_317], %broadcast_in_dim3A_213 {strides = array<i32>} : memref<1536xf32, #tpu.memory_space<vmem>>, vector<16xf32>,
    %swap3A_319 = arith.constant 416 : index
    %swap3A_320 = tpu.vector_load %arg9[%swap3A_319] {strides = array<i32>} : memref<1536xf32, #tpu.memory_space<vmem>>, vector<16xf32>,
    tpu.vector_store %arg9[%swap3A_319], %broadcast_in_dim3A_213 {strides = array<i32>} : memref<1536xf32, #tpu.memory_space<vmem>>, vector<16xf32>,
    %swap3A_321 = arith.constant 432 : index
    %swap3A_322 = tpu.vector_load %arg8[%swap3A_321] {strides = array<i32>} : memref<1536xf32, #tpu.memory_space<vmem>>, vector<16xf32>,
    tpu.vector_store %arg8[%swap3A_321], %broadcast_in_dim3A_213 {strides = array<i32>} : memref<1536xf32, #tpu.memory_space<vmem>>, vector<16xf32>,
    %swap3A_323 = arith.constant 432 : index
    %swap3A_324 = tpu.vector_load %arg9[%swap3A_323] {strides = array<i32>} : memref<1536xf32, #tpu.memory_space<vmem>>, vector<16xf32>,
    tpu.vector_store %arg9[%swap3A_323], %broadcast_in_dim3A_213 {strides = array<i32>} : memref<1536xf32, #tpu.memory_space<vmem>>, vector<16xf32>,
    %swap3A_325 = arith.constant 448 : index
    %swap3A_326 = tpu.vector_load %arg8[%swap3A_325] {strides = array<i32>} : memref<1536xf32, #tpu.memory_space<vmem>>, vector<16xf32>,
    tpu.vector_store %arg8[%swap3A_325], %broadcast_in_dim3A_213 {strides = array<i32>} : memref<1536xf32, #tpu.memory_space<vmem>>, vector<16xf32>,
    %swap3A_327 = arith.constant 448 : index
    %swap3A_328 = tpu.vector_load %arg9[%swap3A_327] {strides = array<i32>} : memref<1536xf32, #tpu.memory_space<vmem>>, vector<16xf32>,
    tpu.vector_store %arg9[%swap3A_327], %broadcast_in_dim3A_213 {strides = array<i32>} : memref<1536xf32, #tpu.memory_space<vmem>>, vector<16xf32>,
    %swap3A_329 = arith.constant 464 : index
    %swap3A_330 = tpu.vector_load %arg8[%swap3A_329] {strides = array<i32>} : memref<1536xf32, #tpu.memory_space<vmem>>, vector<16xf32>,
    tpu.vector_store %arg8[%swap3A_329], %broadcast_in_dim3A_213 {strides = array<i32>} : memref<1536xf32, #tpu.memory_space<vmem>>, vector<16xf32>,
    %swap3A_331 = arith.constant 464 : index
    %swap3A_332 = tpu.vector_load %arg9[%swap3A_331] {strides = array<i32>} : memref<1536xf32, #tpu.memory_space<vmem>>, vector<16xf32>,
    tpu.vector_store %arg9[%swap3A_331], %broadcast_in_dim3A_213 {strides = array<i32>} : memref<1536xf32, #tpu.memory_space<vmem>>, vector<16xf32>,
    %swap3A_333 = arith.constant 480 : index
    %swap3A_334 = tpu.vector_load %arg8[%swap3A_333] {strides = array<i32>} : memref<1536xf32, #tpu.memory_space<vmem>>, vector<16xf32>,
    tpu.vector_store %arg8[%swap3A_333], %broadcast_in_dim3A_213 {strides = array<i32>} : memref<1536xf32, #tpu.memory_space<vmem>>, vector<16xf32>,
    %swap3A_335 = arith.constant 480 : index
    %swap3A_336 = tpu.vector_load %arg9[%swap3A_335] {strides = array<i32>} : memref<1536xf32, #tpu.memory_space<vmem>>, vector<16xf32>,
    tpu.vector_store %arg9[%swap3A_335], %broadcast_in_dim3A_213 {strides = array<i32>} : memref<1536xf32, #tpu.memory_space<vmem>>, vector<16xf32>,
    %swap3A_337 = arith.constant 496 : index
    %swap3A_338 = tpu.vector_load %arg8[%swap3A_337] {strides = array<i32>} : memref<1536xf32, #tpu.memory_space<vmem>>, vector<16xf32>,
    tpu.vector_store %arg8[%swap3A_337], %broadcast_in_dim3A_213 {strides = array<i32>} : memref<1536xf32, #tpu.memory_space<vmem>>, vector<16xf32>,
    %swap3A_339 = arith.constant 496 : index
    %swap3A_340 = tpu.vector_load %arg9[%swap3A_339] {strides = array<i32>} : memref<1536xf32, #tpu.memory_space<vmem>>, vector<16xf32>,
    tpu.vector_store %arg9[%swap3A_339], %broadcast_in_dim3A_213 {strides = array<i32>} : memref<1536xf32, #tpu.memory_space<vmem>>, vector<16xf32>,
    %swap3A_341 = arith.constant 512 : index
    %swap3A_342 = tpu.vector_load %arg8[%swap3A_341] {strides = array<i32>} : memref<1536xf32, #tpu.memory_space<vmem>>, vector<16xf32>,
    tpu.vector_store %arg8[%swap3A_341], %broadcast_in_dim3A_213 {strides = array<i32>} : memref<1536xf32, #tpu.memory_space<vmem>>, vector<16xf32>,
    %swap3A_343 = arith.constant 512 : index
    %swap3A_344 = tpu.vector_load %arg9[%swap3A_343] {strides = array<i32>} : memref<1536xf32, #tpu.memory_space<vmem>>, vector<16xf32>,
    tpu.vector_store %arg9[%swap3A_343], %broadcast_in_dim3A_213 {strides = array<i32>} : memref<1536xf32, #tpu.memory_space<vmem>>, vector<16xf32>,
    %swap3A_345 = arith.constant 528 : index
    %swap3A_346 = tpu.vector_load %arg8[%swap3A_345] {strides = array<i32>} : memref<1536xf32, #tpu.memory_space<vmem>>, vector<16xf32>,
    tpu.vector_store %arg8[%swap3A_345], %broadcast_in_dim3A_213 {strides = array<i32>} : memref<1536xf32, #tpu.memory_space<vmem>>, vector<16xf32>,
    %swap3A_347 = arith.constant 528 : index
    %swap3A_348 = tpu.vector_load %arg9[%swap3A_347] {strides = array<i32>} : memref<1536xf32, #tpu.memory_space<vmem>>, vector<16xf32>,
    tpu.vector_store %arg9[%swap3A_347], %broadcast_in_dim3A_213 {strides = array<i32>} : memref<1536xf32, #tpu.memory_space<vmem>>, vector<16xf32>,
    %swap3A_349 = arith.constant 544 : index
    %swap3A_350 = tpu.vector_load %arg8[%swap3A_349] {strides = array<i32>} : memref<1536xf32, #tpu.memory_space<vmem>>, vector<16xf32>,
    tpu.vector_store %arg8[%swap3A_349], %broadcast_in_dim3A_213 {strides = array<i32>} : memref<1536xf32, #tpu.memory_space<vmem>>, vector<16xf32>,
    %swap3A_351 = arith.constant 544 : index
    %swap3A_352 = tpu.vector_load %arg9[%swap3A_351] {strides = array<i32>} : memref<1536xf32, #tpu.memory_space<vmem>>, vector<16xf32>,
    tpu.vector_store %arg9[%swap3A_351], %broadcast_in_dim3A_213 {strides = array<i32>} : memref<1536xf32, #tpu.memory_space<vmem>>, vector<16xf32>,
    %swap3A_353 = arith.constant 560 : index
    %swap3A_354 = tpu.vector_load %arg8[%swap3A_353] {strides = array<i32>} : memref<1536xf32, #tpu.memory_space<vmem>>, vector<16xf32>,
    tpu.vector_store %arg8[%swap3A_353], %broadcast_in_dim3A_213 {strides = array<i32>} : memref<1536xf32, #tpu.memory_space<vmem>>, vector<16xf32>,
    %swap3A_355 = arith.constant 560 : index
    %swap3A_356 = tpu.vector_load %arg9[%swap3A_355] {strides = array<i32>} : memref<1536xf32, #tpu.memory_space<vmem>>, vector<16xf32>,
    tpu.vector_store %arg9[%swap3A_355], %broadcast_in_dim3A_213 {strides = array<i32>} : memref<1536xf32, #tpu.memory_space<vmem>>, vector<16xf32>,
    %swap3A_357 = arith.constant 576 : index
    %swap3A_358 = tpu.vector_load %arg8[%swap3A_357] {strides = array<i32>} : memref<1536xf32, #tpu.memory_space<vmem>>, vector<16xf32>,
    tpu.vector_store %arg8[%swap3A_357], %broadcast_in_dim3A_213 {strides = array<i32>} : memref<1536xf32, #tpu.memory_space<vmem>>, vector<16xf32>,
    %swap3A_359 = arith.constant 576 : index
    %swap3A_360 = tpu.vector_load %arg9[%swap3A_359] {strides = array<i32>} : memref<1536xf32, #tpu.memory_space<vmem>>, vector<16xf32>,
    tpu.vector_store %arg9[%swap3A_359], %broadcast_in_dim3A_213 {strides = array<i32>} : memref<1536xf32, #tpu.memory_space<vmem>>, vector<16xf32>,
    %swap3A_361 = arith.constant 592 : index
    %swap3A_362 = tpu.vector_load %arg8[%swap3A_361] {strides = array<i32>} : memref<1536xf32, #tpu.memory_space<vmem>>, vector<16xf32>,
    tpu.vector_store %arg8[%swap3A_361], %broadcast_in_dim3A_213 {strides = array<i32>} : memref<1536xf32, #tpu.memory_space<vmem>>, vector<16xf32>,
    %swap3A_363 = arith.constant 592 : index
    %swap3A_364 = tpu.vector_load %arg9[%swap3A_363] {strides = array<i32>} : memref<1536xf32, #tpu.memory_space<vmem>>, vector<16xf32>,
    tpu.vector_store %arg9[%swap3A_363], %broadcast_in_dim3A_213 {strides = array<i32>} : memref<1536xf32, #tpu.memory_space<vmem>>, vector<16xf32>,
    %swap3A_365 = arith.constant 608 : index
    %swap3A_366 = tpu.vector_load %arg8[%swap3A_365] {strides = array<i32>} : memref<1536xf32, #tpu.memory_space<vmem>>, vector<16xf32>,
    tpu.vector_store %arg8[%swap3A_365], %broadcast_in_dim3A_213 {strides = array<i32>} : memref<1536xf32, #tpu.memory_space<vmem>>, vector<16xf32>,
    %swap3A_367 = arith.constant 608 : index
    %swap3A_368 = tpu.vector_load %arg9[%swap3A_367] {strides = array<i32>} : memref<1536xf32, #tpu.memory_space<vmem>>, vector<16xf32>,
    tpu.vector_store %arg9[%swap3A_367], %broadcast_in_dim3A_213 {strides = array<i32>} : memref<1536xf32, #tpu.memory_space<vmem>>, vector<16xf32>,
    %swap3A_369 = arith.constant 624 : index
    %swap3A_370 = tpu.vector_load %arg8[%swap3A_369] {strides = array<i32>} : memref<1536xf32, #tpu.memory_space<vmem>>, vector<16xf32>,
    tpu.vector_store %arg8[%swap3A_369], %broadcast_in_dim3A_213 {strides = array<i32>} : memref<1536xf32, #tpu.memory_space<vmem>>, vector<16xf32>,
    %swap3A_371 = arith.constant 624 : index
    %swap3A_372 = tpu.vector_load %arg9[%swap3A_371] {strides = array<i32>} : memref<1536xf32, #tpu.memory_space<vmem>>, vector<16xf32>,
    tpu.vector_store %arg9[%swap3A_371], %broadcast_in_dim3A_213 {strides = array<i32>} : memref<1536xf32, #tpu.memory_space<vmem>>, vector<16xf32>,
    %swap3A_373 = arith.constant 640 : index
    %swap3A_374 = tpu.vector_load %arg8[%swap3A_373] {strides = array<i32>} : memref<1536xf32, #tpu.memory_space<vmem>>, vector<16xf32>,
    tpu.vector_store %arg8[%swap3A_373], %broadcast_in_dim3A_213 {strides = array<i32>} : memref<1536xf32, #tpu.memory_space<vmem>>, vector<16xf32>,
    %swap3A_375 = arith.constant 640 : index
    %swap3A_376 = tpu.vector_load %arg9[%swap3A_375] {strides = array<i32>} : memref<1536xf32, #tpu.memory_space<vmem>>, vector<16xf32>,
    tpu.vector_store %arg9[%swap3A_375], %broadcast_in_dim3A_213 {strides = array<i32>} : memref<1536xf32, #tpu.memory_space<vmem>>, vector<16xf32>,
    %swap3A_377 = arith.constant 656 : index
    %swap3A_378 = tpu.vector_load %arg8[%swap3A_377] {strides = array<i32>} : memref<1536xf32, #tpu.memory_space<vmem>>, vector<16xf32>,
    tpu.vector_store %arg8[%swap3A_377], %broadcast_in_dim3A_213 {strides = array<i32>} : memref<1536xf32, #tpu.memory_space<vmem>>, vector<16xf32>,
    %swap3A_379 = arith.constant 656 : index
    %swap3A_380 = tpu.vector_load %arg9[%swap3A_379] {strides = array<i32>} : memref<1536xf32, #tpu.memory_space<vmem>>, vector<16xf32>,
    tpu.vector_store %arg9[%swap3A_379], %broadcast_in_dim3A_213 {strides = array<i32>} : memref<1536xf32, #tpu.memory_space<vmem>>, vector<16xf32>,
    %swap3A_381 = arith.constant 672 : index
    %swap3A_382 = tpu.vector_load %arg8[%swap3A_381] {strides = array<i32>} : memref<1536xf32, #tpu.memory_space<vmem>>, vector<16xf32>,
    tpu.vector_store %arg8[%swap3A_381], %broadcast_in_dim3A_213 {strides = array<i32>} : memref<1536xf32, #tpu.memory_space<vmem>>, vector<16xf32>,
    %swap3A_383 = arith.constant 672 : index
    %swap3A_384 = tpu.vector_load %arg9[%swap3A_383] {strides = array<i32>} : memref<1536xf32, #tpu.memory_space<vmem>>, vector<16xf32>,
    tpu.vector_store %arg9[%swap3A_383], %broadcast_in_dim3A_213 {strides = array<i32>} : memref<1536xf32, #tpu.memory_space<vmem>>, vector<16xf32>,
    %swap3A_385 = arith.constant 688 : index
    %swap3A_386 = tpu.vector_load %arg8[%swap3A_385] {strides = array<i32>} : memref<1536xf32, #tpu.memory_space<vmem>>, vector<16xf32>,
    tpu.vector_store %arg8[%swap3A_385], %broadcast_in_dim3A_213 {strides = array<i32>} : memref<1536xf32, #tpu.memory_space<vmem>>, vector<16xf32>,
    %swap3A_387 = arith.constant 688 : index
    %swap3A_388 = tpu.vector_load %arg9[%swap3A_387] {strides = array<i32>} : memref<1536xf32, #tpu.memory_space<vmem>>, vector<16xf32>,
    tpu.vector_store %arg9[%swap3A_387], %broadcast_in_dim3A_213 {strides = array<i32>} : memref<1536xf32, #tpu.memory_space<vmem>>, vector<16xf32>,
    %swap3A_389 = arith.constant 704 : index
    %swap3A_390 = tpu.vector_load %arg8[%swap3A_389] {strides = array<i32>} : memref<1536xf32, #tpu.memory_space<vmem>>, vector<16xf32>,
    tpu.vector_store %arg8[%swap3A_389], %broadcast_in_dim3A_213 {strides = array<i32>} : memref<1536xf32, #tpu.memory_space<vmem>>, vector<16xf32>,
    %swap3A_391 = arith.constant 704 : index
    %swap3A_392 = tpu.vector_load %arg9[%swap3A_391] {strides = array<i32>} : memref<1536xf32, #tpu.memory_space<vmem>>, vector<16xf32>,
    tpu.vector_store %arg9[%swap3A_391], %broadcast_in_dim3A_213 {strides = array<i32>} : memref<1536xf32, #tpu.memory_space<vmem>>, vector<16xf32>,
    %swap3A_393 = arith.constant 720 : index
    %swap3A_394 = tpu.vector_load %arg8[%swap3A_393] {strides = array<i32>} : memref<1536xf32, #tpu.memory_space<vmem>>, vector<16xf32>,
    tpu.vector_store %arg8[%swap3A_393], %broadcast_in_dim3A_213 {strides = array<i32>} : memref<1536xf32, #tpu.memory_space<vmem>>, vector<16xf32>,
    %swap3A_395 = arith.constant 720 : index
    %swap3A_396 = tpu.vector_load %arg9[%swap3A_395] {strides = array<i32>} : memref<1536xf32, #tpu.memory_space<vmem>>, vector<16xf32>,
    tpu.vector_store %arg9[%swap3A_395], %broadcast_in_dim3A_213 {strides = array<i32>} : memref<1536xf32, #tpu.memory_space<vmem>>, vector<16xf32>,
    %swap3A_397 = arith.constant 736 : index
    %swap3A_398 = tpu.vector_load %arg8[%swap3A_397] {strides = array<i32>} : memref<1536xf32, #tpu.memory_space<vmem>>, vector<16xf32>,
    tpu.vector_store %arg8[%swap3A_397], %broadcast_in_dim3A_213 {strides = array<i32>} : memref<1536xf32, #tpu.memory_space<vmem>>, vector<16xf32>,
    %swap3A_399 = arith.constant 736 : index
    %swap3A_400 = tpu.vector_load %arg9[%swap3A_399] {strides = array<i32>} : memref<1536xf32, #tpu.memory_space<vmem>>, vector<16xf32>,
    tpu.vector_store %arg9[%swap3A_399], %broadcast_in_dim3A_213 {strides = array<i32>} : memref<1536xf32, #tpu.memory_space<vmem>>, vector<16xf32>,
    %swap3A_401 = arith.constant 752 : index
    %swap3A_402 = tpu.vector_load %arg8[%swap3A_401] {strides = array<i32>} : memref<1536xf32, #tpu.memory_space<vmem>>, vector<16xf32>,
    tpu.vector_store %arg8[%swap3A_401], %broadcast_in_dim3A_213 {strides = array<i32>} : memref<1536xf32, #tpu.memory_space<vmem>>, vector<16xf32>,
    %swap3A_403 = arith.constant 752 : index
    %swap3A_404 = tpu.vector_load %arg9[%swap3A_403] {strides = array<i32>} : memref<1536xf32, #tpu.memory_space<vmem>>, vector<16xf32>,
    tpu.vector_store %arg9[%swap3A_403], %broadcast_in_dim3A_213 {strides = array<i32>} : memref<1536xf32, #tpu.memory_space<vmem>>, vector<16xf32>,
    %swap3A_405 = arith.constant 768 : index
    %swap3A_406 = tpu.vector_load %arg8[%swap3A_405] {strides = array<i32>} : memref<1536xf32, #tpu.memory_space<vmem>>, vector<16xf32>,
    tpu.vector_store %arg8[%swap3A_405], %broadcast_in_dim3A_213 {strides = array<i32>} : memref<1536xf32, #tpu.memory_space<vmem>>, vector<16xf32>,
    %swap3A_407 = arith.constant 768 : index
    %swap3A_408 = tpu.vector_load %arg9[%swap3A_407] {strides = array<i32>} : memref<1536xf32, #tpu.memory_space<vmem>>, vector<16xf32>,
    tpu.vector_store %arg9[%swap3A_407], %broadcast_in_dim3A_213 {strides = array<i32>} : memref<1536xf32, #tpu.memory_space<vmem>>, vector<16xf32>,
    %swap3A_409 = arith.constant 784 : index
    %swap3A_410 = tpu.vector_load %arg8[%swap3A_409] {strides = array<i32>} : memref<1536xf32, #tpu.memory_space<vmem>>, vector<16xf32>,
    tpu.vector_store %arg8[%swap3A_409], %broadcast_in_dim3A_213 {strides = array<i32>} : memref<1536xf32, #tpu.memory_space<vmem>>, vector<16xf32>,
    %swap3A_411 = arith.constant 784 : index
    %swap3A_412 = tpu.vector_load %arg9[%swap3A_411] {strides = array<i32>} : memref<1536xf32, #tpu.memory_space<vmem>>, vector<16xf32>,
    tpu.vector_store %arg9[%swap3A_411], %broadcast_in_dim3A_213 {strides = array<i32>} : memref<1536xf32, #tpu.memory_space<vmem>>, vector<16xf32>,
    %swap3A_413 = arith.constant 800 : index
    %swap3A_414 = tpu.vector_load %arg8[%swap3A_413] {strides = array<i32>} : memref<1536xf32, #tpu.memory_space<vmem>>, vector<16xf32>,
    tpu.vector_store %arg8[%swap3A_413], %broadcast_in_dim3A_213 {strides = array<i32>} : memref<1536xf32, #tpu.memory_space<vmem>>, vector<16xf32>,
    %swap3A_415 = arith.constant 800 : index
    %swap3A_416 = tpu.vector_load %arg9[%swap3A_415] {strides = array<i32>} : memref<1536xf32, #tpu.memory_space<vmem>>, vector<16xf32>,
    tpu.vector_store %arg9[%swap3A_415], %broadcast_in_dim3A_213 {strides = array<i32>} : memref<1536xf32, #tpu.memory_space<vmem>>, vector<16xf32>,
    %swap3A_417 = arith.constant 816 : index
    %swap3A_418 = tpu.vector_load %arg8[%swap3A_417] {strides = array<i32>} : memref<1536xf32, #tpu.memory_space<vmem>>, vector<16xf32>,
    tpu.vector_store %arg8[%swap3A_417], %broadcast_in_dim3A_213 {strides = array<i32>} : memref<1536xf32, #tpu.memory_space<vmem>>, vector<16xf32>,
    %swap3A_419 = arith.constant 816 : index
    %swap3A_420 = tpu.vector_load %arg9[%swap3A_419] {strides = array<i32>} : memref<1536xf32, #tpu.memory_space<vmem>>, vector<16xf32>,
    tpu.vector_store %arg9[%swap3A_419], %broadcast_in_dim3A_213 {strides = array<i32>} : memref<1536xf32, #tpu.memory_space<vmem>>, vector<16xf32>,
    %swap3A_421 = arith.constant 832 : index
    %swap3A_422 = tpu.vector_load %arg8[%swap3A_421] {strides = array<i32>} : memref<1536xf32, #tpu.memory_space<vmem>>, vector<16xf32>,
    tpu.vector_store %arg8[%swap3A_421], %broadcast_in_dim3A_213 {strides = array<i32>} : memref<1536xf32, #tpu.memory_space<vmem>>, vector<16xf32>,
    %swap3A_423 = arith.constant 832 : index
    %swap3A_424 = tpu.vector_load %arg9[%swap3A_423] {strides = array<i32>} : memref<1536xf32, #tpu.memory_space<vmem>>, vector<16xf32>,
    tpu.vector_store %arg9[%swap3A_423], %broadcast_in_dim3A_213 {strides = array<i32>} : memref<1536xf32, #tpu.memory_space<vmem>>, vector<16xf32>,
    %swap3A_425 = arith.constant 848 : index
    %swap3A_426 = tpu.vector_load %arg8[%swap3A_425] {strides = array<i32>} : memref<1536xf32, #tpu.memory_space<vmem>>, vector<16xf32>,
    tpu.vector_store %arg8[%swap3A_425], %broadcast_in_dim3A_213 {strides = array<i32>} : memref<1536xf32, #tpu.memory_space<vmem>>, vector<16xf32>,
    %swap3A_427 = arith.constant 848 : index
    %swap3A_428 = tpu.vector_load %arg9[%swap3A_427] {strides = array<i32>} : memref<1536xf32, #tpu.memory_space<vmem>>, vector<16xf32>,
    tpu.vector_store %arg9[%swap3A_427], %broadcast_in_dim3A_213 {strides = array<i32>} : memref<1536xf32, #tpu.memory_space<vmem>>, vector<16xf32>,
    %swap3A_429 = arith.constant 864 : index
    %swap3A_430 = tpu.vector_load %arg8[%swap3A_429] {strides = array<i32>} : memref<1536xf32, #tpu.memory_space<vmem>>, vector<16xf32>,
    tpu.vector_store %arg8[%swap3A_429], %broadcast_in_dim3A_213 {strides = array<i32>} : memref<1536xf32, #tpu.memory_space<vmem>>, vector<16xf32>,
    %swap3A_431 = arith.constant 864 : index
    %swap3A_432 = tpu.vector_load %arg9[%swap3A_431] {strides = array<i32>} : memref<1536xf32, #tpu.memory_space<vmem>>, vector<16xf32>,
    tpu.vector_store %arg9[%swap3A_431], %broadcast_in_dim3A_213 {strides = array<i32>} : memref<1536xf32, #tpu.memory_space<vmem>>, vector<16xf32>,
    %swap3A_433 = arith.constant 880 : index
    %swap3A_434 = tpu.vector_load %arg8[%swap3A_433] {strides = array<i32>} : memref<1536xf32, #tpu.memory_space<vmem>>, vector<16xf32>,
    tpu.vector_store %arg8[%swap3A_433], %broadcast_in_dim3A_213 {strides = array<i32>} : memref<1536xf32, #tpu.memory_space<vmem>>, vector<16xf32>,
    %swap3A_435 = arith.constant 880 : index
    %swap3A_436 = tpu.vector_load %arg9[%swap3A_435] {strides = array<i32>} : memref<1536xf32, #tpu.memory_space<vmem>>, vector<16xf32>,
    tpu.vector_store %arg9[%swap3A_435], %broadcast_in_dim3A_213 {strides = array<i32>} : memref<1536xf32, #tpu.memory_space<vmem>>, vector<16xf32>,
    %swap3A_437 = arith.constant 896 : index
    %swap3A_438 = tpu.vector_load %arg8[%swap3A_437] {strides = array<i32>} : memref<1536xf32, #tpu.memory_space<vmem>>, vector<16xf32>,
    tpu.vector_store %arg8[%swap3A_437], %broadcast_in_dim3A_213 {strides = array<i32>} : memref<1536xf32, #tpu.memory_space<vmem>>, vector<16xf32>,
    %swap3A_439 = arith.constant 896 : index
    %swap3A_440 = tpu.vector_load %arg9[%swap3A_439] {strides = array<i32>} : memref<1536xf32, #tpu.memory_space<vmem>>, vector<16xf32>,
    tpu.vector_store %arg9[%swap3A_439], %broadcast_in_dim3A_213 {strides = array<i32>} : memref<1536xf32, #tpu.memory_space<vmem>>, vector<16xf32>,
    %swap3A_441 = arith.constant 912 : index
    %swap3A_442 = tpu.vector_load %arg8[%swap3A_441] {strides = array<i32>} : memref<1536xf32, #tpu.memory_space<vmem>>, vector<16xf32>,
    tpu.vector_store %arg8[%swap3A_441], %broadcast_in_dim3A_213 {strides = array<i32>} : memref<1536xf32, #tpu.memory_space<vmem>>, vector<16xf32>,
    %swap3A_443 = arith.constant 912 : index
    %swap3A_444 = tpu.vector_load %arg9[%swap3A_443] {strides = array<i32>} : memref<1536xf32, #tpu.memory_space<vmem>>, vector<16xf32>,
    tpu.vector_store %arg9[%swap3A_443], %broadcast_in_dim3A_213 {strides = array<i32>} : memref<1536xf32, #tpu.memory_space<vmem>>, vector<16xf32>,
    %swap3A_445 = arith.constant 928 : index
    %swap3A_446 = tpu.vector_load %arg8[%swap3A_445] {strides = array<i32>} : memref<1536xf32, #tpu.memory_space<vmem>>, vector<16xf32>,
    tpu.vector_store %arg8[%swap3A_445], %broadcast_in_dim3A_213 {strides = array<i32>} : memref<1536xf32, #tpu.memory_space<vmem>>, vector<16xf32>,
    %swap3A_447 = arith.constant 928 : index
    %swap3A_448 = tpu.vector_load %arg9[%swap3A_447] {strides = array<i32>} : memref<1536xf32, #tpu.memory_space<vmem>>, vector<16xf32>,
    tpu.vector_store %arg9[%swap3A_447], %broadcast_in_dim3A_213 {strides = array<i32>} : memref<1536xf32, #tpu.memory_space<vmem>>, vector<16xf32>,
    %swap3A_449 = arith.constant 944 : index
    %swap3A_450 = tpu.vector_load %arg8[%swap3A_449] {strides = array<i32>} : memref<1536xf32, #tpu.memory_space<vmem>>, vector<16xf32>,
    tpu.vector_store %arg8[%swap3A_449], %broadcast_in_dim3A_213 {strides = array<i32>} : memref<1536xf32, #tpu.memory_space<vmem>>, vector<16xf32>,
    %swap3A_451 = arith.constant 944 : index
    %swap3A_452 = tpu.vector_load %arg9[%swap3A_451] {strides = array<i32>} : memref<1536xf32, #tpu.memory_space<vmem>>, vector<16xf32>,
    tpu.vector_store %arg9[%swap3A_451], %broadcast_in_dim3A_213 {strides = array<i32>} : memref<1536xf32, #tpu.memory_space<vmem>>, vector<16xf32>,
    %swap3A_453 = arith.constant 960 : index
    %swap3A_454 = tpu.vector_load %arg8[%swap3A_453] {strides = array<i32>} : memref<1536xf32, #tpu.memory_space<vmem>>, vector<16xf32>,
    tpu.vector_store %arg8[%swap3A_453], %broadcast_in_dim3A_213 {strides = array<i32>} : memref<1536xf32, #tpu.memory_space<vmem>>, vector<16xf32>,
    %swap3A_455 = arith.constant 960 : index
    %swap3A_456 = tpu.vector_load %arg9[%swap3A_455] {strides = array<i32>} : memref<1536xf32, #tpu.memory_space<vmem>>, vector<16xf32>,
    tpu.vector_store %arg9[%swap3A_455], %broadcast_in_dim3A_213 {strides = array<i32>} : memref<1536xf32, #tpu.memory_space<vmem>>, vector<16xf32>,
    %swap3A_457 = arith.constant 976 : index
    %swap3A_458 = tpu.vector_load %arg8[%swap3A_457] {strides = array<i32>} : memref<1536xf32, #tpu.memory_space<vmem>>, vector<16xf32>,
    tpu.vector_store %arg8[%swap3A_457], %broadcast_in_dim3A_213 {strides = array<i32>} : memref<1536xf32, #tpu.memory_space<vmem>>, vector<16xf32>,
    %swap3A_459 = arith.constant 976 : index
    %swap3A_460 = tpu.vector_load %arg9[%swap3A_459] {strides = array<i32>} : memref<1536xf32, #tpu.memory_space<vmem>>, vector<16xf32>,
    tpu.vector_store %arg9[%swap3A_459], %broadcast_in_dim3A_213 {strides = array<i32>} : memref<1536xf32, #tpu.memory_space<vmem>>, vector<16xf32>,
    %swap3A_461 = arith.constant 992 : index
    %swap3A_462 = tpu.vector_load %arg8[%swap3A_461] {strides = array<i32>} : memref<1536xf32, #tpu.memory_space<vmem>>, vector<16xf32>,
    tpu.vector_store %arg8[%swap3A_461], %broadcast_in_dim3A_213 {strides = array<i32>} : memref<1536xf32, #tpu.memory_space<vmem>>, vector<16xf32>,
    %swap3A_463 = arith.constant 992 : index
    %swap3A_464 = tpu.vector_load %arg9[%swap3A_463] {strides = array<i32>} : memref<1536xf32, #tpu.memory_space<vmem>>, vector<16xf32>,
    tpu.vector_store %arg9[%swap3A_463], %broadcast_in_dim3A_213 {strides = array<i32>} : memref<1536xf32, #tpu.memory_space<vmem>>, vector<16xf32>,
    %swap3A_465 = arith.constant 1008 : index
    %swap3A_466 = tpu.vector_load %arg8[%swap3A_465] {strides = array<i32>} : memref<1536xf32, #tpu.memory_space<vmem>>, vector<16xf32>,
    tpu.vector_store %arg8[%swap3A_465], %broadcast_in_dim3A_213 {strides = array<i32>} : memref<1536xf32, #tpu.memory_space<vmem>>, vector<16xf32>,
    %swap3A_467 = arith.constant 1008 : index
    %swap3A_468 = tpu.vector_load %arg9[%swap3A_467] {strides = array<i32>} : memref<1536xf32, #tpu.memory_space<vmem>>, vector<16xf32>,
    tpu.vector_store %arg9[%swap3A_467], %broadcast_in_dim3A_213 {strides = array<i32>} : memref<1536xf32, #tpu.memory_space<vmem>>, vector<16xf32>,
    %swap3A_469 = arith.constant 1024 : index
    %swap3A_470 = tpu.vector_load %arg8[%swap3A_469] {strides = array<i32>} : memref<1536xf32, #tpu.memory_space<vmem>>, vector<16xf32>,
    tpu.vector_store %arg8[%swap3A_469], %broadcast_in_dim3A_213 {strides = array<i32>} : memref<1536xf32, #tpu.memory_space<vmem>>, vector<16xf32>,
    %swap3A_471 = arith.constant 1024 : index
    %swap3A_472 = tpu.vector_load %arg9[%swap3A_471] {strides = array<i32>} : memref<1536xf32, #tpu.memory_space<vmem>>, vector<16xf32>,
    tpu.vector_store %arg9[%swap3A_471], %broadcast_in_dim3A_213 {strides = array<i32>} : memref<1536xf32, #tpu.memory_space<vmem>>, vector<16xf32>,
    %swap3A_473 = arith.constant 1040 : index
    %swap3A_474 = tpu.vector_load %arg8[%swap3A_473] {strides = array<i32>} : memref<1536xf32, #tpu.memory_space<vmem>>, vector<16xf32>,
    tpu.vector_store %arg8[%swap3A_473], %broadcast_in_dim3A_213 {strides = array<i32>} : memref<1536xf32, #tpu.memory_space<vmem>>, vector<16xf32>,
    %swap3A_475 = arith.constant 1040 : index
    %swap3A_476 = tpu.vector_load %arg9[%swap3A_475] {strides = array<i32>} : memref<1536xf32, #tpu.memory_space<vmem>>, vector<16xf32>,
    tpu.vector_store %arg9[%swap3A_475], %broadcast_in_dim3A_213 {strides = array<i32>} : memref<1536xf32, #tpu.memory_space<vmem>>, vector<16xf32>,
    %swap3A_477 = arith.constant 1056 : index
    %swap3A_478 = tpu.vector_load %arg8[%swap3A_477] {strides = array<i32>} : memref<1536xf32, #tpu.memory_space<vmem>>, vector<16xf32>,
    tpu.vector_store %arg8[%swap3A_477], %broadcast_in_dim3A_213 {strides = array<i32>} : memref<1536xf32, #tpu.memory_space<vmem>>, vector<16xf32>,
    %swap3A_479 = arith.constant 1056 : index
    %swap3A_480 = tpu.vector_load %arg9[%swap3A_479] {strides = array<i32>} : memref<1536xf32, #tpu.memory_space<vmem>>, vector<16xf32>,
    tpu.vector_store %arg9[%swap3A_479], %broadcast_in_dim3A_213 {strides = array<i32>} : memref<1536xf32, #tpu.memory_space<vmem>>, vector<16xf32>,
    %swap3A_481 = arith.constant 1072 : index
    %swap3A_482 = tpu.vector_load %arg8[%swap3A_481] {strides = array<i32>} : memref<1536xf32, #tpu.memory_space<vmem>>, vector<16xf32>,
    tpu.vector_store %arg8[%swap3A_481], %broadcast_in_dim3A_213 {strides = array<i32>} : memref<1536xf32, #tpu.memory_space<vmem>>, vector<16xf32>,
    %swap3A_483 = arith.constant 1072 : index
    %swap3A_484 = tpu.vector_load %arg9[%swap3A_483] {strides = array<i32>} : memref<1536xf32, #tpu.memory_space<vmem>>, vector<16xf32>,
    tpu.vector_store %arg9[%swap3A_483], %broadcast_in_dim3A_213 {strides = array<i32>} : memref<1536xf32, #tpu.memory_space<vmem>>, vector<16xf32>,
    %swap3A_485 = arith.constant 1088 : index
    %swap3A_486 = tpu.vector_load %arg8[%swap3A_485] {strides = array<i32>} : memref<1536xf32, #tpu.memory_space<vmem>>, vector<16xf32>,
    tpu.vector_store %arg8[%swap3A_485], %broadcast_in_dim3A_213 {strides = array<i32>} : memref<1536xf32, #tpu.memory_space<vmem>>, vector<16xf32>,
    %swap3A_487 = arith.constant 1088 : index
    %swap3A_488 = tpu.vector_load %arg9[%swap3A_487] {strides = array<i32>} : memref<1536xf32, #tpu.memory_space<vmem>>, vector<16xf32>,
    tpu.vector_store %arg9[%swap3A_487], %broadcast_in_dim3A_213 {strides = array<i32>} : memref<1536xf32, #tpu.memory_space<vmem>>, vector<16xf32>,
    %swap3A_489 = arith.constant 1104 : index
    %swap3A_490 = tpu.vector_load %arg8[%swap3A_489] {strides = array<i32>} : memref<1536xf32, #tpu.memory_space<vmem>>, vector<16xf32>,
    tpu.vector_store %arg8[%swap3A_489], %broadcast_in_dim3A_213 {strides = array<i32>} : memref<1536xf32, #tpu.memory_space<vmem>>, vector<16xf32>,
    %swap3A_491 = arith.constant 1104 : index
    %swap3A_492 = tpu.vector_load %arg9[%swap3A_491] {strides = array<i32>} : memref<1536xf32, #tpu.memory_space<vmem>>, vector<16xf32>,
    tpu.vector_store %arg9[%swap3A_491], %broadcast_in_dim3A_213 {strides = array<i32>} : memref<1536xf32, #tpu.memory_space<vmem>>, vector<16xf32>,
    %swap3A_493 = arith.constant 1120 : index
    %swap3A_494 = tpu.vector_load %arg8[%swap3A_493] {strides = array<i32>} : memref<1536xf32, #tpu.memory_space<vmem>>, vector<16xf32>,
    tpu.vector_store %arg8[%swap3A_493], %broadcast_in_dim3A_213 {strides = array<i32>} : memref<1536xf32, #tpu.memory_space<vmem>>, vector<16xf32>,
    %swap3A_495 = arith.constant 1120 : index
    %swap3A_496 = tpu.vector_load %arg9[%swap3A_495] {strides = array<i32>} : memref<1536xf32, #tpu.memory_space<vmem>>, vector<16xf32>,
    tpu.vector_store %arg9[%swap3A_495], %broadcast_in_dim3A_213 {strides = array<i32>} : memref<1536xf32, #tpu.memory_space<vmem>>, vector<16xf32>,
    %swap3A_497 = arith.constant 1136 : index
    %swap3A_498 = tpu.vector_load %arg8[%swap3A_497] {strides = array<i32>} : memref<1536xf32, #tpu.memory_space<vmem>>, vector<16xf32>,
    tpu.vector_store %arg8[%swap3A_497], %broadcast_in_dim3A_213 {strides = array<i32>} : memref<1536xf32, #tpu.memory_space<vmem>>, vector<16xf32>,
    %swap3A_499 = arith.constant 1136 : index
    %swap3A_500 = tpu.vector_load %arg9[%swap3A_499] {strides = array<i32>} : memref<1536xf32, #tpu.memory_space<vmem>>, vector<16xf32>,
    tpu.vector_store %arg9[%swap3A_499], %broadcast_in_dim3A_213 {strides = array<i32>} : memref<1536xf32, #tpu.memory_space<vmem>>, vector<16xf32>,
    %swap3A_501 = arith.constant 1152 : index
    %swap3A_502 = tpu.vector_load %arg8[%swap3A_501] {strides = array<i32>} : memref<1536xf32, #tpu.memory_space<vmem>>, vector<16xf32>,
    tpu.vector_store %arg8[%swap3A_501], %broadcast_in_dim3A_213 {strides = array<i32>} : memref<1536xf32, #tpu.memory_space<vmem>>, vector<16xf32>,
    %swap3A_503 = arith.constant 1152 : index
    %swap3A_504 = tpu.vector_load %arg9[%swap3A_503] {strides = array<i32>} : memref<1536xf32, #tpu.memory_space<vmem>>, vector<16xf32>,
    tpu.vector_store %arg9[%swap3A_503], %broadcast_in_dim3A_213 {strides = array<i32>} : memref<1536xf32, #tpu.memory_space<vmem>>, vector<16xf32>,
    %swap3A_505 = arith.constant 1168 : index
    %swap3A_506 = tpu.vector_load %arg8[%swap3A_505] {strides = array<i32>} : memref<1536xf32, #tpu.memory_space<vmem>>, vector<16xf32>,
    tpu.vector_store %arg8[%swap3A_505], %broadcast_in_dim3A_213 {strides = array<i32>} : memref<1536xf32, #tpu.memory_space<vmem>>, vector<16xf32>,
    %swap3A_507 = arith.constant 1168 : index
    %swap3A_508 = tpu.vector_load %arg9[%swap3A_507] {strides = array<i32>} : memref<1536xf32, #tpu.memory_space<vmem>>, vector<16xf32>,
    tpu.vector_store %arg9[%swap3A_507], %broadcast_in_dim3A_213 {strides = array<i32>} : memref<1536xf32, #tpu.memory_space<vmem>>, vector<16xf32>,
    %swap3A_509 = arith.constant 1184 : index
    %swap3A_510 = tpu.vector_load %arg8[%swap3A_509] {strides = array<i32>} : memref<1536xf32, #tpu.memory_space<vmem>>, vector<16xf32>,
    tpu.vector_store %arg8[%swap3A_509], %broadcast_in_dim3A_213 {strides = array<i32>} : memref<1536xf32, #tpu.memory_space<vmem>>, vector<16xf32>,
    %swap3A_511 = arith.constant 1184 : index
    %swap3A_512 = tpu.vector_load %arg9[%swap3A_511] {strides = array<i32>} : memref<1536xf32, #tpu.memory_space<vmem>>, vector<16xf32>,
    tpu.vector_store %arg9[%swap3A_511], %broadcast_in_dim3A_213 {strides = array<i32>} : memref<1536xf32, #tpu.memory_space<vmem>>, vector<16xf32>,
    %swap3A_513 = arith.constant 1200 : index
    %swap3A_514 = tpu.vector_load %arg8[%swap3A_513] {strides = array<i32>} : memref<1536xf32, #tpu.memory_space<vmem>>, vector<16xf32>,
    tpu.vector_store %arg8[%swap3A_513], %broadcast_in_dim3A_213 {strides = array<i32>} : memref<1536xf32, #tpu.memory_space<vmem>>, vector<16xf32>,
    %swap3A_515 = arith.constant 1200 : index
    %swap3A_516 = tpu.vector_load %arg9[%swap3A_515] {strides = array<i32>} : memref<1536xf32, #tpu.memory_space<vmem>>, vector<16xf32>,
    tpu.vector_store %arg9[%swap3A_515], %broadcast_in_dim3A_213 {strides = array<i32>} : memref<1536xf32, #tpu.memory_space<vmem>>, vector<16xf32>,
    %swap3A_517 = arith.constant 1216 : index
    %swap3A_518 = tpu.vector_load %arg8[%swap3A_517] {strides = array<i32>} : memref<1536xf32, #tpu.memory_space<vmem>>, vector<16xf32>,
    tpu.vector_store %arg8[%swap3A_517], %broadcast_in_dim3A_213 {strides = array<i32>} : memref<1536xf32, #tpu.memory_space<vmem>>, vector<16xf32>,
    %swap3A_519 = arith.constant 1216 : index
    %swap3A_520 = tpu.vector_load %arg9[%swap3A_519] {strides = array<i32>} : memref<1536xf32, #tpu.memory_space<vmem>>, vector<16xf32>,
    tpu.vector_store %arg9[%swap3A_519], %broadcast_in_dim3A_213 {strides = array<i32>} : memref<1536xf32, #tpu.memory_space<vmem>>, vector<16xf32>,
    %swap3A_521 = arith.constant 1232 : index
    %swap3A_522 = tpu.vector_load %arg8[%swap3A_521] {strides = array<i32>} : memref<1536xf32, #tpu.memory_space<vmem>>, vector<16xf32>,
    tpu.vector_store %arg8[%swap3A_521], %broadcast_in_dim3A_213 {strides = array<i32>} : memref<1536xf32, #tpu.memory_space<vmem>>, vector<16xf32>,
    %swap3A_523 = arith.constant 1232 : index
    %swap3A_524 = tpu.vector_load %arg9[%swap3A_523] {strides = array<i32>} : memref<1536xf32, #tpu.memory_space<vmem>>, vector<16xf32>,
    tpu.vector_store %arg9[%swap3A_523], %broadcast_in_dim3A_213 {strides = array<i32>} : memref<1536xf32, #tpu.memory_space<vmem>>, vector<16xf32>,
    %swap3A_525 = arith.constant 1248 : index
    %swap3A_526 = tpu.vector_load %arg8[%swap3A_525] {strides = array<i32>} : memref<1536xf32, #tpu.memory_space<vmem>>, vector<16xf32>,
    tpu.vector_store %arg8[%swap3A_525], %broadcast_in_dim3A_213 {strides = array<i32>} : memref<1536xf32, #tpu.memory_space<vmem>>, vector<16xf32>,
    %swap3A_527 = arith.constant 1248 : index
    %swap3A_528 = tpu.vector_load %arg9[%swap3A_527] {strides = array<i32>} : memref<1536xf32, #tpu.memory_space<vmem>>, vector<16xf32>,
    tpu.vector_store %arg9[%swap3A_527], %broadcast_in_dim3A_213 {strides = array<i32>} : memref<1536xf32, #tpu.memory_space<vmem>>, vector<16xf32>,
    %swap3A_529 = arith.constant 1264 : index
    %swap3A_530 = tpu.vector_load %arg8[%swap3A_529] {strides = array<i32>} : memref<1536xf32, #tpu.memory_space<vmem>>, vector<16xf32>,
    tpu.vector_store %arg8[%swap3A_529], %broadcast_in_dim3A_213 {strides = array<i32>} : memref<1536xf32, #tpu.memory_space<vmem>>, vector<16xf32>,
    %swap3A_531 = arith.constant 1264 : index
    %swap3A_532 = tpu.vector_load %arg9[%swap3A_531] {strides = array<i32>} : memref<1536xf32, #tpu.memory_space<vmem>>, vector<16xf32>,
    tpu.vector_store %arg9[%swap3A_531], %broadcast_in_dim3A_213 {strides = array<i32>} : memref<1536xf32, #tpu.memory_space<vmem>>, vector<16xf32>,
    %swap3A_533 = arith.constant 1280 : index
    %swap3A_534 = tpu.vector_load %arg8[%swap3A_533] {strides = array<i32>} : memref<1536xf32, #tpu.memory_space<vmem>>, vector<16xf32>,
    tpu.vector_store %arg8[%swap3A_533], %broadcast_in_dim3A_213 {strides = array<i32>} : memref<1536xf32, #tpu.memory_space<vmem>>, vector<16xf32>,
    %swap3A_535 = arith.constant 1280 : index
    %swap3A_536 = tpu.vector_load %arg9[%swap3A_535] {strides = array<i32>} : memref<1536xf32, #tpu.memory_space<vmem>>, vector<16xf32>,
    tpu.vector_store %arg9[%swap3A_535], %broadcast_in_dim3A_213 {strides = array<i32>} : memref<1536xf32, #tpu.memory_space<vmem>>, vector<16xf32>,
    %swap3A_537 = arith.constant 1296 : index
    %swap3A_538 = tpu.vector_load %arg8[%swap3A_537] {strides = array<i32>} : memref<1536xf32, #tpu.memory_space<vmem>>, vector<16xf32>,
    tpu.vector_store %arg8[%swap3A_537], %broadcast_in_dim3A_213 {strides = array<i32>} : memref<1536xf32, #tpu.memory_space<vmem>>, vector<16xf32>,
    %swap3A_539 = arith.constant 1296 : index
    %swap3A_540 = tpu.vector_load %arg9[%swap3A_539] {strides = array<i32>} : memref<1536xf32, #tpu.memory_space<vmem>>, vector<16xf32>,
    tpu.vector_store %arg9[%swap3A_539], %broadcast_in_dim3A_213 {strides = array<i32>} : memref<1536xf32, #tpu.memory_space<vmem>>, vector<16xf32>,
    %swap3A_541 = arith.constant 1312 : index
    %swap3A_542 = tpu.vector_load %arg8[%swap3A_541] {strides = array<i32>} : memref<1536xf32, #tpu.memory_space<vmem>>, vector<16xf32>,
    tpu.vector_store %arg8[%swap3A_541], %broadcast_in_dim3A_213 {strides = array<i32>} : memref<1536xf32, #tpu.memory_space<vmem>>, vector<16xf32>,
    %swap3A_543 = arith.constant 1312 : index
    %swap3A_544 = tpu.vector_load %arg9[%swap3A_543] {strides = array<i32>} : memref<1536xf32, #tpu.memory_space<vmem>>, vector<16xf32>,
    tpu.vector_store %arg9[%swap3A_543], %broadcast_in_dim3A_213 {strides = array<i32>} : memref<1536xf32, #tpu.memory_space<vmem>>, vector<16xf32>,
    %swap3A_545 = arith.constant 1328 : index
    %swap3A_546 = tpu.vector_load %arg8[%swap3A_545] {strides = array<i32>} : memref<1536xf32, #tpu.memory_space<vmem>>, vector<16xf32>,
    tpu.vector_store %arg8[%swap3A_545], %broadcast_in_dim3A_213 {strides = array<i32>} : memref<1536xf32, #tpu.memory_space<vmem>>, vector<16xf32>,
    %swap3A_547 = arith.constant 1328 : index
    %swap3A_548 = tpu.vector_load %arg9[%swap3A_547] {strides = array<i32>} : memref<1536xf32, #tpu.memory_space<vmem>>, vector<16xf32>,
    tpu.vector_store %arg9[%swap3A_547], %broadcast_in_dim3A_213 {strides = array<i32>} : memref<1536xf32, #tpu.memory_space<vmem>>, vector<16xf32>,
    %swap3A_549 = arith.constant 1344 : index
    %swap3A_550 = tpu.vector_load %arg8[%swap3A_549] {strides = array<i32>} : memref<1536xf32, #tpu.memory_space<vmem>>, vector<16xf32>,
    tpu.vector_store %arg8[%swap3A_549], %broadcast_in_dim3A_213 {strides = array<i32>} : memref<1536xf32, #tpu.memory_space<vmem>>, vector<16xf32>,
    %swap3A_551 = arith.constant 1344 : index
    %swap3A_552 = tpu.vector_load %arg9[%swap3A_551] {strides = array<i32>} : memref<1536xf32, #tpu.memory_space<vmem>>, vector<16xf32>,
    tpu.vector_store %arg9[%swap3A_551], %broadcast_in_dim3A_213 {strides = array<i32>} : memref<1536xf32, #tpu.memory_space<vmem>>, vector<16xf32>,
    %swap3A_553 = arith.constant 1360 : index
    %swap3A_554 = tpu.vector_load %arg8[%swap3A_553] {strides = array<i32>} : memref<1536xf32, #tpu.memory_space<vmem>>, vector<16xf32>,
    tpu.vector_store %arg8[%swap3A_553], %broadcast_in_dim3A_213 {strides = array<i32>} : memref<1536xf32, #tpu.memory_space<vmem>>, vector<16xf32>,
    %swap3A_555 = arith.constant 1360 : index
    %swap3A_556 = tpu.vector_load %arg9[%swap3A_555] {strides = array<i32>} : memref<1536xf32, #tpu.memory_space<vmem>>, vector<16xf32>,
    tpu.vector_store %arg9[%swap3A_555], %broadcast_in_dim3A_213 {strides = array<i32>} : memref<1536xf32, #tpu.memory_space<vmem>>, vector<16xf32>,
    %swap3A_557 = arith.constant 1376 : index
    %swap3A_558 = tpu.vector_load %arg8[%swap3A_557] {strides = array<i32>} : memref<1536xf32, #tpu.memory_space<vmem>>, vector<16xf32>,
    tpu.vector_store %arg8[%swap3A_557], %broadcast_in_dim3A_213 {strides = array<i32>} : memref<1536xf32, #tpu.memory_space<vmem>>, vector<16xf32>,
    %swap3A_559 = arith.constant 1376 : index
    %swap3A_560 = tpu.vector_load %arg9[%swap3A_559] {strides = array<i32>} : memref<1536xf32, #tpu.memory_space<vmem>>, vector<16xf32>,
    tpu.vector_store %arg9[%swap3A_559], %broadcast_in_dim3A_213 {strides = array<i32>} : memref<1536xf32, #tpu.memory_space<vmem>>, vector<16xf32>,
    %swap3A_561 = arith.constant 1392 : index
    %swap3A_562 = tpu.vector_load %arg8[%swap3A_561] {strides = array<i32>} : memref<1536xf32, #tpu.memory_space<vmem>>, vector<16xf32>,
    tpu.vector_store %arg8[%swap3A_561], %broadcast_in_dim3A_213 {strides = array<i32>} : memref<1536xf32, #tpu.memory_space<vmem>>, vector<16xf32>,
    %swap3A_563 = arith.constant 1392 : index
    %swap3A_564 = tpu.vector_load %arg9[%swap3A_563] {strides = array<i32>} : memref<1536xf32, #tpu.memory_space<vmem>>, vector<16xf32>,
    tpu.vector_store %arg9[%swap3A_563], %broadcast_in_dim3A_213 {strides = array<i32>} : memref<1536xf32, #tpu.memory_space<vmem>>, vector<16xf32>,
    %swap3A_565 = arith.constant 1408 : index
    %swap3A_566 = tpu.vector_load %arg8[%swap3A_565] {strides = array<i32>} : memref<1536xf32, #tpu.memory_space<vmem>>, vector<16xf32>,
    tpu.vector_store %arg8[%swap3A_565], %broadcast_in_dim3A_213 {strides = array<i32>} : memref<1536xf32, #tpu.memory_space<vmem>>, vector<16xf32>,
    %swap3A_567 = arith.constant 1408 : index
    %swap3A_568 = tpu.vector_load %arg9[%swap3A_567] {strides = array<i32>} : memref<1536xf32, #tpu.memory_space<vmem>>, vector<16xf32>,
    tpu.vector_store %arg9[%swap3A_567], %broadcast_in_dim3A_213 {strides = array<i32>} : memref<1536xf32, #tpu.memory_space<vmem>>, vector<16xf32>,
    %swap3A_569 = arith.constant 1424 : index
    %swap3A_570 = tpu.vector_load %arg8[%swap3A_569] {strides = array<i32>} : memref<1536xf32, #tpu.memory_space<vmem>>, vector<16xf32>,
    tpu.vector_store %arg8[%swap3A_569], %broadcast_in_dim3A_213 {strides = array<i32>} : memref<1536xf32, #tpu.memory_space<vmem>>, vector<16xf32>,
    %swap3A_571 = arith.constant 1424 : index
    %swap3A_572 = tpu.vector_load %arg9[%swap3A_571] {strides = array<i32>} : memref<1536xf32, #tpu.memory_space<vmem>>, vector<16xf32>,
    tpu.vector_store %arg9[%swap3A_571], %broadcast_in_dim3A_213 {strides = array<i32>} : memref<1536xf32, #tpu.memory_space<vmem>>, vector<16xf32>,
    %swap3A_573 = arith.constant 1440 : index
    %swap3A_574 = tpu.vector_load %arg8[%swap3A_573] {strides = array<i32>} : memref<1536xf32, #tpu.memory_space<vmem>>, vector<16xf32>,
    tpu.vector_store %arg8[%swap3A_573], %broadcast_in_dim3A_213 {strides = array<i32>} : memref<1536xf32, #tpu.memory_space<vmem>>, vector<16xf32>,
    %swap3A_575 = arith.constant 1440 : index
    %swap3A_576 = tpu.vector_load %arg9[%swap3A_575] {strides = array<i32>} : memref<1536xf32, #tpu.memory_space<vmem>>, vector<16xf32>,
    tpu.vector_store %arg9[%swap3A_575], %broadcast_in_dim3A_213 {strides = array<i32>} : memref<1536xf32, #tpu.memory_space<vmem>>, vector<16xf32>,
    %swap3A_577 = arith.constant 1456 : index
    %swap3A_578 = tpu.vector_load %arg8[%swap3A_577] {strides = array<i32>} : memref<1536xf32, #tpu.memory_space<vmem>>, vector<16xf32>,
    tpu.vector_store %arg8[%swap3A_577], %broadcast_in_dim3A_213 {strides = array<i32>} : memref<1536xf32, #tpu.memory_space<vmem>>, vector<16xf32>,
    %swap3A_579 = arith.constant 1456 : index
    %swap3A_580 = tpu.vector_load %arg9[%swap3A_579] {strides = array<i32>} : memref<1536xf32, #tpu.memory_space<vmem>>, vector<16xf32>,
    tpu.vector_store %arg9[%swap3A_579], %broadcast_in_dim3A_213 {strides = array<i32>} : memref<1536xf32, #tpu.memory_space<vmem>>, vector<16xf32>,
    %swap3A_581 = arith.constant 1472 : index
    %swap3A_582 = tpu.vector_load %arg8[%swap3A_581] {strides = array<i32>} : memref<1536xf32, #tpu.memory_space<vmem>>, vector<16xf32>,
    tpu.vector_store %arg8[%swap3A_581], %broadcast_in_dim3A_213 {strides = array<i32>} : memref<1536xf32, #tpu.memory_space<vmem>>, vector<16xf32>,
    %swap3A_583 = arith.constant 1472 : index
    %swap3A_584 = tpu.vector_load %arg9[%swap3A_583] {strides = array<i32>} : memref<1536xf32, #tpu.memory_space<vmem>>, vector<16xf32>,
    tpu.vector_store %arg9[%swap3A_583], %broadcast_in_dim3A_213 {strides = array<i32>} : memref<1536xf32, #tpu.memory_space<vmem>>, vector<16xf32>,
    %swap3A_585 = arith.constant 1488 : index
    %swap3A_586 = tpu.vector_load %arg8[%swap3A_585] {strides = array<i32>} : memref<1536xf32, #tpu.memory_space<vmem>>, vector<16xf32>,
    tpu.vector_store %arg8[%swap3A_585], %broadcast_in_dim3A_213 {strides = array<i32>} : memref<1536xf32, #tpu.memory_space<vmem>>, vector<16xf32>,
    %swap3A_587 = arith.constant 1488 : index
    %swap3A_588 = tpu.vector_load %arg9[%swap3A_587] {strides = array<i32>} : memref<1536xf32, #tpu.memory_space<vmem>>, vector<16xf32>,
    tpu.vector_store %arg9[%swap3A_587], %broadcast_in_dim3A_213 {strides = array<i32>} : memref<1536xf32, #tpu.memory_space<vmem>>, vector<16xf32>,
    %swap3A_589 = arith.constant 1504 : index
    %swap3A_590 = tpu.vector_load %arg8[%swap3A_589] {strides = array<i32>} : memref<1536xf32, #tpu.memory_space<vmem>>, vector<16xf32>,
    tpu.vector_store %arg8[%swap3A_589], %broadcast_in_dim3A_213 {strides = array<i32>} : memref<1536xf32, #tpu.memory_space<vmem>>, vector<16xf32>,
    %swap3A_591 = arith.constant 1504 : index
    %swap3A_592 = tpu.vector_load %arg9[%swap3A_591] {strides = array<i32>} : memref<1536xf32, #tpu.memory_space<vmem>>, vector<16xf32>,
    tpu.vector_store %arg9[%swap3A_591], %broadcast_in_dim3A_213 {strides = array<i32>} : memref<1536xf32, #tpu.memory_space<vmem>>, vector<16xf32>,
    %swap3A_593 = arith.constant 1520 : index
    %swap3A_594 = tpu.vector_load %arg8[%swap3A_593] {strides = array<i32>} : memref<1536xf32, #tpu.memory_space<vmem>>, vector<16xf32>,
    tpu.vector_store %arg8[%swap3A_593], %broadcast_in_dim3A_213 {strides = array<i32>} : memref<1536xf32, #tpu.memory_space<vmem>>, vector<16xf32>,
    %swap3A_595 = arith.constant 1520 : index
    %swap3A_596 = tpu.vector_load %arg9[%swap3A_595] {strides = array<i32>} : memref<1536xf32, #tpu.memory_space<vmem>>, vector<16xf32>,
    tpu.vector_store %arg9[%swap3A_595], %broadcast_in_dim3A_213 {strides = array<i32>} : memref<1536xf32, #tpu.memory_space<vmem>>, vector<16xf32>,
    %iota3A_597 = tpu.iota {dimensions = array<i32: 0>} : vector<16xi32>
    %eq3A = arith.constant 0 : i32
    %eq3A_598 = vector.broadcast %eq3A : i32 to vector<16xi32>
    %eq3A_599 = arith.cmpi eq, %iota3A_597, %eq3A_598 : vector<16xi32>
    %jit3A = arith.constant 0.000000e+00 : f32
    %jit3A_600 = arith.constant -1.000000e+30 : f32
    %broadcast_in_dim3A_601 = vector.broadcast %jit3A : f32 to vector<16xf32>
    %broadcast_in_dim3A_602 = vector.broadcast %jit3A_600 : f32 to vector<16xf32>
    %select_n3A = arith.select %eq3A_599, %broadcast_in_dim3A_601, %broadcast_in_dim3A_602 : vector<16xi1>, vector<16xf32>
    %swap3A_603 = arith.constant 128 : index
    %swap3A_604 = tpu.vector_load %arg8[%swap3A_603] {strides = array<i32>} : memref<1536xf32, #tpu.memory_space<vmem>>, vector<16xf32>,
    tpu.vector_store %arg8[%swap3A_603], %select_n3A {strides = array<i32>} : memref<1536xf32, #tpu.memory_space<vmem>>, vector<16xf32>,
    %swap3A_605 = arith.constant 896 : index
    %swap3A_606 = tpu.vector_load %arg8[%swap3A_605] {strides = array<i32>} : memref<1536xf32, #tpu.memory_space<vmem>>, vector<16xf32>,
    tpu.vector_store %arg8[%swap3A_605], %select_n3A {strides = array<i32>} : memref<1536xf32, #tpu.memory_space<vmem>>, vector<16xf32>,
    %scan3A_607 = arith.constant 0 : i32
    %scan3A_608 = arith.constant 0 : i32
    %scan3A_609 = arith.constant 1024 : i32
    %scan3A_610 = arith.addi %scan3A_608, %scan3A_609 : i32
    %scan3A_611 = arith.constant 1 : i32
    scf.for %scan3A_616 = %scan3A_608 to %scan3A_610 step %scan3A_611  : i32 {
      %mul3A_617 = arith.constant 2 : i32
      %mul3A_618 = arith.muli %mul3A_617, %scan3A_616 : i32
      %sub3A = arith.constant 2047 : i32
      %sub3A_619 = arith.subi %sub3A, %mul3A_618 : i32
      %add3A_620 = arith.constant 1 : i32
      %add3A_621 = arith.addi %mul3A_618, %add3A_620 : i32
      %jit3A_622 = arith.constant 16 : i32
      %div3A = arith.divsi %add3A_621, %jit3A_622 : i32
      %sign3A = arith.constant 0 : i32
      %sign3A_623 = arith.cmpi sgt, %add3A_621, %sign3A : i32
      %sign3A_624 = arith.extui %sign3A_623 : i1 to i32
      %sign3A_625 = arith.constant 0 : i32
      %sign3A_626 = arith.cmpi slt, %add3A_621, %sign3A_625 : i32
      %sign3A_627 = arith.extui %sign3A_626 : i1 to i32
      %sign3A_628 = arith.subi %sign3A_624, %sign3A_627 : i32
      %sign3A_629 = arith.constant 0 : i32
      %sign3A_630 = arith.cmpi sgt, %jit3A_622, %sign3A_629 : i32
      %sign3A_631 = arith.extui %sign3A_630 : i1 to i32
      %sign3A_632 = arith.constant 0 : i32
      %sign3A_633 = arith.cmpi slt, %jit3A_622, %sign3A_632 : i32
      %sign3A_634 = arith.extui %sign3A_633 : i1 to i32
      %sign3A_635 = arith.subi %sign3A_631, %sign3A_634 : i32
      %ne3A = arith.cmpi ne, %sign3A_628, %sign3A_635 : i32
      %rem3A = arith.remsi %add3A_621, %jit3A_622 : i32
      %ne3A_636 = arith.constant 0 : i32
      %ne3A_637 = arith.cmpi ne, %rem3A, %ne3A_636 : i32
      %and3A = arith.andi %ne3A, %ne3A_637 : i1
      %sub3A_638 = arith.constant 1 : i32
      %sub3A_639 = arith.subi %div3A, %sub3A_638 : i32
      %select_n3A_640 = arith.select %and3A, %sub3A_639, %div3A : i32
      %mul3A_641 = arith.constant 5 : i32
      %mul3A_642 = arith.muli %mul3A_618, %mul3A_641 : i32
      %broadcast_in_dim3A_643 = vector.broadcast %mul3A_642 : i32 to vector<16xi32>
      %sub3A_644 = arith.subi %reduce_max3A_37, %sub3A_619 : i32
      %max3A = arith.constant 0 : i32
      %max3A_645 = arith.maxsi %sub3A_644, %max3A : i32
      %jit3A_646 = arith.constant 16 : i32
      %div3A_647 = arith.divsi %max3A_645, %jit3A_646 : i32
      %sign3A_648 = arith.constant 0 : i32
      %sign3A_649 = arith.cmpi sgt, %max3A_645, %sign3A_648 : i32
      %sign3A_650 = arith.extui %sign3A_649 : i1 to i32
      %sign3A_651 = arith.constant 0 : i32
      %sign3A_652 = arith.cmpi slt, %max3A_645, %sign3A_651 : i32
      %sign3A_653 = arith.extui %sign3A_652 : i1 to i32
      %sign3A_654 = arith.subi %sign3A_650, %sign3A_653 : i32
      %sign3A_655 = arith.constant 0 : i32
      %sign3A_656 = arith.cmpi sgt, %jit3A_646, %sign3A_655 : i32
      %sign3A_657 = arith.extui %sign3A_656 : i1 to i32
      %sign3A_658 = arith.constant 0 : i32
      %sign3A_659 = arith.cmpi slt, %jit3A_646, %sign3A_658 : i32
      %sign3A_660 = arith.extui %sign3A_659 : i1 to i32
      %sign3A_661 = arith.subi %sign3A_657, %sign3A_660 : i32
      %ne3A_662 = arith.cmpi ne, %sign3A_654, %sign3A_661 : i32
      %rem3A_663 = arith.remsi %max3A_645, %jit3A_646 : i32
      %ne3A_664 = arith.constant 0 : i32
      %ne3A_665 = arith.cmpi ne, %rem3A_663, %ne3A_664 : i32
      %and3A_666 = arith.andi %ne3A_662, %ne3A_665 : i1
      %sub3A_667 = arith.constant 1 : i32
      %sub3A_668 = arith.subi %div3A_647, %sub3A_667 : i32
      %select_n3A_669 = arith.select %and3A_666, %sub3A_668, %div3A_647 : i32
      %mul3A_670 = arith.constant 16 : i32
      %mul3A_671 = arith.muli %select_n3A_669, %mul3A_670 : i32
      %jit3A_672 = arith.constant 16 : i32
      %div3A_673 = arith.divsi %reduce_max3A_37, %jit3A_672 : i32
      %sign3A_674 = arith.constant 0 : i32
      %sign3A_675 = arith.cmpi sgt, %reduce_max3A_37, %sign3A_674 : i32
      %sign3A_676 = arith.extui %sign3A_675 : i1 to i32
      %sign3A_677 = arith.constant 0 : i32
      %sign3A_678 = arith.cmpi slt, %reduce_max3A_37, %sign3A_677 : i32
      %sign3A_679 = arith.extui %sign3A_678 : i1 to i32
      %sign3A_680 = arith.subi %sign3A_676, %sign3A_679 : i32
      %sign3A_681 = arith.constant 0 : i32
      %sign3A_682 = arith.cmpi sgt, %jit3A_672, %sign3A_681 : i32
      %sign3A_683 = arith.extui %sign3A_682 : i1 to i32
      %sign3A_684 = arith.constant 0 : i32
      %sign3A_685 = arith.cmpi slt, %jit3A_672, %sign3A_684 : i32
      %sign3A_686 = arith.extui %sign3A_685 : i1 to i32
      %sign3A_687 = arith.subi %sign3A_683, %sign3A_686 : i32
      %ne3A_688 = arith.cmpi ne, %sign3A_680, %sign3A_687 : i32
      %rem3A_689 = arith.remsi %reduce_max3A_37, %jit3A_672 : i32
      %ne3A_690 = arith.constant 0 : i32
      %ne3A_691 = arith.cmpi ne, %rem3A_689, %ne3A_690 : i32
      %and3A_692 = arith.andi %ne3A_688, %ne3A_691 : i1
      %sub3A_693 = arith.constant 1 : i32
      %sub3A_694 = arith.subi %div3A_673, %sub3A_693 : i32
      %select_n3A_695 = arith.select %and3A_692, %sub3A_694, %div3A_673 : i32
      %min3A = arith.minsi %select_n3A_640, %select_n3A_695 : i32
      %mul3A_696 = arith.constant 16 : i32
      %mul3A_697 = arith.muli %min3A, %mul3A_696 : i32
      %add3A_698 = arith.constant 16 : i32
      %add3A_699 = arith.addi %mul3A_697, %add3A_698 : i32
      %sub3A_700 = arith.subi %add3A_699, %mul3A_671 : i32
      %sub3A_701 = arith.subi %reduce_max3A_53, %sub3A_619 : i32
      %max3A_702 = arith.constant 0 : i32
      %max3A_703 = arith.maxsi %sub3A_701, %max3A_702 : i32
      %jit3A_704 = arith.constant 16 : i32
      %div3A_705 = arith.divsi %max3A_703, %jit3A_704 : i32
      %sign3A_706 = arith.constant 0 : i32
      %sign3A_707 = arith.cmpi sgt, %max3A_703, %sign3A_706 : i32
      %sign3A_708 = arith.extui %sign3A_707 : i1 to i32
      %sign3A_709 = arith.constant 0 : i32
      %sign3A_710 = arith.cmpi slt, %max3A_703, %sign3A_709 : i32
      %sign3A_711 = arith.extui %sign3A_710 : i1 to i32
      %sign3A_712 = arith.subi %sign3A_708, %sign3A_711 : i32
      %sign3A_713 = arith.constant 0 : i32
      %sign3A_714 = arith.cmpi sgt, %jit3A_704, %sign3A_713 : i32
      %sign3A_715 = arith.extui %sign3A_714 : i1 to i32
      %sign3A_716 = arith.constant 0 : i32
      %sign3A_717 = arith.cmpi slt, %jit3A_704, %sign3A_716 : i32
      %sign3A_718 = arith.extui %sign3A_717 : i1 to i32
      %sign3A_719 = arith.subi %sign3A_715, %sign3A_718 : i32
      %ne3A_720 = arith.cmpi ne, %sign3A_712, %sign3A_719 : i32
      %rem3A_721 = arith.remsi %max3A_703, %jit3A_704 : i32
      %ne3A_722 = arith.constant 0 : i32
      %ne3A_723 = arith.cmpi ne, %rem3A_721, %ne3A_722 : i32
      %and3A_724 = arith.andi %ne3A_720, %ne3A_723 : i1
      %sub3A_725 = arith.constant 1 : i32
      %sub3A_726 = arith.subi %div3A_705, %sub3A_725 : i32
      %select_n3A_727 = arith.select %and3A_724, %sub3A_726, %div3A_705 : i32
      %mul3A_728 = arith.constant 16 : i32
      %mul3A_729 = arith.muli %select_n3A_727, %mul3A_728 : i32
      %jit3A_730 = arith.constant 16 : i32
      %div3A_731 = arith.divsi %reduce_max3A_53, %jit3A_730 : i32
      %sign3A_732 = arith.constant 0 : i32
      %sign3A_733 = arith.cmpi sgt, %reduce_max3A_53, %sign3A_732 : i32
      %sign3A_734 = arith.extui %sign3A_733 : i1 to i32
      %sign3A_735 = arith.constant 0 : i32
      %sign3A_736 = arith.cmpi slt, %reduce_max3A_53, %sign3A_735 : i32
      %sign3A_737 = arith.extui %sign3A_736 : i1 to i32
      %sign3A_738 = arith.subi %sign3A_734, %sign3A_737 : i32
      %sign3A_739 = arith.constant 0 : i32
      %sign3A_740 = arith.cmpi sgt, %jit3A_730, %sign3A_739 : i32
      %sign3A_741 = arith.extui %sign3A_740 : i1 to i32
      %sign3A_742 = arith.constant 0 : i32
      %sign3A_743 = arith.cmpi slt, %jit3A_730, %sign3A_742 : i32
      %sign3A_744 = arith.extui %sign3A_743 : i1 to i32
      %sign3A_745 = arith.subi %sign3A_741, %sign3A_744 : i32
      %ne3A_746 = arith.cmpi ne, %sign3A_738, %sign3A_745 : i32
      %rem3A_747 = arith.remsi %reduce_max3A_53, %jit3A_730 : i32
      %ne3A_748 = arith.constant 0 : i32
      %ne3A_749 = arith.cmpi ne, %rem3A_747, %ne3A_748 : i32
      %and3A_750 = arith.andi %ne3A_746, %ne3A_749 : i1
      %sub3A_751 = arith.constant 1 : i32
      %sub3A_752 = arith.subi %div3A_731, %sub3A_751 : i32
      %select_n3A_753 = arith.select %and3A_750, %sub3A_752, %div3A_731 : i32
      %min3A_754 = arith.minsi %select_n3A_640, %select_n3A_753 : i32
      %mul3A_755 = arith.constant 16 : i32
      %mul3A_756 = arith.muli %min3A_754, %mul3A_755 : i32
      %add3A_757 = arith.constant 16 : i32
      %add3A_758 = arith.addi %mul3A_756, %add3A_757 : i32
      %sub3A_759 = arith.subi %add3A_758, %mul3A_729 : i32
      %add3A_760 = arith.addi %sub3A_700, %sub3A_759 : i32
      %add3A_761 = arith.constant 63 : i32
      %add3A_762 = arith.addi %add3A_760, %add3A_761 : i32
      %jit3A_763 = arith.constant 64 : i32
      %div3A_764 = arith.divsi %add3A_762, %jit3A_763 : i32
      %sign3A_765 = arith.constant 0 : i32
      %sign3A_766 = arith.cmpi sgt, %add3A_762, %sign3A_765 : i32
      %sign3A_767 = arith.extui %sign3A_766 : i1 to i32
      %sign3A_768 = arith.constant 0 : i32
      %sign3A_769 = arith.cmpi slt, %add3A_762, %sign3A_768 : i32
      %sign3A_770 = arith.extui %sign3A_769 : i1 to i32
      %sign3A_771 = arith.subi %sign3A_767, %sign3A_770 : i32
      %sign3A_772 = arith.constant 0 : i32
      %sign3A_773 = arith.cmpi sgt, %jit3A_763, %sign3A_772 : i32
      %sign3A_774 = arith.extui %sign3A_773 : i1 to i32
      %sign3A_775 = arith.constant 0 : i32
      %sign3A_776 = arith.cmpi slt, %jit3A_763, %sign3A_775 : i32
      %sign3A_777 = arith.extui %sign3A_776 : i1 to i32
      %sign3A_778 = arith.subi %sign3A_774, %sign3A_777 : i32
      %ne3A_779 = arith.cmpi ne, %sign3A_771, %sign3A_778 : i32
      %rem3A_780 = arith.remsi %add3A_762, %jit3A_763 : i32
      %ne3A_781 = arith.constant 0 : i32
      %ne3A_782 = arith.cmpi ne, %rem3A_780, %ne3A_781 : i32
      %and3A_783 = arith.andi %ne3A_779, %ne3A_782 : i1
      %sub3A_784 = arith.constant 1 : i32
      %sub3A_785 = arith.subi %div3A_764, %sub3A_784 : i32
      %select_n3A_786 = arith.select %and3A_783, %sub3A_785, %div3A_764 : i32
      %mul3A_787 = arith.constant 64 : i32
      %mul3A_788 = arith.muli %select_n3A_786, %mul3A_787 : i32
      %add3A_789 = arith.constant 128 : i32
      %add3A_790 = arith.addi %add3A_789, %mul3A_671 : i32
      %add3A_791 = arith.constant 896 : i32
      %add3A_792 = arith.addi %add3A_791, %mul3A_729 : i32
      %sub3A_793 = arith.subi %add3A_792, %sub3A_700 : i32
      %parallel_loop3A_794 = arith.constant 0 : i32
      %parallel_loop3A_795 = arith.constant 16 : i32
      scf.for %parallel_loop3A_983 = %parallel_loop3A_794 to %mul3A_788 step %parallel_loop3A_795  : i32 {
        %parallel_loop3A_984 = arith.cmpi sge, %parallel_loop3A_983, %sub3A_700 : i32
        %parallel_loop3A_985 = arith.select %parallel_loop3A_984, %sub3A_793, %add3A_790 : i32
        %parallel_loop3A_986 = arith.addi %parallel_loop3A_985, %parallel_loop3A_983 : i32
        %parallel_loop3A_987 = arith.index_cast %parallel_loop3A_986 : i32 to index
        %parallel_loop3A_988 = tpu.vector_load %arg8[%parallel_loop3A_987] {strides = array<i32>} : memref<1536xf32, #tpu.memory_space<vmem>>, vector<16xf32>,
        %parallel_loop3A_989 = arith.constant 1 : i32
        %parallel_loop3A_990 = arith.subi %parallel_loop3A_986, %parallel_loop3A_989 : i32
        %parallel_loop3A_991 = arith.index_cast %parallel_loop3A_990 : i32 to index
        %parallel_loop3A_992 = tpu.vector_load %arg8[%parallel_loop3A_991] {strides = array<i32>} : memref<1536xf32, #tpu.memory_space<vmem>>, vector<16xf32>,
        %parallel_loop3A_993 = arith.constant 128 : i32
        %parallel_loop3A_994 = arith.subi %parallel_loop3A_986, %parallel_loop3A_993 : i32
        %parallel_loop3A_995 = arith.index_cast %parallel_loop3A_994 : i32 to index
        %parallel_loop3A_996 = tpu.vector_load %arg7[%parallel_loop3A_995] {strides = array<i32>} : memref<1536xi32, #tpu.memory_space<vmem>>, vector<16xi32>,
        %parallel_loop3A_997 = arith.addi %broadcast_in_dim3A_643, %parallel_loop3A_996 : vector<16xi32>
        %parallel_loop3A_998 = tpu.vector_load_idx %arg6[%parallel_loop3A_997] : memref<20480xf32, #tpu.memory_space<vmem>>[vector<16xi32>], vector<16xf32>,
        %parallel_loop3A_999 = arith.addf %parallel_loop3A_992, %parallel_loop3A_998 : vector<16xf32>
        %parallel_loop3A_1000 = arith.maximumf %parallel_loop3A_988, %parallel_loop3A_999 : vector<16xf32>
        %parallel_loop3A_1001 = arith.minimumf %parallel_loop3A_988, %parallel_loop3A_999 : vector<16xf32>
        %parallel_loop3A_1002 = arith.subf %parallel_loop3A_1001, %parallel_loop3A_1000 : vector<16xf32>
        %parallel_loop3A_1003 = math.exp %parallel_loop3A_1002 : vector<16xf32>
        %parallel_loop3A_1004 = arith.constant -0.0747361481 : f32
        %parallel_loop3A_1005 = vector.broadcast %parallel_loop3A_1004 : f32 to vector<16xf32>
        %parallel_loop3A_1006 = arith.mulf %parallel_loop3A_1005, %parallel_loop3A_1003 : vector<16xf32>
        %parallel_loop3A_1007 = arith.constant 0.254622221 : f32
        %parallel_loop3A_1008 = vector.broadcast %parallel_loop3A_1007 : f32 to vector<16xf32>
        %parallel_loop3A_1009 = arith.addf %parallel_loop3A_1006, %parallel_loop3A_1008 : vector<16xf32>
        %parallel_loop3A_1010 = arith.mulf %parallel_loop3A_1009, %parallel_loop3A_1003 : vector<16xf32>
        %parallel_loop3A_1011 = arith.constant -0.486643076 : f32
        %parallel_loop3A_1012 = vector.broadcast %parallel_loop3A_1011 : f32 to vector<16xf32>
        %parallel_loop3A_1013 = arith.addf %parallel_loop3A_1010, %parallel_loop3A_1012 : vector<16xf32>
        %parallel_loop3A_1014 = arith.mulf %parallel_loop3A_1013, %parallel_loop3A_1003 : vector<16xf32>
        %parallel_loop3A_1015 = arith.constant 0.999620378 : f32
        %parallel_loop3A_1016 = vector.broadcast %parallel_loop3A_1015 : f32 to vector<16xf32>
        %parallel_loop3A_1017 = arith.addf %parallel_loop3A_1014, %parallel_loop3A_1016 : vector<16xf32>
        %parallel_loop3A_1018 = arith.mulf %parallel_loop3A_1017, %parallel_loop3A_1003 : vector<16xf32>
        %parallel_loop3A_1019 = arith.addf %parallel_loop3A_1000, %parallel_loop3A_1018 : vector<16xf32>
        %parallel_loop3A_1020 = arith.index_cast %parallel_loop3A_986 : i32 to index
        %parallel_loop3A_1021 = tpu.vector_load %arg9[%parallel_loop3A_1020] {strides = array<i32>} : memref<1536xf32, #tpu.memory_space<vmem>>, vector<16xf32>,
        tpu.vector_store %arg9[%parallel_loop3A_1020], %parallel_loop3A_1019 {strides = array<i32>} : memref<1536xf32, #tpu.memory_space<vmem>>, vector<16xf32>,
      } {sc.loop_unroll_factor = 4 : i64, sc.parallel_access}
      %add3A_796 = arith.constant 1 : i32
      %add3A_797 = arith.addi %mul3A_618, %add3A_796 : i32
      %sub3A_798 = arith.constant 2047 : i32
      %sub3A_799 = arith.subi %sub3A_798, %add3A_797 : i32
      %add3A_800 = arith.constant 1 : i32
      %add3A_801 = arith.addi %add3A_797, %add3A_800 : i32
      %jit3A_802 = arith.constant 16 : i32
      %div3A_803 = arith.divsi %add3A_801, %jit3A_802 : i32
      %sign3A_804 = arith.constant 0 : i32
      %sign3A_805 = arith.cmpi sgt, %add3A_801, %sign3A_804 : i32
      %sign3A_806 = arith.extui %sign3A_805 : i1 to i32
      %sign3A_807 = arith.constant 0 : i32
      %sign3A_808 = arith.cmpi slt, %add3A_801, %sign3A_807 : i32
      %sign3A_809 = arith.extui %sign3A_808 : i1 to i32
      %sign3A_810 = arith.subi %sign3A_806, %sign3A_809 : i32
      %sign3A_811 = arith.constant 0 : i32
      %sign3A_812 = arith.cmpi sgt, %jit3A_802, %sign3A_811 : i32
      %sign3A_813 = arith.extui %sign3A_812 : i1 to i32
      %sign3A_814 = arith.constant 0 : i32
      %sign3A_815 = arith.cmpi slt, %jit3A_802, %sign3A_814 : i32
      %sign3A_816 = arith.extui %sign3A_815 : i1 to i32
      %sign3A_817 = arith.subi %sign3A_813, %sign3A_816 : i32
      %ne3A_818 = arith.cmpi ne, %sign3A_810, %sign3A_817 : i32
      %rem3A_819 = arith.remsi %add3A_801, %jit3A_802 : i32
      %ne3A_820 = arith.constant 0 : i32
      %ne3A_821 = arith.cmpi ne, %rem3A_819, %ne3A_820 : i32
      %and3A_822 = arith.andi %ne3A_818, %ne3A_821 : i1
      %sub3A_823 = arith.constant 1 : i32
      %sub3A_824 = arith.subi %div3A_803, %sub3A_823 : i32
      %select_n3A_825 = arith.select %and3A_822, %sub3A_824, %div3A_803 : i32
      %mul3A_826 = arith.constant 5 : i32
      %mul3A_827 = arith.muli %add3A_797, %mul3A_826 : i32
      %broadcast_in_dim3A_828 = vector.broadcast %mul3A_827 : i32 to vector<16xi32>
      %sub3A_829 = arith.subi %reduce_max3A_37, %sub3A_799 : i32
      %max3A_830 = arith.constant 0 : i32
      %max3A_831 = arith.maxsi %sub3A_829, %max3A_830 : i32
      %jit3A_832 = arith.constant 16 : i32
      %div3A_833 = arith.divsi %max3A_831, %jit3A_832 : i32
      %sign3A_834 = arith.constant 0 : i32
      %sign3A_835 = arith.cmpi sgt, %max3A_831, %sign3A_834 : i32
      %sign3A_836 = arith.extui %sign3A_835 : i1 to i32
      %sign3A_837 = arith.constant 0 : i32
      %sign3A_838 = arith.cmpi slt, %max3A_831, %sign3A_837 : i32
      %sign3A_839 = arith.extui %sign3A_838 : i1 to i32
      %sign3A_840 = arith.subi %sign3A_836, %sign3A_839 : i32
      %sign3A_841 = arith.constant 0 : i32
      %sign3A_842 = arith.cmpi sgt, %jit3A_832, %sign3A_841 : i32
      %sign3A_843 = arith.extui %sign3A_842 : i1 to i32
      %sign3A_844 = arith.constant 0 : i32
      %sign3A_845 = arith.cmpi slt, %jit3A_832, %sign3A_844 : i32
      %sign3A_846 = arith.extui %sign3A_845 : i1 to i32
      %sign3A_847 = arith.subi %sign3A_843, %sign3A_846 : i32
      %ne3A_848 = arith.cmpi ne, %sign3A_840, %sign3A_847 : i32
      %rem3A_849 = arith.remsi %max3A_831, %jit3A_832 : i32
      %ne3A_850 = arith.constant 0 : i32
      %ne3A_851 = arith.cmpi ne, %rem3A_849, %ne3A_850 : i32
      %and3A_852 = arith.andi %ne3A_848, %ne3A_851 : i1
      %sub3A_853 = arith.constant 1 : i32
      %sub3A_854 = arith.subi %div3A_833, %sub3A_853 : i32
      %select_n3A_855 = arith.select %and3A_852, %sub3A_854, %div3A_833 : i32
      %mul3A_856 = arith.constant 16 : i32
      %mul3A_857 = arith.muli %select_n3A_855, %mul3A_856 : i32
      %jit3A_858 = arith.constant 16 : i32
      %div3A_859 = arith.divsi %reduce_max3A_37, %jit3A_858 : i32
      %sign3A_860 = arith.constant 0 : i32
      %sign3A_861 = arith.cmpi sgt, %reduce_max3A_37, %sign3A_860 : i32
      %sign3A_862 = arith.extui %sign3A_861 : i1 to i32
      %sign3A_863 = arith.constant 0 : i32
      %sign3A_864 = arith.cmpi slt, %reduce_max3A_37, %sign3A_863 : i32
      %sign3A_865 = arith.extui %sign3A_864 : i1 to i32
      %sign3A_866 = arith.subi %sign3A_862, %sign3A_865 : i32
      %sign3A_867 = arith.constant 0 : i32
      %sign3A_868 = arith.cmpi sgt, %jit3A_858, %sign3A_867 : i32
      %sign3A_869 = arith.extui %sign3A_868 : i1 to i32
      %sign3A_870 = arith.constant 0 : i32
      %sign3A_871 = arith.cmpi slt, %jit3A_858, %sign3A_870 : i32
      %sign3A_872 = arith.extui %sign3A_871 : i1 to i32
      %sign3A_873 = arith.subi %sign3A_869, %sign3A_872 : i32
      %ne3A_874 = arith.cmpi ne, %sign3A_866, %sign3A_873 : i32
      %rem3A_875 = arith.remsi %reduce_max3A_37, %jit3A_858 : i32
      %ne3A_876 = arith.constant 0 : i32
      %ne3A_877 = arith.cmpi ne, %rem3A_875, %ne3A_876 : i32
      %and3A_878 = arith.andi %ne3A_874, %ne3A_877 : i1
      %sub3A_879 = arith.constant 1 : i32
      %sub3A_880 = arith.subi %div3A_859, %sub3A_879 : i32
      %select_n3A_881 = arith.select %and3A_878, %sub3A_880, %div3A_859 : i32
      %min3A_882 = arith.minsi %select_n3A_825, %select_n3A_881 : i32
      %mul3A_883 = arith.constant 16 : i32
      %mul3A_884 = arith.muli %min3A_882, %mul3A_883 : i32
      %add3A_885 = arith.constant 16 : i32
      %add3A_886 = arith.addi %mul3A_884, %add3A_885 : i32
      %sub3A_887 = arith.subi %add3A_886, %mul3A_857 : i32
      %sub3A_888 = arith.subi %reduce_max3A_53, %sub3A_799 : i32
      %max3A_889 = arith.constant 0 : i32
      %max3A_890 = arith.maxsi %sub3A_888, %max3A_889 : i32
      %jit3A_891 = arith.constant 16 : i32
      %div3A_892 = arith.divsi %max3A_890, %jit3A_891 : i32
      %sign3A_893 = arith.constant 0 : i32
      %sign3A_894 = arith.cmpi sgt, %max3A_890, %sign3A_893 : i32
      %sign3A_895 = arith.extui %sign3A_894 : i1 to i32
      %sign3A_896 = arith.constant 0 : i32
      %sign3A_897 = arith.cmpi slt, %max3A_890, %sign3A_896 : i32
      %sign3A_898 = arith.extui %sign3A_897 : i1 to i32
      %sign3A_899 = arith.subi %sign3A_895, %sign3A_898 : i32
      %sign3A_900 = arith.constant 0 : i32
      %sign3A_901 = arith.cmpi sgt, %jit3A_891, %sign3A_900 : i32
      %sign3A_902 = arith.extui %sign3A_901 : i1 to i32
      %sign3A_903 = arith.constant 0 : i32
      %sign3A_904 = arith.cmpi slt, %jit3A_891, %sign3A_903 : i32
      %sign3A_905 = arith.extui %sign3A_904 : i1 to i32
      %sign3A_906 = arith.subi %sign3A_902, %sign3A_905 : i32
      %ne3A_907 = arith.cmpi ne, %sign3A_899, %sign3A_906 : i32
      %rem3A_908 = arith.remsi %max3A_890, %jit3A_891 : i32
      %ne3A_909 = arith.constant 0 : i32
      %ne3A_910 = arith.cmpi ne, %rem3A_908, %ne3A_909 : i32
      %and3A_911 = arith.andi %ne3A_907, %ne3A_910 : i1
      %sub3A_912 = arith.constant 1 : i32
      %sub3A_913 = arith.subi %div3A_892, %sub3A_912 : i32
      %select_n3A_914 = arith.select %and3A_911, %sub3A_913, %div3A_892 : i32
      %mul3A_915 = arith.constant 16 : i32
      %mul3A_916 = arith.muli %select_n3A_914, %mul3A_915 : i32
      %jit3A_917 = arith.constant 16 : i32
      %div3A_918 = arith.divsi %reduce_max3A_53, %jit3A_917 : i32
      %sign3A_919 = arith.constant 0 : i32
      %sign3A_920 = arith.cmpi sgt, %reduce_max3A_53, %sign3A_919 : i32
      %sign3A_921 = arith.extui %sign3A_920 : i1 to i32
      %sign3A_922 = arith.constant 0 : i32
      %sign3A_923 = arith.cmpi slt, %reduce_max3A_53, %sign3A_922 : i32
      %sign3A_924 = arith.extui %sign3A_923 : i1 to i32
      %sign3A_925 = arith.subi %sign3A_921, %sign3A_924 : i32
      %sign3A_926 = arith.constant 0 : i32
      %sign3A_927 = arith.cmpi sgt, %jit3A_917, %sign3A_926 : i32
      %sign3A_928 = arith.extui %sign3A_927 : i1 to i32
      %sign3A_929 = arith.constant 0 : i32
      %sign3A_930 = arith.cmpi slt, %jit3A_917, %sign3A_929 : i32
      %sign3A_931 = arith.extui %sign3A_930 : i1 to i32
      %sign3A_932 = arith.subi %sign3A_928, %sign3A_931 : i32
      %ne3A_933 = arith.cmpi ne, %sign3A_925, %sign3A_932 : i32
      %rem3A_934 = arith.remsi %reduce_max3A_53, %jit3A_917 : i32
      %ne3A_935 = arith.constant 0 : i32
      %ne3A_936 = arith.cmpi ne, %rem3A_934, %ne3A_935 : i32
      %and3A_937 = arith.andi %ne3A_933, %ne3A_936 : i1
      %sub3A_938 = arith.constant 1 : i32
      %sub3A_939 = arith.subi %div3A_918, %sub3A_938 : i32
      %select_n3A_940 = arith.select %and3A_937, %sub3A_939, %div3A_918 : i32
      %min3A_941 = arith.minsi %select_n3A_825, %select_n3A_940 : i32
      %mul3A_942 = arith.constant 16 : i32
      %mul3A_943 = arith.muli %min3A_941, %mul3A_942 : i32
      %add3A_944 = arith.constant 16 : i32
      %add3A_945 = arith.addi %mul3A_943, %add3A_944 : i32
      %sub3A_946 = arith.subi %add3A_945, %mul3A_916 : i32
      %add3A_947 = arith.addi %sub3A_887, %sub3A_946 : i32
      %add3A_948 = arith.constant 63 : i32
      %add3A_949 = arith.addi %add3A_947, %add3A_948 : i32
      %jit3A_950 = arith.constant 64 : i32
      %div3A_951 = arith.divsi %add3A_949, %jit3A_950 : i32
      %sign3A_952 = arith.constant 0 : i32
      %sign3A_953 = arith.cmpi sgt, %add3A_949, %sign3A_952 : i32
      %sign3A_954 = arith.extui %sign3A_953 : i1 to i32
      %sign3A_955 = arith.constant 0 : i32
      %sign3A_956 = arith.cmpi slt, %add3A_949, %sign3A_955 : i32
      %sign3A_957 = arith.extui %sign3A_956 : i1 to i32
      %sign3A_958 = arith.subi %sign3A_954, %sign3A_957 : i32
      %sign3A_959 = arith.constant 0 : i32
      %sign3A_960 = arith.cmpi sgt, %jit3A_950, %sign3A_959 : i32
      %sign3A_961 = arith.extui %sign3A_960 : i1 to i32
      %sign3A_962 = arith.constant 0 : i32
      %sign3A_963 = arith.cmpi slt, %jit3A_950, %sign3A_962 : i32
      %sign3A_964 = arith.extui %sign3A_963 : i1 to i32
      %sign3A_965 = arith.subi %sign3A_961, %sign3A_964 : i32
      %ne3A_966 = arith.cmpi ne, %sign3A_958, %sign3A_965 : i32
      %rem3A_967 = arith.remsi %add3A_949, %jit3A_950 : i32
      %ne3A_968 = arith.constant 0 : i32
      %ne3A_969 = arith.cmpi ne, %rem3A_967, %ne3A_968 : i32
      %and3A_970 = arith.andi %ne3A_966, %ne3A_969 : i1
      %sub3A_971 = arith.constant 1 : i32
      %sub3A_972 = arith.subi %div3A_951, %sub3A_971 : i32
      %select_n3A_973 = arith.select %and3A_970, %sub3A_972, %div3A_951 : i32
      %mul3A_974 = arith.constant 64 : i32
      %mul3A_975 = arith.muli %select_n3A_973, %mul3A_974 : i32
      %add3A_976 = arith.constant 128 : i32
      %add3A_977 = arith.addi %add3A_976, %mul3A_857 : i32
      %add3A_978 = arith.constant 896 : i32
      %add3A_979 = arith.addi %add3A_978, %mul3A_916 : i32
      %sub3A_980 = arith.subi %add3A_979, %sub3A_887 : i32
      %parallel_loop3A_981 = arith.constant 0 : i32
      %parallel_loop3A_982 = arith.constant 16 : i32
      scf.for %parallel_loop3A_983 = %parallel_loop3A_981 to %mul3A_975 step %parallel_loop3A_982  : i32 {
        %parallel_loop3A_984 = arith.cmpi sge, %parallel_loop3A_983, %sub3A_887 : i32
        %parallel_loop3A_985 = arith.select %parallel_loop3A_984, %sub3A_980, %add3A_977 : i32
        %parallel_loop3A_986 = arith.addi %parallel_loop3A_985, %parallel_loop3A_983 : i32
        %parallel_loop3A_987 = arith.index_cast %parallel_loop3A_986 : i32 to index
        %parallel_loop3A_988 = tpu.vector_load %arg9[%parallel_loop3A_987] {strides = array<i32>} : memref<1536xf32, #tpu.memory_space<vmem>>, vector<16xf32>,
        %parallel_loop3A_989 = arith.constant 1 : i32
        %parallel_loop3A_990 = arith.subi %parallel_loop3A_986, %parallel_loop3A_989 : i32
        %parallel_loop3A_991 = arith.index_cast %parallel_loop3A_990 : i32 to index
        %parallel_loop3A_992 = tpu.vector_load %arg9[%parallel_loop3A_991] {strides = array<i32>} : memref<1536xf32, #tpu.memory_space<vmem>>, vector<16xf32>,
        %parallel_loop3A_993 = arith.constant 128 : i32
        %parallel_loop3A_994 = arith.subi %parallel_loop3A_986, %parallel_loop3A_993 : i32
        %parallel_loop3A_995 = arith.index_cast %parallel_loop3A_994 : i32 to index
        %parallel_loop3A_996 = tpu.vector_load %arg7[%parallel_loop3A_995] {strides = array<i32>} : memref<1536xi32, #tpu.memory_space<vmem>>, vector<16xi32>,
        %parallel_loop3A_997 = arith.addi %broadcast_in_dim3A_828, %parallel_loop3A_996 : vector<16xi32>
        %parallel_loop3A_998 = tpu.vector_load_idx %arg6[%parallel_loop3A_997] : memref<20480xf32, #tpu.memory_space<vmem>>[vector<16xi32>], vector<16xf32>,
        %parallel_loop3A_999 = arith.addf %parallel_loop3A_992, %parallel_loop3A_998 : vector<16xf32>
        %parallel_loop3A_1000 = arith.maximumf %parallel_loop3A_988, %parallel_loop3A_999 : vector<16xf32>
        %parallel_loop3A_1001 = arith.minimumf %parallel_loop3A_988, %parallel_loop3A_999 : vector<16xf32>
        %parallel_loop3A_1002 = arith.subf %parallel_loop3A_1001, %parallel_loop3A_1000 : vector<16xf32>
        %parallel_loop3A_1003 = math.exp %parallel_loop3A_1002 : vector<16xf32>
        %parallel_loop3A_1004 = arith.constant -0.0747361481 : f32
        %parallel_loop3A_1005 = vector.broadcast %parallel_loop3A_1004 : f32 to vector<16xf32>
        %parallel_loop3A_1006 = arith.mulf %parallel_loop3A_1005, %parallel_loop3A_1003 : vector<16xf32>
        %parallel_loop3A_1007 = arith.constant 0.254622221 : f32
        %parallel_loop3A_1008 = vector.broadcast %parallel_loop3A_1007 : f32 to vector<16xf32>
        %parallel_loop3A_1009 = arith.addf %parallel_loop3A_1006, %parallel_loop3A_1008 : vector<16xf32>
        %parallel_loop3A_1010 = arith.mulf %parallel_loop3A_1009, %parallel_loop3A_1003 : vector<16xf32>
        %parallel_loop3A_1011 = arith.constant -0.486643076 : f32
        %parallel_loop3A_1012 = vector.broadcast %parallel_loop3A_1011 : f32 to vector<16xf32>
        %parallel_loop3A_1013 = arith.addf %parallel_loop3A_1010, %parallel_loop3A_1012 : vector<16xf32>
        %parallel_loop3A_1014 = arith.mulf %parallel_loop3A_1013, %parallel_loop3A_1003 : vector<16xf32>
        %parallel_loop3A_1015 = arith.constant 0.999620378 : f32
        %parallel_loop3A_1016 = vector.broadcast %parallel_loop3A_1015 : f32 to vector<16xf32>
        %parallel_loop3A_1017 = arith.addf %parallel_loop3A_1014, %parallel_loop3A_1016 : vector<16xf32>
        %parallel_loop3A_1018 = arith.mulf %parallel_loop3A_1017, %parallel_loop3A_1003 : vector<16xf32>
        %parallel_loop3A_1019 = arith.addf %parallel_loop3A_1000, %parallel_loop3A_1018 : vector<16xf32>
        %parallel_loop3A_1020 = arith.index_cast %parallel_loop3A_986 : i32 to index
        %parallel_loop3A_1021 = tpu.vector_load %arg8[%parallel_loop3A_1020] {strides = array<i32>} : memref<1536xf32, #tpu.memory_space<vmem>>, vector<16xf32>,
        tpu.vector_store %arg8[%parallel_loop3A_1020], %parallel_loop3A_1019 {strides = array<i32>} : memref<1536xf32, #tpu.memory_space<vmem>>, vector<16xf32>,
      } {sc.loop_unroll_factor = 4 : i64, sc.parallel_access}
    }
    %scan3A_612 = arith.constant 1024 : i32
    %parallel_loop3A_613 = arith.constant 0 : i32
    %parallel_loop3A_614 = arith.constant 640 : i32
    %parallel_loop3A_615 = arith.constant 16 : i32
    scf.for %parallel_loop3A_616 = %parallel_loop3A_613 to %parallel_loop3A_614 step %parallel_loop3A_615  : i32 {
      %parallel_loop3A_617 = arith.constant 128 : i32
      %parallel_loop3A_618 = arith.addi %parallel_loop3A_617, %parallel_loop3A_616 : i32
      %parallel_loop3A_619 = arith.index_cast %parallel_loop3A_618 : i32 to index
      %parallel_loop3A_620 = tpu.vector_load %arg8[%parallel_loop3A_619] {strides = array<i32>} : memref<1536xf32, #tpu.memory_space<vmem>>, vector<16xf32>,
      %parallel_loop3A_621 = vector.broadcast %reduce_sum3A_69 : f32 to vector<16xf32>
      %parallel_loop3A_622 = arith.addf %parallel_loop3A_620, %parallel_loop3A_621 : vector<16xf32>
      %parallel_loop3A_623 = arith.constant 128 : i32
      %parallel_loop3A_624 = arith.addi %parallel_loop3A_623, %parallel_loop3A_616 : i32
      %parallel_loop3A_625 = arith.index_cast %parallel_loop3A_624 : i32 to index
      %parallel_loop3A_626 = tpu.vector_load %arg8[%parallel_loop3A_625] {strides = array<i32>} : memref<1536xf32, #tpu.memory_space<vmem>>, vector<16xf32>,
      tpu.vector_store %arg8[%parallel_loop3A_625], %parallel_loop3A_622 {strides = array<i32>} : memref<1536xf32, #tpu.memory_space<vmem>>, vector<16xf32>,
      %parallel_loop3A_627 = arith.constant 896 : i32
      %parallel_loop3A_628 = arith.addi %parallel_loop3A_627, %parallel_loop3A_616 : i32
      %parallel_loop3A_629 = arith.index_cast %parallel_loop3A_628 : i32 to index
      %parallel_loop3A_630 = tpu.vector_load %arg8[%parallel_loop3A_629] {strides = array<i32>} : memref<1536xf32, #tpu.memory_space<vmem>>, vector<16xf32>,
      %parallel_loop3A_631 = vector.broadcast %reduce_sum3A_81 : f32 to vector<16xf32>
      %parallel_loop3A_632 = arith.addf %parallel_loop3A_630, %parallel_loop3A_631 : vector<16xf32>
      %parallel_loop3A_633 = arith.constant 896 : i32
      %parallel_loop3A_634 = arith.addi %parallel_loop3A_633, %parallel_loop3A_616 : i32
      %parallel_loop3A_635 = arith.index_cast %parallel_loop3A_634 : i32 to index
      %parallel_loop3A_636 = tpu.vector_load %arg8[%parallel_loop3A_635] {strides = array<i32>} : memref<1536xf32, #tpu.memory_space<vmem>>, vector<16xf32>,
      tpu.vector_store %arg8[%parallel_loop3A_635], %parallel_loop3A_632 {strides = array<i32>} : memref<1536xf32, #tpu.memory_space<vmem>>, vector<16xf32>,
    } {sc.loop_unroll_factor = 4 : i64, sc.parallel_access}
    "tpu.region"() ({
      %run_scoped3A = tpu.sem_alloc : memref<!tpu.dma_semaphore, #tpu.memory_space<semaphore_mem>>
      %dma_start3A = arith.constant 128 : i32
      %dma_start3A_616 = tpu.memref_slice %arg8[%dma_start3A] : memref<1536xf32, #tpu.memory_space<vmem>> -> memref<640xf32, #tpu.memory_space<vmem>>
      %dma_start3A_617 = arith.constant 0 : i32
      %dma_start3A_618 = tpu.memref_slice %arg5[%reduce_max3A_9, %dma_start3A_617] : memref<64x640xf32, #tpu.memory_space<hbm>> -> memref<1x640xf32, #tpu.memory_space<hbm>>
      %dma_start3A_619 = tpu.memref_squeeze %dma_start3A_618 : memref<1x640xf32, #tpu.memory_space<hbm>> -> memref<640xf32, #tpu.memory_space<hbm>>
      %dma_start3A_620 = arith.constant 0 : i32
      %dma_start3A_621 = tpu.memref_slice %arg5[%reduce_max3A_9, %dma_start3A_620] : memref<64x640xf32, #tpu.memory_space<hbm>> -> memref<1x640xf32, #tpu.memory_space<hbm>>
      %dma_start3A_622 = tpu.memref_squeeze %dma_start3A_621 : memref<1x640xf32, #tpu.memory_space<hbm>> -> memref<640xf32, #tpu.memory_space<hbm>>
      %dma_start3A_623 = arith.constant 128 : i32
      %dma_start3A_624 = tpu.memref_slice %arg8[%dma_start3A_623] : memref<1536xf32, #tpu.memory_space<vmem>> -> memref<640xf32, #tpu.memory_space<vmem>>
      tpu.enqueue_dma source(%dma_start3A_624 : memref<640xf32, #tpu.memory_space<vmem>>) target(%dma_start3A_622 : memref<640xf32, #tpu.memory_space<hbm>>) target_semaphore(%run_scoped3A : memref<!tpu.dma_semaphore, #tpu.memory_space<semaphore_mem>>)
      %dma_wait3A = arith.constant 128 : i32
      %dma_wait3A_625 = tpu.memref_slice %arg8[%dma_wait3A] : memref<1536xf32, #tpu.memory_space<vmem>> -> memref<640xf32, #tpu.memory_space<vmem>>
      %dma_wait3A_626 = arith.constant 0 : i32
      %dma_wait3A_627 = tpu.memref_slice %arg5[%reduce_max3A_9, %dma_wait3A_626] : memref<64x640xf32, #tpu.memory_space<hbm>> -> memref<1x640xf32, #tpu.memory_space<hbm>>
      %dma_wait3A_628 = tpu.memref_squeeze %dma_wait3A_627 : memref<1x640xf32, #tpu.memory_space<hbm>> -> memref<640xf32, #tpu.memory_space<hbm>>
      %dma_wait3A_629 = arith.constant 0 : i32
      %dma_wait3A_630 = tpu.memref_slice %arg5[%reduce_max3A_9, %dma_wait3A_629] : memref<64x640xf32, #tpu.memory_space<hbm>> -> memref<1x640xf32, #tpu.memory_space<hbm>>
      %dma_wait3A_631 = tpu.memref_squeeze %dma_wait3A_630 : memref<1x640xf32, #tpu.memory_space<hbm>> -> memref<640xf32, #tpu.memory_space<hbm>>
      %dma_wait3A_632 = arith.constant 128 : i32
      %dma_wait3A_633 = tpu.memref_slice %arg8[%dma_wait3A_632] : memref<1536xf32, #tpu.memory_space<vmem>> -> memref<640xf32, #tpu.memory_space<vmem>>
      tpu.wait_dma2 semaphore(%run_scoped3A : memref<!tpu.dma_semaphore, #tpu.memory_space<semaphore_mem>>) src(%dma_wait3A_633 : memref<640xf32, #tpu.memory_space<vmem>>) dst(%dma_wait3A_631 : memref<640xf32, #tpu.memory_space<hbm>>)
      tpu.yield
    }) : () -> ()
    "tpu.region"() ({
      %run_scoped3A = tpu.sem_alloc : memref<!tpu.dma_semaphore, #tpu.memory_space<semaphore_mem>>
      %dma_start3A = arith.constant 896 : i32
      %dma_start3A_616 = tpu.memref_slice %arg8[%dma_start3A] : memref<1536xf32, #tpu.memory_space<vmem>> -> memref<640xf32, #tpu.memory_space<vmem>>
      %dma_start3A_617 = arith.constant 0 : i32
      %dma_start3A_618 = tpu.memref_slice %arg5[%reduce_max3A_23, %dma_start3A_617] : memref<64x640xf32, #tpu.memory_space<hbm>> -> memref<1x640xf32, #tpu.memory_space<hbm>>
      %dma_start3A_619 = tpu.memref_squeeze %dma_start3A_618 : memref<1x640xf32, #tpu.memory_space<hbm>> -> memref<640xf32, #tpu.memory_space<hbm>>
      %dma_start3A_620 = arith.constant 0 : i32
      %dma_start3A_621 = tpu.memref_slice %arg5[%reduce_max3A_23, %dma_start3A_620] : memref<64x640xf32, #tpu.memory_space<hbm>> -> memref<1x640xf32, #tpu.memory_space<hbm>>
      %dma_start3A_622 = tpu.memref_squeeze %dma_start3A_621 : memref<1x640xf32, #tpu.memory_space<hbm>> -> memref<640xf32, #tpu.memory_space<hbm>>
      %dma_start3A_623 = arith.constant 896 : i32
      %dma_start3A_624 = tpu.memref_slice %arg8[%dma_start3A_623] : memref<1536xf32, #tpu.memory_space<vmem>> -> memref<640xf32, #tpu.memory_space<vmem>>
      tpu.enqueue_dma source(%dma_start3A_624 : memref<640xf32, #tpu.memory_space<vmem>>) target(%dma_start3A_622 : memref<640xf32, #tpu.memory_space<hbm>>) target_semaphore(%run_scoped3A : memref<!tpu.dma_semaphore, #tpu.memory_space<semaphore_mem>>)
      %dma_wait3A = arith.constant 896 : i32
      %dma_wait3A_625 = tpu.memref_slice %arg8[%dma_wait3A] : memref<1536xf32, #tpu.memory_space<vmem>> -> memref<640xf32, #tpu.memory_space<vmem>>
      %dma_wait3A_626 = arith.constant 0 : i32
      %dma_wait3A_627 = tpu.memref_slice %arg5[%reduce_max3A_23, %dma_wait3A_626] : memref<64x640xf32, #tpu.memory_space<hbm>> -> memref<1x640xf32, #tpu.memory_space<hbm>>
      %dma_wait3A_628 = tpu.memref_squeeze %dma_wait3A_627 : memref<1x640xf32, #tpu.memory_space<hbm>> -> memref<640xf32, #tpu.memory_space<hbm>>
      %dma_wait3A_629 = arith.constant 0 : i32
      %dma_wait3A_630 = tpu.memref_slice %arg5[%reduce_max3A_23, %dma_wait3A_629] : memref<64x640xf32, #tpu.memory_space<hbm>> -> memref<1x640xf32, #tpu.memory_space<hbm>>
      %dma_wait3A_631 = tpu.memref_squeeze %dma_wait3A_630 : memref<1x640xf32, #tpu.memory_space<hbm>> -> memref<640xf32, #tpu.memory_space<hbm>>
      %dma_wait3A_632 = arith.constant 896 : i32
      %dma_wait3A_633 = tpu.memref_slice %arg8[%dma_wait3A_632] : memref<1536xf32, #tpu.memory_space<vmem>> -> memref<640xf32, #tpu.memory_space<vmem>>
      tpu.wait_dma2 semaphore(%run_scoped3A : memref<!tpu.dma_semaphore, #tpu.memory_space<semaphore_mem>>) src(%dma_wait3A_633 : memref<640xf32, #tpu.memory_space<vmem>>) dst(%dma_wait3A_631 : memref<640xf32, #tpu.memory_space<hbm>>)
      tpu.yield
    }) : () -> ()
    return
  }
}

</mosaic_0001>

<sc_bundles>
// kernel: kernel.3.cloned.1.call-start
scs
__scs_entry_jumppad:
0x0: {  	(pc) =	sbr.rel $0x88, $3  }
0x1: {  	(tag) =	ssettag $0x0;
	lr =	simm.s32 $0x1  }
0x2: {  	[smem:$0x3F9E] =	sst lr;
	_ =	strace $0xD0000000  }
0x3: {  	_ = 	snop  }
0x4: {  	_ = 	snop  }
0x5: {  	_ = 	snop  }
0x6: {  	_ = 	snop  }
0x7: {  	_ = 	snop  }
__scs_overlays_trampoline_lowered:
0x8: {  	[smem:$0x3FAD] =	sst s0  }
0x9: {  	[smem:$0x3FAE] =	sst s1  }
0xa: {  	[smem:$0x3FAF] =	sst s2  }
0xb: {  	[smem:$0x3FB0] =	sst s3  }
0xc: {  	[smem:$0x3FB1] =	sst s4  }
0xd: {  	[smem:$0x3FB2] =	sst s5  }
0xe: {  	[smem:$0x3FB3] =	sst s6  }
0xf: {  	[smem:$0x3FB4] =	sst s7  }
0x10: {  	[smem:$0x3FB5] =	sst s8  }
0x11: {  	[smem:$0x3FB6] =	sst s9;
	s0 =	simm.s32 @!p0 $0x0  }
0x12: {  	s1 =	sld [smem:$0x3F9C];
	s0 =	simm.s32 @p0 $0x1  }
0x13: {  	[smem:$0x3FB7] =	sst s0;
	s0 =	simm.s32 @!p1 $0x0  }
0x14: {  	s2 =	sld [smem:$0x3F9B];
	s0 =	simm.s32 @p1 $0x1  }
0x15: {  	[smem:$0x3FB8] =	sst s0;
	s0 =	simm.s32 @!p2 $0x0  }
0x16: {  	s3 =	sld [smem:$0x3FDB];
	s0 =	simm.s32 @p2 $0x1  }
0x17: {  	s4 =	simm.s32 $0x1BF5;
	[smem:$0x3FBA] =	sst s0  }
0x18: {  	s0 =	sld [smem:$0x3F9D];
	_ =	swait.ge [sflag:s4], $0x0  }
0x19: {  	s7 =	sld [smem:$0x3F9E]  }
0x1a: {  	s8 =	sadd.s32 $0xFFFFE003, lr  }
0x1b: {  	s9 =	sadd.s32 $0xFFFFFEF7, lr;
	s5 =	simm.s32 $0xFFFFFFFF;
	p2 =	slt.u32 s8, $0xFFFFF086  }
0x1c: {  	p1 =	slt.u32 s9, $0xF7A;
	s5 =	simm.s32 @!p2 $0x0  }
0x1d: {  	s5 =	simm.s32 @p1 $0x1;
	p0 =	seq.s32 s7, s2  }
0x1e: {  	s7 =	smul.u32 @!p0 $0xF7A, s2;
	p2 =	seq.s32 @!p0 s5, $0x0  }
0x1f: {  	s9 =	smul.u32 $0xF7A, s1;
	s8 =	simm.s32 @!p0 $0x1BF5;
	p2 =	por !p2, p0  }
0x20: {  	[sflag:s8] =	ssyncset.s32 @!p0 $0xFFFFF086;
	s6 =	sadd.s32 @!p0 s3, s7;
	s7 =	simm.s32 @!p0 $0x108  }
0x21: {  	s3 =	sadd.s32 s3, s9;
	s6 =	sadd.s32 @!p0 $0x88, s6;
	s7 =	simm.s32 @p2 $0x1082  }
0x22: {  	[simem:s7], [sflag:s8] =	dma.local @!p0 [hbm:s6], $0xF7A  }
0x23: {  	s9 =	sor.u32 $0xD0000000, s2;
	s6 =	simm.s32 $0x108;
	_ =	swait.ge @!p0 [sflag:s8], $0x0  }
0x24: {  	s3 =	sadd.s32 $0x88, s3;
	s6 =	simm.s32 @!p1 $0x1082;
	[sflag:s4] =	ssyncset.s32 $0xFFFFF086  }
0x25: {  	[simem:s6], [sflag:s4] =	dma.local [hbm:s3], $0xF7A  }
0x26: {  	[smem:$0x3F9E] =	sst s1;
	(tag) =	ssettag s2;
	_ =	strace s9  }
0x27: {  	s1 =	sld [smem:$0x3FAE]  }
0x28: {  	s2 =	sld [smem:$0x3FAF]  }
0x29: {  	s4 =	sld [smem:$0x3FB1]  }
0x2a: {  	p0 =	seq.s32 s5, $0x0;
	s5 =	sld [smem:$0x3FB2]  }
0x2b: {  	s6 =	sld [smem:$0x3FB3]  }
0x2c: {  	s7 =	sld [smem:$0x3FB4]  }
0x2d: {  	s3 =	simm.s32 $0x108;
	s8 =	sld [smem:$0x3FB5]  }
0x2e: {  	s3 =	simm.s32 @!p0 $0x1082;
	s9 =	sld [smem:$0x3FB6]  }
0x2f: {  	lr =	sadd.s32 s0, s3;
	s0 =	sld [smem:$0x3FAD]  }
0x30: {  	s3 =	sld [smem:$0x3FB0]  }
0x31: {  	[smem:$0x3FB9] =	sst s10  }
0x32: {  	s10 =	sld [smem:$0x3FB7];
	_ =	sdelay $0x3  }
0x33: {  	p0 =	seq.s32 s10, $0x1;
	s10 =	sld [smem:$0x3FB9];
	_ =	sdelay $0x3  }
0x34: {  	[smem:$0x3FB9] =	sst s10  }
0x35: {  	s10 =	sld [smem:$0x3FB8];
	_ =	sdelay $0x3  }
0x36: {  	p1 =	seq.s32 s10, $0x1;
	s10 =	sld [smem:$0x3FB9];
	_ =	sdelay $0x3  }
0x37: {  	[smem:$0x3FB9] =	sst s10  }
0x38: {  	s10 =	sld [smem:$0x3FBA]  }
0x39: {  	_ = 	snop;
	(pc) =	sbr.ind lr, $3  }
0x3a: {  	_ = 	snop  }
0x3b: {  	_ = 	snop  }
0x3c: {  	p2 =	seq.s32 s10, $0x1;
	s10 =	sld [smem:$0x3FB9]  }
0x3d: {  	_ =	shalt  }
0x3e: {  	_ =	shalt  }
0x3f: {  	_ =	shalt  }
0x40: {  	_ =	shalt  }
0x41: {  	_ =	shalt  }
0x42: {  	_ =	shalt  }
0x43: {  	_ =	shalt  }
0x44: {  	_ =	shalt  }
0x45: {  	_ =	shalt  }
0x46: {  	_ =	shalt  }
0x47: {  	_ =	shalt  }
0x48: {  	_ =	shalt  }
0x49: {  	_ =	shalt  }
0x4a: {  	_ =	shalt  }
0x4b: {  	_ =	shalt  }
0x4c: {  	_ =	shalt  }
0x4d: {  	_ =	shalt  }
0x4e: {  	_ =	shalt  }
0x4f: {  	_ =	shalt  }
0x50: {  	_ =	shalt  }
0x51: {  	_ =	shalt  }
0x52: {  	_ =	shalt  }
0x53: {  	_ =	shalt  }
0x54: {  	_ =	shalt  }
0x55: {  	_ =	shalt  }
0x56: {  	_ =	shalt  }
0x57: {  	_ =	shalt  }
0x58: {  	_ =	shalt  }
0x59: {  	_ =	shalt  }
0x5a: {  	_ =	shalt  }
0x5b: {  	_ =	shalt  }
0x5c: {  	_ =	shalt  }
0x5d: {  	_ =	shalt  }
0x5e: {  	_ =	shalt  }
0x5f: {  	_ =	shalt  }
0x60: {  	_ =	shalt  }
0x61: {  	_ =	shalt  }
0x62: {  	_ =	shalt  }
0x63: {  	_ =	shalt  }
0x64: {  	_ =	shalt  }
0x65: {  	_ =	shalt  }
0x66: {  	_ =	shalt  }
0x67: {  	_ =	shalt  }
0x68: {  	_ =	shalt  }
0x69: {  	_ =	shalt  }
0x6a: {  	_ =	shalt  }
0x6b: {  	_ =	shalt  }
0x6c: {  	_ =	shalt  }
0x6d: {  	_ =	shalt  }
0x6e: {  	_ =	shalt  }
0x6f: {  	_ =	shalt  }
0x70: {  	_ =	shalt  }
0x71: {  	_ =	shalt  }
0x72: {  	_ =	shalt  }
0x73: {  	_ =	shalt  }
0x74: {  	_ =	shalt  }
0x75: {  	_ =	shalt  }
0x76: {  	_ =	shalt  }
0x77: {  	_ =	shalt  }
0x78: {  	_ =	shalt  }
0x79: {  	_ =	shalt  }
0x7a: {  	_ =	shalt  }
0x7b: {  	_ =	shalt  }
0x7c: {  	_ =	shalt  }
0x7d: {  	_ =	shalt  }
0x7e: {  	_ =	shalt  }
0x7f: {  	_ =	shalt  }
0x80: {  	_ =	shalt  }
0x81: {  	_ =	shalt  }
0x82: {  	_ =	shalt  }
0x83: {  	_ =	shalt  }
0x84: {  	_ =	shalt  }
0x85: {  	_ =	shalt  }
0x86: {  	_ =	shalt  }
0x87: {  	_ =	shalt  }
.Lfunc_end0:
.L_simem_size_0:
called_computation_lowered:
.L_overlay_start_0:
0x88: {  	s2 =	sld [smem:$0x3FD9]  }
0x89: {  	s3 =	sld [smem:$0x3FFE];
	_ =	sdelay $0x1  }
0x8a: {  	s1 =	srdreg.scid  }
0x8b: {  	s0 =	sand.u32 $0x1, s1  }
0x8c: {  	s17 =	sshll.u32 s0, $0xA;
	s2 =	sadd.s32 s3, s2  }
0x8d: {  	s2 =	sadd.s32 s2, s17  }
0x8e: {  	[smem:$0x3FC5] =	sst s2  }
0x8f: {  	_ = 	snop  }
0x90: {  	s2 =	sld [smem:$0x3FD0];
	(tm) =	ssettm $0x1  }
0x91: {  	s18 =	sld [smem:$0x3FFB];
	_ =	sdelay $0x3  }
0x92: {  	_ =	strace s18  }
0x93: {  	s3 =	sld [smem:$0x3FFC];
	_ =	sdelay $0x3  }
0x94: {  	_ =	strace s3  }
0x95: {  	s3 =	sld [smem:$0x3FFD];
	_ =	sdelay $0x3  }
0x96: {  	_ =	strace s3  }
0x97: {  	_ =	strace $0x8FFFFFFF  }
0x98: {  	s19 =	sld [smem:$0x3FDB];
	_ =	sdelay $0x1  }
0x99: {  	s4 =	simm.s32 $_scs_section_size  }
0x9a: {  	s5 =	simm.s32 $_size__tile_overlayer_lowered;
	s6 =	simm.s32 $_tile_overlayer_lowered  }
0x9b: {  	s22 =	simm.s32 $0x1BFF;
	s21 =	sshll.u32 s6, $0x1;
	s3 =	sadd.s32 s4, s19  }
0x9c: {  	s7 =	simm.s32 $0x0;
	s20 =	sshll.u32 s5, $0x1;
	s5 =	sadd.s32 s21, s3  }
0x9d: {  	[timem:s7], [sflag:s22] =	dma.local [hbm:s5], s20  }
0x9e: {  	_ =	swait.ge [sflag:s22], s20  }
0x9f: {  	s4 =	ssub.s32 $0x0, s20;
	[sflag:s22] =	ssyncset.done $0x0  }
0xa0: {  	[sflag:s22] =	ssyncadd.s32 s4;
	_ =	sdelay $0x1  }
0xa1: {  	s23 =	simm.s32 $0x1B8B  }
0xa2: {  	_ =	swait.ge [sflag:s23], $0x1  }
0xa3: {  	[sflag:s23] =	ssyncset.done $0x0  }
0xa4: {  	s25 =	simm.s32 $0x1B8E;
	s24 =	sld [smem:$0x3FFE];
	[sflag:s23] =	ssyncadd.s32 $0xFFFFFFFF  }
0xa5: {  	s26 =	simm.s32 $execute0_lowered;
	[smem:$0x3FD2] =	sst s25  }
0xa6: {  	s5 =	sshll.u32 s26, $0x1;
	_ =	strace $0x80000046;
	[dreg:$0x1] =	wrdreg $0xFFFFFFFF  }
0xa7: {  	s28 =	simm.s32 $_size_execute0_lowered;
	s3 =	sadd.s32 s3, s5;
	[dreg:$0x0] =	wrdreg $0x0  }
0xa8: {  	s5 =	sshll.u32 s28, $0x1;
	[dreg:$0x2] =	wrdreg s3  }
0xa9: {  	[dreg:$0x3] =	wrdreg s5  }
0xaa: {  	[dreg:$0x4] =	wrdreg $0xC0  }
0xab: {  	_ =	task [dreg:s7], $0x5FFFF  }
0xac: {  	[dreg:$0x1] =	wrdreg $0xFFFFFFFF  }
0xad: {  	[dreg:$0x0] =	wrdreg $0x60  }
0xae: {  	[dreg:$0x2] =	wrdreg s24  }
0xaf: {  	[dreg:$0x3] =	wrdreg s2  }
0xb0: {  	[dreg:$0x4] =	wrdreg $0x9  }
0xb1: {  	_ =	task.clear_ibuf [dreg:s7], $0x5FFFF;
	_ =	strace $0x90000046  }
0xb2: {  	s29 =	simm.s32 $0x9;
	_ =	strace $0x80000048  }
0xb3: {  	_ =	swait.ge [sflag:s29], $0x1  }
0xb4: {  	[sflag:s29] =	ssyncadd.s32 $0xFFFFFFFF  }
0xb5: {  	_ =	strace $0x90000048  }
0xb6: {  	_ =	sfence  }
0xb7: {  	s30 =	sld [smem:$0x0];
	_ =	sdelay $0x2  }
0xb8: {  	s31 =	sshll.u32 s1, $0xD;
	s1 =	sshrl.u32 s1, $0x2  }
0xb9: {  	s3 =	sand.u32 $0x4000, s31;
	s1 =	sadd.s32 s1, s30  }
0xba: {  	s0 =	sor.u32 s3, s0;
	s1 =	sshll.u32 s1, $0x11  }
0xbb: {  	s0 =	sor.u32 s1, s0  }
0xbc: {  	s0 =	sadd.s32 $0x8F2B, s0  }
0xbd: {  	[sflag:s0] =	ssyncadd.remote.s32 $0x1  }
0xbe: {  	_ =	sfence.sel $0xFFFF  }
0xbf: {  	[dreg:$0x0] =	wrdreg $0xFFFFFFFF;
	(pc) =	sbr.abs _section_cstart, $3  }
0xc0: {  	[dreg:$0x1] =	wrdreg $0xFFFFFFFF  }
0xc1: {  	_ =	task.clear_ibuf [dreg:s7], $0x2FFFF;
	_ =	strace $0x9FFFFFFF  }
0xc2: {  	(tm) =	ssettm $0x7FFFFFFF  }
0xc3: {  	_ =	shalt  }
tec
execute0_lowered:
.L_overlay_start_1:
0x0: {  	(tag) =	ssettag $0x1  }
0x1: {  	vm0 =	vcmask $0x1300  }
0x2: {  	v2 =	vimm.s32 $0x13;
	vm8 =	vcmask $0x2714;
	vm1 =	vcmask $0x3B28  }
0x3: {  	s0 =	srdreg.scid;
	vm9 =	vcmask $0xF00;
	v5 =	vimm.s32 $0x27222222;
	vm2 =	vcmask $0x2310  }
0x4: {  	s2 =	stileid.u32;
	vm10 =	vcmask $0x3724;
	vm11 =	vcmask $0x1F10;
	vm12 =	vcmask $0x3320;
	s0 =	sand.u32 $0x1, s0  }
0x5: {  	v7 =	vimm.s32 $0x3B363636;
	v8 =	vimm.s32 $0x45454540;
	v9 =	vimm.s32 $0x4A4A4545;
	s2 =	sshll.u32 s2, $0x1;
	s1 =	sshll.u32 s0, $0x5  }
0x6: {  	vm13 =	vcmask $0x2F20;
	vm14 =	vcmask $0x2B20;
	vm15 =	vcmask $0x300;
	s1 =	sor.u32 s2, s1  }
0x7: {  	v2 =	vsel vm0, $0x4, v2;
	v5 =	vunpack.c.0.s8.s32 v5;
	v7 =	vunpack.c.0.s8.s32 v7;
	s29 =	sor.u32 $0x40, s1  }
0x8: {  	v4 =	vsel vm8, $0x9, v2;
	v2 =	vimm.s32 $0x22;
	v3 =	vmov s29  }
0x9: {  	v8 =	vunpack.c.0.s8.s32 v8;
	v6 =	vsel vm9, $0x13, v2;
	v2 =	vbroadcast v3, $0x0  }
0xa: {  	s30 =	rddreg [dreg:$0x0];
	s3 =	simm.s32 $0x0;
	v3 =	vsel vm1, $0xE, v4;
	v4 =	vsel vm2, $0x18, v6;
	v6 =	vimm.s32 $0x36363131  }
0xb: {  	[smem:$0x7FF] =	sst s3;
	v5 =	vnsel vm9, $0x31, v5;
	v0 =	vmov s1;
	v6 =	vunpack.c.0.s8.s32 v6  }
0xc: {  	s4 =	sadd.s32 $0x200, s30;
	s5 =	sadd.s32 $0x14200, s30;
	v9 =	vunpack.c.0.s8.s32 v9;
	s2 =	sor.u32 $0x1, s1;
	v5 =	vsel vm11, $0x27, v5;
	v0 =	vbroadcast v0, $0x0  }
0xd: {  	s0 =	ssub.s32 $0x2, s0;
	_ =	strace $0x80000047;
	[dreg:$0x3] =	wrdreg s4;
	v1 =	vmov s2;
	v5 =	vsel vm12, $0x2C, v5;
	v6 =	vnsel vm9, $0x40, v6  }
0xe: {  	s7 =	simm.s32 $0x1;
	[dreg:$0x4] =	wrdreg s5;
	s31 =	sshrl.u32 s0, $0x1;
	v4 =	vsel vm10, $0x1D, v4;
	v6 =	vsel vm11, v7, v6;
	v7 =	vlaneseq.u32  }
0xf: {  	s0 =	ssub.s32 s0, s31;
	s1 =	sor.u32 $0x41, s1;
	s2 =	sadd.s32 $0x15600, s30;
	v10 =	vmul.u32 $0x5, v7;
	v7 =	vnsel vm9, $0x4F, v8;
	v6 =	vsel vm13, $0x3B, v6  }
0x10: {  	s8 =	simm.s32 $0x400;
	s0 =	smax.u32 s0, $0x1;
	[dreg:$0x5] =	wrdreg s2;
	v8 =	vimm.f32 $-1.000000020e+30;
	v7 =	vsel vm11, v9, v7;
	v9 =	vmov s1  }
0x11: {  	s9 =	simm.s32 $0x80;
	[dreg:$0x6] =	wrdreg s0;
	v11 =	vsel vm15, $0x0, v8;
	s1 =	simm.s32 $0x0;
	v7 =	vsel vm14, $0x4A, v7;
	v10 =	vadd.s32 $0x4, v10  }
.LBB2_1:
0x12: {  	[dreg:$0x7] =	wrdreg s1  }
0x13: {  	s0 =	rddreg [dreg:$0x1];
	s4 =	simm.s32 $0x6200  }
0x14: {  	[tilespmem:s4], [sflag:$0x1] =	stream.linear.gather [hbm4b:s0+s3], $0x80, $0x38;
	[tilespmem:$0x6280] =	vst v63  }
0x15: {  	_ =	swait.ge [sflag:s7], $0x80  }
0x16: {  	[sflag:s7] =	ssyncset.done $0x0  }
0x17: {  	[sflag:s7] =	ssyncadd.s32 $0xFFFFFF80  }
0x18: {  	v12 =	vld.idx.msk [tilespmem:v0+s4+$0x0], $0xffff;
	_ =	sdelay $0x4  }
0x19: {  	v12 =	vxor.u32 $0x80000000, v12  }
0x1a: {  	(xrf0) =	vmax.scan.msk.u32 $0xffff, v12;
	v12 =	vld.idx.msk [tilespmem:v1+s4+$0x0], $0xffff;
	_ =	sdelay $0x4  }
0x1b: {  	v12 =	vxor.u32 $0x80000000, v12  }
0x1c: {  	v13, _, _ =	vpop (xrf0);
	(xrf0) =	vmax.scan.msk.u32 $0xffff, v12  }
0x1d: {  	(v2sf) =	vpush v13, $0xF;
	_ =	sdelay $0x4  }
0x1e: {  	v12, _, _ =	vpop (xrf0)  }
0x1f: {  	(v2sf) =	vpush v12, $0xF;
	_ =	sdelay $0x8  }
0x20: {  	s21 =	spop (v2sf)  }
0x21: {  	s22 =	sshrl.u32 s21, $0x3  }
0x22: {  	s1 =	sxor.u32 $0x10000000, s22  }
0x23: {  	s0 =	sshll.u32 s21, $0x7;
	s2 =	smul.u32 $0x14000, s1  }
0x24: {  	s0 =	sand.u32 $0x380, s0  }
0x25: {  	s2 =	sor.u32 s0, s2  }
0x26: {  	s6 =	rddreg [dreg:$0x3];
	s2 =	sshrl.u32 s2, $0x3;
	s23 =	spop (v2sf)  }
0x27: {  	v15 =	vld.idx.msk [tilespmem:v2+s4+$0x0], $0xffff;
	s2 =	sadd.s32 s6, s2;
	s24 =	sshrl.u32 s23, $0x3  }
0x28: {  	v14 =	vld.idx.msk [tilespmem:v9+s4+$0x0], $0xffff;
	[tilespmem:s3], [sflag:$0x1] =	stream.strided.gather [hbm4b:s2+s9], $0x2800, s8, s9, $0x38  }
0x29: {  	s2 =	sxor.u32 $0x10000000, s24  }
0x2a: {  	s4 =	sshll.u32 s23, $0x7;
	s5 =	smul.u32 $0x14000, s2  }
0x2b: {  	s4 =	sand.u32 $0x380, s4  }
0x2c: {  	s1 =	smul.u32 $0x1400, s1;
	_ =	swait.ge [sflag:s7], $0x2800;
	s5 =	sor.u32 s4, s5  }
0x2d: {  	s25 =	simm.s32 $0x2800;
	[sflag:s7] =	ssyncset.done $0x0;
	s5 =	sshrl.u32 s5, $0x3  }
0x2e: {  	s0 =	sor.u32 s0, s1;
	[sflag:s7] =	ssyncadd.s32 $0xFFFFD800;
	s5 =	sadd.s32 s6, s5  }
0x2f: {  	[tilespmem:s25], [sflag:$0x1] =	stream.strided.gather [hbm4b:s5+s9], $0x2800, s8, s9, $0x38;
	[tilespmem:$0x6280] =	vst v63  }
0x30: {  	s29 =	simm.s32 $0x5000;
	s0 =	sshrl.u32 s0, $0x3;
	_ =	swait.ge [sflag:s7], $0x2800  }
0x31: {  	s28 =	smul.u32 $0x1400, s2;
	[sflag:s7] =	ssyncset.done $0x0;
	s26 =	rddreg [dreg:$0x4]  }
0x32: {  	[dreg:$0x8] =	wrdreg s0;
	[sflag:s7] =	ssyncadd.s32 $0xFFFFD800;
	s0 =	sadd.s32 s26, s0  }
0x33: {  	[tilespmem:s29], [sflag:$0x1] =	stream.strided.gather [hbm4b:s0+s9], $0x280, s8, s9, $0x38;
	[tilespmem:$0x6280] =	vst v63  }
0x34: {  	s30 =	sor.u32 s4, s28;
	_ =	swait.ge [sflag:s7], $0x280  }
0x35: {  	s31 =	simm.s32 $0x5300;
	s0 =	sshrl.u32 s30, $0x3;
	[sflag:s7] =	ssyncset.done $0x0  }
0x36: {  	v12 =	vadd.s32 s3, v10;
	[dreg:$0x9] =	wrdreg s0;
	s0 =	sadd.s32 s26, s0;
	[sflag:s7] =	ssyncadd.s32 $0xFFFFFD80  }
0x37: {  	[tilespmem:s31], [sflag:$0x1] =	stream.strided.gather [hbm4b:s0+s9], $0x280, s8, s9, $0x38;
	[tilespmem:$0x6280] =	vst v63  }
0x38: {  	_ =	swait.ge [sflag:s7], $0x280  }
0x39: {  	[sflag:s7] =	ssyncset.done $0x0  }
0x3a: {  	[sflag:s7] =	ssyncadd.s32 $0xFFFFFD80  }
0x3b: {  	v13 =	vimm.f32 $0.0e+00;
	s0 =	simm.s32 $0x50;
	v16 =	vld.idx.msk [tilespmem:v12+s3+$0x0], $0xffff;
	v12 =	vimm.f32 $0.0e+00  }
.LBB2_2:
0x3c: {  	v17 =	vadd.s32 s0, v10;
	p0 =	sne.s32 s0, $0x27B0;
	s0 =	sadd.s32 $0x50, s0  }
.Ltmp0:
0x3d: {  	(pc) =	sbr.rel @p0 .LBB2_2-.Ltmp0, $2  }
0x3e: {  	_ =	sdelay $0x2  }
0x3f: {  	v12 =	vadd.f32 v16, v12;
	v16 =	vld.idx.msk [tilespmem:v17+s3+$0x0], $0xffff  }
0x40: {  	s0 =	simm.s32 $0x2800  }
0x41: {  	v17 =	vadd.s32 s0, v10;
	_ =	sdelay $0x3  }
0x42: {  	s1 =	simm.s32 $0x0  }
0x43: {  	s0 =	simm.s32 $0x2850;
	v12 =	vadd.f32 v16, v12;
	v22 =	vld.idx.msk [tilespmem:v17+s1+$0x0], $0xffff  }
.LBB2_4:
0x44: {  	v16 =	vadd.s32 s0, v10;
	p0 =	sne.s32 s0, $0x4FB0;
	s0 =	sadd.s32 $0x50, s0  }
.Ltmp1:
0x45: {  	(pc) =	sbr.rel @p0 .LBB2_4-.Ltmp1, $2  }
0x46: {  	_ =	sdelay $0x2  }
0x47: {  	v13 =	vadd.f32 v22, v13;
	v22 =	vld.idx.msk [tilespmem:v16+s1+$0x0], $0xffff  }
0x48: {  	v16 =	vor.u32 s1, v3  }
0x49: {  	v17 =	vadd.s32 s1, v4  }
0x4a: {  	v19 =	vadd.s32 s1, v5  }
0x4b: {  	v21 =	vadd.s32 s1, v6;
	s0 =	simm.s32 $0x50  }
0x4c: {  	v23 =	vadd.s32 s1, v7;
	v13 =	vadd.f32 v22, v13;
	v22 =	vld [tilespmem:s0+$0x10]  }
0x4d: {  	v18 =	vld.idx.msk [tilespmem:v16+s3+$0x0], $0xffff  }
0x4e: {  	v20 =	vld.idx.msk [tilespmem:v17+s3+$0x0], $0xffff  }
0x4f: {  	s5 =	simm.s32 $0x50;
	v19 =	vld.idx.msk [tilespmem:v19+s3+$0x0], $0xffff  }
0x50: {  	v24 =	vadd.s32 s5, v3;
	v16 =	vld.idx.msk [tilespmem:v21+s3+$0x0], $0xffff  }
0x51: {  	v25 =	vadd.s32 s5, v4;
	v17 =	vld.idx.msk [tilespmem:v23+s3+$0x0], $0xffff  }
0x52: {  	v26 =	vadd.s32 s5, v5;
	v21 =	vld [tilespmem:s0+$0x0]  }
0x53: {  	s4 =	sand.u32 $0x7FE0, s1;
	s2 =	simm.s32 $0xA0;
	s1 =	simm.s32 $0x50;
	v27 =	vadd.s32 s5, v6;
	v23 =	vld [tilespmem:s0+$0x20]  }
.LBB2_6:
0x54: {  	p0 =	slt.u32 s2, $0x4F60;
	v28 =	vld [tilespmem:s4+$0x80];
	v29 =	vadd.s32 s5, v7  }
0x55: {  	v24 =	vld.idx.msk [tilespmem:v24+s3+$0x0], $0xffff  }
0x56: {  	v25 =	vld.idx.msk [tilespmem:v25+s3+$0x0], $0xffff  }
0x57: {  	v26 =	vld.idx.msk [tilespmem:v26+s3+$0x0], $0xffff  }
0x58: {  	v27 =	vld.idx.msk [tilespmem:v27+s3+$0x0], $0xffff  }
0x59: {  	v29 =	vld.idx.msk [tilespmem:v29+s3+$0x0], $0xffff  }
0x5a: {  	v30 =	vld [tilespmem:s0+$0x40]  }
0x5b: {  	v31 =	vor.u32 s2, v3;
	v21 =	vsub.f32 v21, v24;
	v32 =	vld [tilespmem:s0+$0xFFFFFFC0]  }
0x5c: {  	v24 =	vadd.s32 s2, v4;
	v22 =	vsub.f32 v22, v25;
	v33 =	vld [tilespmem:s0+$0xFFFFFFD0]  }
0x5d: {  	v25 =	vadd.s32 s2, v5;
	v34 =	vld [tilespmem:s0+$0xFFFFFFE0];
	[tilespmem:s0+$0x0] =	vst v21;
	v21 =	vsub.f32 v23, v26  }
0x5e: {  	v23 =	vadd.s32 s2, v6;
	v26 =	vld [tilespmem:s0+$0xFFFFFFF0];
	[tilespmem:s0+$0x10] =	vst v22;
	v22 =	vsub.f32 v28, v27  }
0x5f: {  	v27 =	vadd.s32 s2, v7;
	v28 =	vld [tilespmem:s0+$0xFFFFFFB0];
	[tilespmem:s0+$0x20] =	vst v21;
	v21 =	vsub.f32 v30, v29  }
0x60: {  	v29 =	vld.idx.msk [tilespmem:v31+s3+$0x0], $0xffff;
	v30 =	vsub.f32 v32, v20;
	[tilespmem:s4+$0x80] =	vst v22  }
0x61: {  	v20 =	vld.idx.msk [tilespmem:v24+s3+$0x0], $0xffff;
	v22 =	vsub.f32 v33, v19;
	[tilespmem:s0+$0x40] =	vst v21  }
0x62: {  	v19 =	vld.idx.msk [tilespmem:v25+s3+$0x0], $0xffff;
	[tilespmem:s0+$0xFFFFFFC0] =	vst v30;
	v21 =	vsub.f32 v34, v16  }
.Ltmp2:
0x63: {  	s5 =	sadd.s32 $0x50, s2;
	v16 =	vld.idx.msk [tilespmem:v23+s3+$0x0], $0xffff;
	[tilespmem:s0+$0xFFFFFFD0] =	vst v22;
	v22 =	vsub.f32 v26, v17;
	(pc) =	sbr.rel @p0 .LBB2_6-.Ltmp2, $4  }
0x64: {  	v24 =	vadd.s32 s5, v3;
	s0 =	sadd.s32 $0xA0, s0;
	v17 =	vld.idx.msk [tilespmem:v27+s3+$0x0], $0xffff;
	v23 =	vsub.f32 v28, v18;
	[tilespmem:s1+$0xFFFFFFE0] =	vst v21  }
0x65: {  	v25 =	vadd.s32 s5, v4;
	v21 =	vld [tilespmem:s0+$0x0];
	[tilespmem:s1+$0xFFFFFFF0] =	vst v22  }
0x66: {  	v26 =	vadd.s32 s5, v5;
	v18 =	vmov v29;
	v22 =	vld [tilespmem:s0+$0x10];
	[tilespmem:s1+$0xFFFFFFB0] =	vst v23;
	s1 =	smov.u32 s0  }
0x67: {  	s4 =	sand.u32 $0x7FE0, s2;
	s2 =	sadd.s32 $0xA0, s2;
	v27 =	vadd.s32 s5, v6;
	v23 =	vld [tilespmem:s0+$0x20]  }
0x68: {  	_ =	sdelay $0x2  }
0x69: {  	v28 =	vld [tilespmem:s4+$0x80]  }
0x6a: {  	v24 =	vld.idx.msk [tilespmem:v24+s3+$0x0], $0xffff  }
0x6b: {  	v25 =	vld.idx.msk [tilespmem:v25+s3+$0x0], $0xffff  }
0x6c: {  	v26 =	vld.idx.msk [tilespmem:v26+s3+$0x0], $0xffff  }
0x6d: {  	v29 =	vadd.s32 s5, v7;
	v27 =	vld.idx.msk [tilespmem:v27+s3+$0x0], $0xffff  }
0x6e: {  	v31 =	vld [tilespmem:s0+$0xFFFFFFC0]  }
0x6f: {  	v57 =	vld [tilespmem:s0+$0xFFFFFFD0]  }
0x70: {  	v58 =	vld [tilespmem:s0+$0xFFFFFFE0];
	v21 =	vsub.f32 v21, v24  }
0x71: {  	v60 =	vld [tilespmem:s0+$0xFFFFFFF0];
	v22 =	vsub.f32 v22, v25  }
0x72: {  	v29 =	vld.idx.msk [tilespmem:v29+s3+$0x0], $0xffff;
	v59 =	vsub.f32 v23, v26;
	[tilespmem:s0+$0x0] =	vst v21  }
0x73: {  	v62 =	vld [tilespmem:s0+$0xFFFFFFB0];
	v20 =	vsub.f32 v31, v20;
	[tilespmem:s0+$0x10] =	vst v22  }
0x74: {  	v30 =	vld [tilespmem:s0+$0x40];
	v19 =	vsub.f32 v57, v19;
	[tilespmem:s0+$0x20] =	vst v59  }
0x75: {  	v61 =	vsub.f32 v28, v27;
	[tilespmem:s0+$0xFFFFFFC0] =	vst v20  }
0x76: {  	v16 =	vsub.f32 v58, v16;
	[tilespmem:s0+$0xFFFFFFD0] =	vst v19  }
0x77: {  	v17 =	vsub.f32 v60, v17;
	[tilespmem:s4+$0x80] =	vst v61  }
0x78: {  	v18 =	vsub.f32 v62, v18;
	[tilespmem:s1+$0xFFFFFFE0] =	vst v16  }
0x79: {  	[tilespmem:s1+$0xFFFFFFF0] =	vst v17;
	v63 =	vsub.f32 v30, v29  }
0x7a: {  	[tilespmem:s1+$0xFFFFFFB0] =	vst v18  }
0x7b: {  	[tilespmem:s0+$0x40] =	vst v63  }
0x7c: {  	[tilespmem:$0x5600] =	vst v8  }
0x7d: {  	[tilespmem:$0x5C00] =	vst v8  }
0x7e: {  	[tilespmem:$0x5610] =	vst v8  }
0x7f: {  	[tilespmem:$0x5C10] =	vst v8  }
0x80: {  	[tilespmem:$0x5620] =	vst v8  }
0x81: {  	[tilespmem:$0x5C20] =	vst v8  }
0x82: {  	[tilespmem:$0x5630] =	vst v8  }
0x83: {  	[tilespmem:$0x5C30] =	vst v8  }
0x84: {  	[tilespmem:$0x5640] =	vst v8  }
0x85: {  	[tilespmem:$0x5C40] =	vst v8  }
0x86: {  	[tilespmem:$0x5650] =	vst v8  }
0x87: {  	[tilespmem:$0x5C50] =	vst v8  }
0x88: {  	[tilespmem:$0x5660] =	vst v8  }
0x89: {  	[tilespmem:$0x5C60] =	vst v8  }
0x8a: {  	[tilespmem:$0x5670] =	vst v8  }
0x8b: {  	[tilespmem:$0x5C70] =	vst v8  }
0x8c: {  	[tilespmem:$0x5680] =	vst v8  }
0x8d: {  	[tilespmem:$0x5C80] =	vst v8  }
0x8e: {  	[tilespmem:$0x5690] =	vst v8  }
0x8f: {  	[tilespmem:$0x5C90] =	vst v8  }
0x90: {  	[tilespmem:$0x56A0] =	vst v8  }
0x91: {  	[tilespmem:$0x5CA0] =	vst v8  }
0x92: {  	[tilespmem:$0x56B0] =	vst v8  }
0x93: {  	[tilespmem:$0x5CB0] =	vst v8  }
0x94: {  	[tilespmem:$0x56C0] =	vst v8  }
0x95: {  	[tilespmem:$0x5CC0] =	vst v8  }
0x96: {  	[tilespmem:$0x56D0] =	vst v8  }
0x97: {  	[tilespmem:$0x5CD0] =	vst v8  }
0x98: {  	[tilespmem:$0x56E0] =	vst v8  }
0x99: {  	[tilespmem:$0x5CE0] =	vst v8  }
0x9a: {  	[tilespmem:$0x56F0] =	vst v8  }
0x9b: {  	[tilespmem:$0x5CF0] =	vst v8  }
0x9c: {  	[tilespmem:$0x5700] =	vst v8  }
0x9d: {  	[tilespmem:$0x5D00] =	vst v8  }
0x9e: {  	[tilespmem:$0x5710] =	vst v8  }
0x9f: {  	[tilespmem:$0x5D10] =	vst v8  }
0xa0: {  	[tilespmem:$0x5720] =	vst v8  }
0xa1: {  	[tilespmem:$0x5D20] =	vst v8  }
0xa2: {  	[tilespmem:$0x5730] =	vst v8  }
0xa3: {  	[tilespmem:$0x5D30] =	vst v8  }
0xa4: {  	[tilespmem:$0x5740] =	vst v8  }
0xa5: {  	[tilespmem:$0x5D40] =	vst v8  }
0xa6: {  	[tilespmem:$0x5750] =	vst v8  }
0xa7: {  	[tilespmem:$0x5D50] =	vst v8  }
0xa8: {  	[tilespmem:$0x5760] =	vst v8  }
0xa9: {  	[tilespmem:$0x5D60] =	vst v8  }
0xaa: {  	[tilespmem:$0x5770] =	vst v8  }
0xab: {  	[tilespmem:$0x5D70] =	vst v8  }
0xac: {  	[tilespmem:$0x5780] =	vst v8  }
0xad: {  	[tilespmem:$0x5D80] =	vst v8  }
0xae: {  	[tilespmem:$0x5790] =	vst v8  }
0xaf: {  	[tilespmem:$0x5D90] =	vst v8  }
0xb0: {  	[tilespmem:$0x57A0] =	vst v8  }
0xb1: {  	[tilespmem:$0x5DA0] =	vst v8  }
0xb2: {  	[tilespmem:$0x57B0] =	vst v8  }
0xb3: {  	[tilespmem:$0x5DB0] =	vst v8  }
0xb4: {  	[tilespmem:$0x57C0] =	vst v8  }
0xb5: {  	[tilespmem:$0x5DC0] =	vst v8  }
0xb6: {  	[tilespmem:$0x57D0] =	vst v8  }
0xb7: {  	[tilespmem:$0x5DD0] =	vst v8  }
0xb8: {  	[tilespmem:$0x57E0] =	vst v8  }
0xb9: {  	[tilespmem:$0x5DE0] =	vst v8  }
0xba: {  	[tilespmem:$0x57F0] =	vst v8  }
0xbb: {  	[tilespmem:$0x5DF0] =	vst v8  }
0xbc: {  	[tilespmem:$0x5800] =	vst v8  }
0xbd: {  	[tilespmem:$0x5E00] =	vst v8  }
0xbe: {  	[tilespmem:$0x5810] =	vst v8  }
0xbf: {  	[tilespmem:$0x5E10] =	vst v8  }
0xc0: {  	[tilespmem:$0x5820] =	vst v8  }
0xc1: {  	[tilespmem:$0x5E20] =	vst v8  }
0xc2: {  	[tilespmem:$0x5830] =	vst v8  }
0xc3: {  	[tilespmem:$0x5E30] =	vst v8  }
0xc4: {  	[tilespmem:$0x5840] =	vst v8  }
0xc5: {  	[tilespmem:$0x5E40] =	vst v8  }
0xc6: {  	[tilespmem:$0x5850] =	vst v8  }
0xc7: {  	[tilespmem:$0x5E50] =	vst v8  }
0xc8: {  	[tilespmem:$0x5860] =	vst v8  }
0xc9: {  	[tilespmem:$0x5E60] =	vst v8  }
0xca: {  	[tilespmem:$0x5870] =	vst v8  }
0xcb: {  	[tilespmem:$0x5E70] =	vst v8  }
0xcc: {  	[tilespmem:$0x5880] =	vst v8  }
0xcd: {  	[tilespmem:$0x5E80] =	vst v8  }
0xce: {  	[tilespmem:$0x5890] =	vst v8  }
0xcf: {  	[tilespmem:$0x5E90] =	vst v8  }
0xd0: {  	[tilespmem:$0x58A0] =	vst v8  }
0xd1: {  	[tilespmem:$0x5EA0] =	vst v8  }
0xd2: {  	[tilespmem:$0x58B0] =	vst v8  }
0xd3: {  	[tilespmem:$0x5EB0] =	vst v8  }
0xd4: {  	[tilespmem:$0x58C0] =	vst v8  }
0xd5: {  	[tilespmem:$0x5EC0] =	vst v8  }
0xd6: {  	[tilespmem:$0x58D0] =	vst v8  }
0xd7: {  	[tilespmem:$0x5ED0] =	vst v8  }
0xd8: {  	[tilespmem:$0x58E0] =	vst v8  }
0xd9: {  	[tilespmem:$0x5EE0] =	vst v8  }
0xda: {  	[tilespmem:$0x58F0] =	vst v8  }
0xdb: {  	[tilespmem:$0x5EF0] =	vst v8  }
0xdc: {  	[tilespmem:$0x5900] =	vst v8  }
0xdd: {  	[tilespmem:$0x5F00] =	vst v8  }
0xde: {  	[tilespmem:$0x5910] =	vst v8  }
0xdf: {  	[tilespmem:$0x5F10] =	vst v8  }
0xe0: {  	[tilespmem:$0x5920] =	vst v8  }
0xe1: {  	[tilespmem:$0x5F20] =	vst v8  }
0xe2: {  	[tilespmem:$0x5930] =	vst v8  }
0xe3: {  	[tilespmem:$0x5F30] =	vst v8  }
0xe4: {  	[tilespmem:$0x5940] =	vst v8  }
0xe5: {  	[tilespmem:$0x5F40] =	vst v8  }
0xe6: {  	[tilespmem:$0x5950] =	vst v8  }
0xe7: {  	[tilespmem:$0x5F50] =	vst v8  }
0xe8: {  	[tilespmem:$0x5960] =	vst v8  }
0xe9: {  	[tilespmem:$0x5F60] =	vst v8  }
0xea: {  	[tilespmem:$0x5970] =	vst v8  }
0xeb: {  	[tilespmem:$0x5F70] =	vst v8  }
0xec: {  	[tilespmem:$0x5F80] =	vst v8  }
0xed: {  	[tilespmem:$0x5990] =	vst v8  }
0xee: {  	[tilespmem:$0x5F90] =	vst v8  }
0xef: {  	[tilespmem:$0x59A0] =	vst v8  }
0xf0: {  	[tilespmem:$0x5FA0] =	vst v8  }
0xf1: {  	[tilespmem:$0x59B0] =	vst v8  }
0xf2: {  	[tilespmem:$0x5FB0] =	vst v8  }
0xf3: {  	[tilespmem:$0x59C0] =	vst v8  }
0xf4: {  	[tilespmem:$0x5FC0] =	vst v8  }
0xf5: {  	[tilespmem:$0x59D0] =	vst v8  }
0xf6: {  	[tilespmem:$0x5FD0] =	vst v8  }
0xf7: {  	[tilespmem:$0x59E0] =	vst v8  }
0xf8: {  	[tilespmem:$0x5FE0] =	vst v8  }
0xf9: {  	[tilespmem:$0x59F0] =	vst v8  }
0xfa: {  	[tilespmem:$0x5FF0] =	vst v8  }
0xfb: {  	[tilespmem:$0x5A00] =	vst v8  }
0xfc: {  	[tilespmem:$0x6000] =	vst v8  }
0xfd: {  	[tilespmem:$0x5A10] =	vst v8  }
0xfe: {  	[tilespmem:$0x6010] =	vst v8  }
0xff: {  	[tilespmem:$0x5A20] =	vst v8  }
0x100: {  	[tilespmem:$0x6020] =	vst v8  }
0x101: {  	[tilespmem:$0x5A30] =	vst v8  }
0x102: {  	[tilespmem:$0x6030] =	vst v8  }
0x103: {  	[tilespmem:$0x5A40] =	vst v8  }
0x104: {  	[tilespmem:$0x6040] =	vst v8  }
0x105: {  	[tilespmem:$0x5A50] =	vst v8  }
0x106: {  	[tilespmem:$0x6050] =	vst v8  }
0x107: {  	[tilespmem:$0x5A60] =	vst v8  }
0x108: {  	[tilespmem:$0x6060] =	vst v8  }
0x109: {  	[tilespmem:$0x5A70] =	vst v8  }
0x10a: {  	[tilespmem:$0x6070] =	vst v8  }
0x10b: {  	[tilespmem:$0x5A80] =	vst v8  }
0x10c: {  	[tilespmem:$0x6080] =	vst v8  }
0x10d: {  	[tilespmem:$0x5A90] =	vst v8  }
0x10e: {  	[tilespmem:$0x6090] =	vst v8  }
0x10f: {  	[tilespmem:$0x5AA0] =	vst v8  }
0x110: {  	[tilespmem:$0x60A0] =	vst v8  }
0x111: {  	[tilespmem:$0x5AB0] =	vst v8  }
0x112: {  	[tilespmem:$0x60B0] =	vst v8  }
0x113: {  	[tilespmem:$0x5AC0] =	vst v8  }
0x114: {  	[tilespmem:$0x60C0] =	vst v8  }
0x115: {  	[tilespmem:$0x5AD0] =	vst v8  }
0x116: {  	[tilespmem:$0x60D0] =	vst v8  }
0x117: {  	[tilespmem:$0x5AE0] =	vst v8  }
0x118: {  	v15 =	vxor.u32 $0x80000000, v15;
	[tilespmem:$0x60E0] =	vst v8  }
0x119: {  	(xrf0) =	vmax.scan.msk.u32 $0xffff, v15;
	[tilespmem:$0x5AF0] =	vst v8  }
0x11a: {  	v14 =	vxor.u32 $0x80000000, v14;
	[tilespmem:$0x60F0] =	vst v8  }
0x11b: {  	(xrf0) =	vmax.scan.msk.u32 $0xffff, v14;
	[tilespmem:$0x5B00] =	vst v8  }
0x11c: {  	[tilespmem:$0x6100] =	vst v8  }
0x11d: {  	[tilespmem:$0x5B10] =	vst v8  }
0x11e: {  	[tilespmem:$0x6110] =	vst v8  }
0x11f: {  	v14, _, _ =	vpop (xrf0);
	[tilespmem:$0x5B20] =	vst v8  }
0x120: {  	(v2sf) =	vpush v14, $0xF;
	[tilespmem:$0x6120] =	vst v8  }
0x121: {  	v14, _, _ =	vpop (xrf0);
	[tilespmem:$0x5B30] =	vst v8  }
0x122: {  	(v2sf) =	vpush v14, $0xF;
	[tilespmem:$0x6130] =	vst v8  }
0x123: {  	[tilespmem:$0x5B40] =	vst v8  }
0x124: {  	[tilespmem:$0x6140] =	vst v8  }
0x125: {  	[tilespmem:$0x5B50] =	vst v8  }
0x126: {  	[tilespmem:$0x6150] =	vst v8  }
0x127: {  	[tilespmem:$0x5B60] =	vst v8  }
0x128: {  	[tilespmem:$0x6160] =	vst v8  }
0x129: {  	[tilespmem:$0x5B70] =	vst v8  }
0x12a: {  	[tilespmem:$0x6170] =	vst v8  }
0x12b: {  	[tilespmem:$0x5B80] =	vst v8  }
0x12c: {  	[tilespmem:$0x6180] =	vst v8  }
0x12d: {  	[tilespmem:$0x5B90] =	vst v8  }
0x12e: {  	[tilespmem:$0x6190] =	vst v8  }
0x12f: {  	[tilespmem:$0x5BA0] =	vst v8;
	s24 =	spop (v2sf)  }
0x130: {  	s4 =	simm.s32 $0x1;
	[tilespmem:$0x61A0] =	vst v8;
	s30 =	sxor.u32 $0x80000000, s24  }
0x131: {  	[tilespmem:$0x5BB0] =	vst v8;
	s25 =	spop (v2sf);
	p1 =	sgt.s32 s24, $0xFFFFFFFF;
	s0 =	sand.u32 $0xF, s24  }
0x132: {  	[tilespmem:$0x61B0] =	vst v8;
	p0 =	slt.s32 s30, $0x1;
	s2 =	sshra.s32 s30, $0x1F;
	p4 =	sne.s32 s0, $0x0  }
0x133: {  	[tilespmem:$0x5BC0] =	vst v8;
	s31 =	sxor.u32 $0x80000000, s25;
	p2 =	sgt.s32 s25, $0xFFFFFFFF;
	s1 =	sand.u32 $0xF, s25  }
0x134: {  	[tilespmem:$0x61C0] =	vst v8;
	p0 =	por p1, p0;
	s26 =	sshrl.u32 s2, $0x1C;
	p5 =	slt.s32 s31, $0x1  }
0x135: {  	[tilespmem:$0x5BD0] =	vst v8;
	p6 =	sne.s32 s1, $0x0;
	s28 =	sshra.s32 s31, $0x1F;
	s2 =	simm.s32 $0x1  }
0x136: {  	[tilespmem:$0x61D0] =	vst v8;
	[dreg:$0xa] =	wrdreg s31;
	p0 =	por !p4, !p0;
	p1 =	por p2, p5  }
0x137: {  	[tilespmem:$0x5BE0] =	vst v8;
	s0 =	sadd.s32 s26, s30;
	s1 =	sshrl.u32 s28, $0x1C;
	p1 =	por !p6, !p1  }
.Ltmp3:
0x138: {  	[tilespmem:$0x61E0] =	vst v8;
	s0 =	sshra.s32 s0, $0x4;
	p0 =	por !p0, !p0;
	(pc) =	sbr.rel .LBB2_8-.Ltmp3, $4  }
0x139: {  	[tilespmem:$0x5BF0] =	vst v8;
	s1 =	sadd.s32 s1, s31;
	p1 =	por !p1, !p1;
	s2 =	simm.s32 @!p0 $0x0  }
0x13a: {  	[tilespmem:$0x61F0] =	vst v8;
	s1 =	sshra.s32 s1, $0x4;
	s4 =	simm.s32 @!p1 $0x0;
	s0 =	ssub.s32 s0, s2  }
0x13b: {  	[tilespmem:$0x5980] =	vst v11;
	[dreg:$0xb] =	wrdreg s0;
	s29 =	ssub.s32 s1, s4  }
0x13c: {  	[tilespmem:$0x5680] =	vst v11;
	s24 =	simm.s32 $0x0;
	[dreg:$0xc] =	wrdreg s29  }
.LBB2_22:
0x13d: {  	s14 =	smov.u32 s0  }
0x13e: {  	s13 =	smov.u32 s1;
	s25 =	smov.u32 s28;
	s26 =	smov.u32 s29  }
.LBB2_36:
0x13f: {  	_ =	sdelay $0x1  }
0x140: {  	v47 =	vmul.f32 @p1 v50, v35;
	v48 =	vadd.f32 @p1 $-4.866430760e-01, v52  }
0x141: {  	v44 =	vadd.f32 @p2 v45, v44;
	v42 =	vadd.f32 v42, v38;
	v45 =	vmul.f32 @p1 v51, v36  }
0x142: {  	v41 =	vld.idx.msk [tilespmem:v41+s3+$0x0], $0xffff;
	v39 =	vadd.f32 v39, v43;
	v43 =	vmul.f32 @p1 v53, v37;
	v28 =	vpsel p1, v28, v0  }
0x143: {  	v17 =	vpsel p0, v19, v17;
	v19 =	vmovc @p0 v21;
	v15 =	vpsel p0, v20, v15;
	v18 =	vpsel p0, v23, v18  }
0x144: {  	v49 =	vld [tilespmem:s13+$0x5C0F];
	v16 =	vpsel p0, v19, v16;
	v17 =	vpsel p0, v17, v0;
	v47 =	vadd.f32 @p1 $-4.866430760e-01, v47  }
0x145: {  	v60 =	vld [tilespmem:s14+$0x5BFF];
	v38 =	vmax.f32 v27, v42;
	v42 =	vmin.f32 v27, v42;
	v45 =	vadd.f32 @p1 $-4.866430760e-01, v45  }
0x146: {  	v51 =	vpop @p0 (erf);
	v27 =	vmax.f32 v40, v39;
	v39 =	vmin.f32 v40, v39;
	v40 =	vmul.f32 @p1 v48, v34  }
0x147: {  	v48 =	vmul.f32 @p0 $7.473614810e-02, v51;
	v43 =	vadd.f32 @p1 $9.996203780e-01, v43;
	v39 =	vsub.f32 v39, v27  }
0x148: {  	v61 =	vld [tilespmem:s14+$0x5C00];
	v42 =	vsub.f32 v42, v38;
	v45 =	vmul.f32 @p1 v45, v36;
	v40 =	vadd.f32 @p1 $9.996203780e-01, v40  }
0x149: {  	v47 =	vmul.f32 @p1 v47, v35;
	v48 =	vsub.f32 @p0 $2.546222210e-01, v48;
	v37 =	vmul.f32 @p1 v43, v37  }
0x14a: {  	v41 =	vadd.f32 v41, v49;
	v62 =	vadd.f32 v33, v60;
	v39 =	vmul.f32 $1.442695020e+00, v39  }
0x14b: {  	v42 =	vmul.f32 $1.442695020e+00, v42;
	v34 =	vmul.f32 @p1 v40, v34;
	v47 =	vadd.f32 @p1 $9.996203780e-01, v47  }
0x14c: {  	v45 =	vadd.f32 @p1 $9.996203780e-01, v45;
	v33 =	vmax.f32 v14, v41;
	v41 =	vmin.f32 v14, v41  }
0x14d: {  	v14 =	vmax.f32 v61, v62;
	v49 =	vmin.f32 v61, v62;
	v41 =	vsub.f32 v41, v33  }
0x14e: {  	v50 =	vpop @p0 (erf);
	(erf) = vpow2.f32 v39;
	v35 =	vmul.f32 @p1 v47, v35;
	v49 =	vsub.f32 v49, v14  }
0x14f: {  	v24 =	vpsel p0, v50, v24;
	v40 =	vpop @p0 (erf);
	v47 =	vmul.f32 @p0 $7.473614810e-02, v50;
	v41 =	vmul.f32 $1.442695020e+00, v41  }
0x150: {  	v37 =	vpsel p1, v37, v0;
	v36 =	vmul.f32 @p1 v45, v36;
	v39 =	vpop @p0 (erf);
	v49 =	vmul.f32 $1.442695020e+00, v49  }
0x151: {  	v28 =	vadd.f32 @p1 v37, v28;
	v52 =	vmul.f32 @p0 $7.473614810e-02, v39;
	(erf) = vpow2.f32 v41  }
0x152: {  	v34 =	vadd.f32 @p1 v34, v56;
	v45 =	vsub.f32 @p0 $2.546222210e-01, v47;
	(erf) = vpow2.f32 v49  }
0x153: {  	v21 =	vpsel p0, v40, v25;
	v47 =	vsub.f32 @p0 $2.546222210e-01, v52;
	v52 =	vmul.f32 @p0 $7.473614810e-02, v40  }
0x154: {  	v35 =	vadd.f32 @p1 v35, v55;
	v45 =	vmul.f32 @p0 v45, v50;
	(erf) = vpow2.f32 v42  }
0x155: {  	v36 =	vadd.f32 @p1 v36, v57;
	v26 =	vpsel p0, v39, v26;
	v41 =	vmovc @p0 v51;
	v49 =	vsub.f32 @p0 $2.546222210e-01, v52  }
0x156: {  	v42 =	vadd.f32 @p0 $-4.866430760e-01, v45;
	v29 =	vpsel p0, v47, v29;
	v48 =	vmul.f32 @p0 v48, v41  }
0x157: {  	v22 =	vpsel p0, v41, v22;
	v23 =	vmul.f32 @p0 v29, v26;
	v25 =	vpsel p0, v49, v30  }
0x158: {  	v32 =	vpsel p0, v42, v32;
	v63 =	vpop (erf);
	v31 =	vpsel p0, v48, v31;
	v20 =	vmul.f32 @p0 v25, v21  }
0x159: {  	v45 =	vmul.f32 $7.473614810e-02, v63;
	v23 =	vadd.f32 @p0 $-4.866430760e-01, v23;
	v25 =	vadd.f32 @p0 $-4.866430760e-01, v31  }
0x15a: {  	v30 =	vpsel p1, v36, v0;
	v31 =	vmul.f32 @p0 v32, v24;
	v20 =	vadd.f32 @p0 $-4.866430760e-01, v20;
	v42 =	vpop (erf)  }
0x15b: {  	v36 =	vsub.f32 $2.546222210e-01, v45;
	v23 =	vmul.f32 @p0 v23, v26;
	v25 =	vmul.f32 @p0 v25, v22;
	v43 =	vpop (erf)  }
0x15c: {  	v31 =	vadd.f32 @p0 $9.996203780e-01, v31;
	v20 =	vmul.f32 @p0 v20, v21;
	v50 =	vmul.f32 $7.473614810e-02, v43  }
0x15d: {  	v23 =	vadd.f32 @p0 $9.996203780e-01, v23;
	v25 =	vadd.f32 @p0 $9.996203780e-01, v25;
	v51 =	vmul.f32 $7.473614810e-02, v42;
	v47 =	vpop (erf)  }
0x15e: {  	v52 =	vmul.f32 v36, v63;
	v48 =	vmul.f32 $7.473614810e-02, v47;
	v39 =	vsub.f32 $2.546222210e-01, v50  }
0x15f: {  	v24 =	vmul.f32 @p0 v31, v24;
	v22 =	vmul.f32 @p0 v25, v22;
	v25 =	vsub.f32 $2.546222210e-01, v51  }
0x160: {  	v20 =	vadd.f32 @p0 $9.996203780e-01, v20;
	v49 =	vsub.f32 $2.546222210e-01, v48;
	v53 =	vmul.f32 v39, v43  }
0x161: {  	[tilespmem:s10+$0x5600] =	vst @p2 v46;
	s6 =	smov.u32 @p1 s7;
	v23 =	vmul.f32 @p0 v23, v26;
	v55 =	vadd.f32 $-4.866430760e-01, v52;
	v54 =	vmul.f32 v25, v42  }
0x162: {  	s6 =	smov.u32 @p1 s6;
	[tilespmem:s8+$0x5610] =	vst @p2 v44;
	v20 =	vmul.f32 @p0 v20, v21;
	v31 =	vmul.f32 v49, v47;
	v21 =	vadd.f32 $-4.866430760e-01, v53  }
0x163: {  	s5 =	smov.u32 @p1 s16;
	[tilespmem:s6+$0x5610] =	vst @p1 v28;
	v15 =	vadd.f32 @p0 v23, v15;
	v57 =	vmul.f32 v55, v63;
	v23 =	vadd.f32 $-4.866430760e-01, v54  }
0x164: {  	s5 =	smov.u32 @p1 s5;
	[tilespmem:s20+$0x5630] =	vst @p1 v34;
	v16 =	vadd.f32 @p0 v22, v16;
	v31 =	vadd.f32 $-4.866430760e-01, v31;
	v21 =	vmul.f32 v21, v43  }
0x165: {  	s28 =	smov.u32 @p0 s4;
	[tilespmem:s5+$0x5600] =	vst @p1 v30;
	s5 =	smov.u32 @p0 s15;
	v18 =	vadd.f32 @p0 v20, v18;
	v20 =	vadd.f32 $9.996203780e-01, v57;
	v23 =	vmul.f32 v23, v42  }
0x166: {  	s0 =	smov.u32 @p0 s2;
	s29 =	smov.u32 @p0 s5;
	v24 =	vpsel p0, v24, v0;
	[tilespmem:s28+$0x5620] =	vst @p0 v15;
	v56 =	vmul.f32 v31, v47;
	v58 =	vadd.f32 $9.996203780e-01, v21  }
0x167: {  	s7 =	smov.u32 @p0 s11;
	s0 =	smov.u32 @p0 s0;
	[tilespmem:s29+$0x5630] =	vst @p0 v16;
	v15 =	vpsel p0, v18, v0;
	v19 =	vmul.f32 v20, v63;
	v60 =	vadd.f32 $9.996203780e-01, v23  }
0x168: {  	s1 =	smov.u32 @p0 s7;
	v16 =	vadd.f32 @p0 v24, v17;
	[tilespmem:s0+$0x5600] =	vst @p0 v15;
	v22 =	vadd.f32 $9.996203780e-01, v56;
	v15 =	vmul.f32 v58, v43  }
0x169: {  	s1 =	smov.u32 @p0 s1;
	[tilespmem:s9+$0x5620] =	vst @p1 v35;
	v63 =	vadd.f32 v19, v27;
	v62 =	vmul.f32 v60, v42  }
0x16a: {  	[tilespmem:s1+$0x5610] =	vst @p0 v16;
	v59 =	vmul.f32 v22, v47;
	v14 =	vadd.f32 v15, v14  }
0x16b: {  	[tilespmem:s26+$0x5630] =	vst v63;
	v15 =	vadd.f32 v62, v33  }
0x16c: {  	v61 =	vadd.f32 v59, v38;
	[tilespmem:s14+$0x5600] =	vst v14  }
0x16d: {  	[tilespmem:s13+$0x5610] =	vst v15  }
0x16e: {  	[tilespmem:s25+$0x5620] =	vst v61  }
.LBB2_23:
0x16f: {  	s24 =	sadd.s32 $0x1, s24  }
0x170: {  	p0 =	seq.s32 s24, $0x400  }
.Ltmp4:
0x171: {  	_ = 	snop;
	(pc) =	sbr.rel @p0 .LBB2_24-.Ltmp4, $1  }
0x172: {  	_ =	sdelay $0x3  }
.LBB2_8:
0x173: {  	s25 =	sshll.u32 s24, $0x1  }
0x174: {  	s0 =	sxor.u32 $0x7FF, s25  }
0x175: {  	s1 =	ssub.s32 s30, s0  }
0x176: {  	p0 =	sgt.s32 s1, $0x0  }
0x177: {  	p1 =	slt.s32 s1, $0x1;
	s1 =	simm.s32 @!p0 $0x0  }
0x178: {  	s4 =	ssub.s32 s31, s0;
	s2 =	sand.u32 $0xF, s1  }
0x179: {  	s5 =	rddreg [dreg:$0xb];
	p2 =	sgt.s32 s4, $0x0;
	p5 =	sne.s32 s2, $0x0  }
0x17a: {  	p3 =	slt.s32 s4, $0x1;
	s4 =	simm.s32 @!p2 $0x0;
	p0 =	por !p1, !p5  }
0x17b: {  	s0 =	simm.s32 $0xFFFFFFFF;
	s21 =	sand.u32 $0xF, s4;
	p0 =	por !p0, !p0  }
0x17c: {  	p6 =	sne.s32 s21, $0x0;
	s2 =	sshrl.u32 s24, $0x3;
	s0 =	simm.s32 @!p0 $0x0  }
0x17d: {  	p1 =	slt.s32 s2, s5;
	p0 =	por !p3, !p6;
	s0 =	sshll.u32 s0, $0x4  }
0x17e: {  	p0 =	por !p0, !p0;
	s0 =	sadd.s32 s1, s0;
	s1 =	simm.s32 $0xFFFFFFFF  }
0x17f: {  	s6 =	rddreg [dreg:$0xc];
	s5 =	smov.u32 @p1 s2;
	s1 =	simm.s32 @!p0 $0x0  }
0x180: {  	s5 =	sshll.u32 s5, $0x4;
	p0 =	slt.s32 s2, s6;
	s1 =	sshll.u32 s1, $0x4  }
0x181: {  	s0 =	sand.u32 $0xFFFFFFF0, s0;
	s6 =	smov.u32 @p0 s2;
	s1 =	sadd.s32 s4, s1  }
0x182: {  	s22 =	ssub.s32 s5, s0;
	s23 =	sshll.u32 s6, $0x4;
	s1 =	sand.u32 $0xFFFFFFF0, s1  }
0x183: {  	s15 =	sadd.s32 $0x10, s22;
	s26 =	ssub.s32 s23, s1  }
0x184: {  	s2 =	sadd.s32 s15, s26  }
0x185: {  	s2 =	sadd.s32 $0x4F, s2  }
0x186: {  	s28 =	sshra.s32 s2, $0x1F  }
0x187: {  	s29 =	sshrl.u32 s28, $0x1A  }
0x188: {  	s2 =	sadd.s32 s29, s2  }
0x189: {  	s2 =	sshrl.u32 s2, $0x6  }
0x18a: {  	s2 =	sadd.s32 s28, s2  }
0x18b: {  	s16 =	sshll.u32 s2, $0x6  }
0x18c: {  	p0 =	slt.s32 s16, $0x1  }
.Ltmp5:
0x18d: {  	_ = 	snop;
	(pc) =	sbr.rel @p0 .LBB2_20-.Ltmp5, $2  }
0x18e: {  	_ =	sdelay $0x2  }
0x18f: {  	s21 =	smul.u32 $0xA, s24  }
0x190: {  	s1 =	ssub.s32 s1, s15  }
0x191: {  	s23 =	sadd.s32 $0x380, s1  }
0x192: {  	s7 =	sadd.s32 $0x80, s0;
	p0 =	sgt.s32 s15, $0x20;
	s0 =	smov.u32 s23  }
0x193: {  	s0 =	smov.u32 @p0 s7  }
0x194: {  	s1 =	smov.u32 s23;
	p0 =	sgt.s32 s15, $0x30;
	s19 =	sadd.s32 $0x0, s0  }
0x195: {  	s1 =	smov.u32 @p0 s7;
	p0 =	sgt.s32 s15, $0x0;
	s0 =	smov.u32 s23  }
0x196: {  	v14 =	vld [tilespmem:s19+$0x4FA0];
	s17 =	sadd.s32 $0x0, s1;
	s0 =	smov.u32 @p0 s7  }
0x197: {  	v15 =	vld [tilespmem:s17+$0x4FB0];
	s12 =	sadd.s32 $0x0, s0  }
0x198: {  	v16 =	vld [tilespmem:s12+$0x4F80];
	_ =	sdelay $0x1  }
0x199: {  	v28 =	vmov s21;
	p0 =	sgt.s32 s15, $0x10;
	v27 =	vld [tilespmem:s19+$0x5620];
	s0 =	smov.u32 s23  }
0x19a: {  	v38 =	vld [tilespmem:s19+$0x561F];
	s0 =	smov.u32 @p0 s7;
	v17 =	vadd.s32 v28, v14  }
0x19b: {  	v43 =	vld [tilespmem:s17+$0x562F];
	s18 =	sadd.s32 $0x0, s0;
	v15 =	vadd.s32 v28, v15  }
0x19c: {  	p3 =	sgt.s32 s16, $0x40;
	v18 =	vld [tilespmem:s18+$0x4F90];
	v16 =	vadd.s32 v28, v16  }
.Ltmp6:
0x19d: {  	v40 =	vld [tilespmem:s17+$0x5630];
	(pc) =	sbr.rel @!p3 .LBB2_10-.Ltmp6, $4  }
0x19e: {  	v14 =	vld [tilespmem:s18+$0x5610]  }
0x19f: {  	v42 =	vld.idx.msk [tilespmem:v17+s3+$0x0], $0xffff  }
0x1a0: {  	v39 =	vld.idx.msk [tilespmem:v15+s3+$0x0], $0xffff  }
0x1a1: {  	p1 =	por $0x0, $0x0;
	p2 =	por $0x0, $0x0;
	p0 =	por $0x0, $0x0;
	v41 =	vadd.s32 v28, v18;
	v33 =	vld.idx.msk [tilespmem:v16+s3+$0x0], $0xffff  }
0x1a2: {  	_ =	sdelay $0x3  }
0x1a3: {  	p0 =	sgt.s32 s15, $0x60;
	s0 =	smov.u32 s23;
	v18 =	vld.idx.msk [tilespmem:v41+s3+$0x0], $0xffff  }
0x1a4: {  	v19 =	vld [tilespmem:s18+$0x560F];
	s0 =	smov.u32 @p0 s7  }
0x1a5: {  	v17 =	vld [tilespmem:s12+$0x55FF];
	s1 =	smov.u32 s23;
	p0 =	sgt.s32 s15, $0x70;
	s6 =	sadd.s32 $0x40, s0  }
0x1a6: {  	v24 =	vld [tilespmem:s12+$0x5600];
	s1 =	smov.u32 @p0 s7;
	p0 =	sgt.s32 s15, $0x40;
	s0 =	smov.u32 s23  }
0x1a7: {  	v22 =	vadd.f32 v42, v38;
	v20 =	vld [tilespmem:s6+$0x4FA0];
	s5 =	sadd.s32 $0x40, s1;
	s0 =	smov.u32 @p0 s7  }
0x1a8: {  	v23 =	vadd.f32 v39, v43;
	v21 =	vld [tilespmem:s5+$0x4FB0];
	s10 =	sadd.s32 $0x40, s0  }
0x1a9: {  	v15 =	vmax.f32 v27, v22;
	v25 =	vld [tilespmem:s10+$0x4F80];
	v18 =	vadd.f32 v18, v19  }
0x1aa: {  	v16 =	vmax.f32 v40, v23;
	v19 =	vmin.f32 v40, v23;
	v63 =	vadd.f32 v33, v17  }
0x1ab: {  	p0 =	sgt.s32 s15, $0x50;
	v38 =	vld [tilespmem:s6+$0x561F];
	s0 =	smov.u32 s23;
	v22 =	vmin.f32 v27, v22;
	v19 =	vsub.f32 v19, v16;
	v17 =	vmax.f32 v14, v18  }
0x1ac: {  	v27 =	vld [tilespmem:s6+$0x5620];
	s0 =	smov.u32 @p0 s7;
	v29 =	vmin.f32 v14, v18;
	v18 =	vmax.f32 v24, v63;
	v20 =	vadd.s32 v28, v20  }
0x1ad: {  	v43 =	vld [tilespmem:s5+$0x562F];
	s8 =	sadd.s32 $0x40, s0;
	v23 =	vmin.f32 v24, v63;
	v24 =	vsub.f32 v29, v17;
	v21 =	vadd.s32 v28, v21  }
0x1ae: {  	p3 =	sgt.s32 s16, $0x80;
	v26 =	vld [tilespmem:s8+$0x4F90];
	v19 =	vmul.f32 $1.442695020e+00, v19;
	v23 =	vsub.f32 v23, v18;
	v25 =	vadd.s32 v28, v25  }
.Ltmp7:
0x1af: {  	v22 =	vsub.f32 v22, v15;
	v40 =	vld [tilespmem:s5+$0x5630];
	v24 =	vmul.f32 $1.442695020e+00, v24;
	(pc) =	sbr.rel @!p3 .LBB2_12-.Ltmp7, $4  }
0x1b0: {  	v14 =	vld [tilespmem:s8+$0x5610];
	(erf) = vpow2.f32 v19;
	v19 =	vmul.f32 $1.442695020e+00, v23  }
0x1b1: {  	(erf) = vpow2.f32 v24;
	v42 =	vld.idx.msk [tilespmem:v20+s3+$0x0], $0xffff;
	v20 =	vmul.f32 $1.442695020e+00, v22  }
0x1b2: {  	(erf) = vpow2.f32 v19;
	v39 =	vld.idx.msk [tilespmem:v21+s3+$0x0], $0xffff  }
0x1b3: {  	p0 =	por $0x1, $0x1;
	v41 =	vadd.s32 v28, v26;
	v33 =	vld.idx.msk [tilespmem:v25+s3+$0x0], $0xffff;
	(erf) = vpow2.f32 v20  }
0x1b4: {  	_ =	sdelay $0x2  }
0x1b5: {  	v19 =	vld [tilespmem:s10+$0x55FF]  }
0x1b6: {  	p1 =	sgt.s32 s15, $0xA0;
	v23 =	vld.idx.msk [tilespmem:v41+s3+$0x0], $0xffff;
	s0 =	smov.u32 s23  }
0x1b7: {  	v24 =	vld [tilespmem:s8+$0x560F];
	s0 =	smov.u32 @p1 s7  }
0x1b8: {  	s1 =	smov.u32 s23;
	v26 =	vld [tilespmem:s10+$0x5600];
	p1 =	sgt.s32 s15, $0xB0;
	s28 =	sadd.s32 $0x80, s0;
	v21 =	vadd.f32 v42, v38  }
0x1b9: {  	s1 =	smov.u32 @p1 s7;
	p1 =	sgt.s32 s15, $0x80;
	s0 =	smov.u32 s23;
	v31 =	vadd.f32 v39, v43  }
0x1ba: {  	v25 =	vld [tilespmem:s28+$0x4FA0];
	s29 =	sadd.s32 $0x80, s1;
	s0 =	smov.u32 @p1 s7;
	v20 =	vmax.f32 v27, v21  }
0x1bb: {  	v29 =	vld [tilespmem:s29+$0x4FB0];
	s0 =	sadd.s32 $0x80, s0;
	v27 =	vmin.f32 v27, v21;
	v32 =	vadd.f32 v33, v19;
	v21 =	vmax.f32 v40, v31  }
0x1bc: {  	p1 =	sgt.s32 s15, $0x90;
	s1 =	smov.u32 s23;
	v22 =	vpop (erf);
	v56 =	vld [tilespmem:s0+$0x4F80];
	v19 =	vmin.f32 v40, v31;
	v31 =	vadd.f32 v23, v24;
	v37 =	vsub.f32 v27, v20  }
0x1bd: {  	v38 =	vld [tilespmem:s28+$0x561F];
	s1 =	smov.u32 @p1 s7;
	v30 =	vmul.f32 $7.473614810e-02, v22;
	v34 =	vsub.f32 v19, v21;
	v23 =	vmax.f32 v26, v32  }
0x1be: {  	v43 =	vld [tilespmem:s29+$0x562F];
	s1 =	sadd.s32 $0x80, s1;
	v24 =	vpop (erf);
	v19 =	vmax.f32 v14, v31;
	v31 =	vmin.f32 v14, v31;
	v32 =	vmin.f32 v26, v32  }
0x1bf: {  	v36 =	vld [tilespmem:s1+$0x4F90];
	v57 =	vmul.f32 $7.473614810e-02, v24;
	v59 =	vmul.f32 $1.442695020e+00, v37;
	v35 =	vadd.s32 v28, v25  }
0x1c0: {  	v27 =	vld [tilespmem:s28+$0x5620];
	v25 =	vpop (erf);
	v34 =	vmul.f32 $1.442695020e+00, v34;
	v31 =	vsub.f32 v31, v19;
	v29 =	vadd.s32 v28, v29  }
0x1c1: {  	p3 =	sgt.s32 s16, $0xC0;
	v40 =	vld [tilespmem:s29+$0x5630];
	v32 =	vsub.f32 v32, v23;
	v62 =	vmul.f32 $7.473614810e-02, v25;
	v33 =	vadd.s32 v28, v56  }
.Ltmp8:
0x1c2: {  	v14 =	vld [tilespmem:s1+$0x5610];
	v26 =	vpop (erf);
	v60 =	vsub.f32 $2.546222210e-01, v57;
	(erf) = vpow2.f32 v34;
	v31 =	vmul.f32 $1.442695020e+00, v31;
	(pc) =	sbr.rel @!p3 .LBB2_14-.Ltmp8, $4  }
0x1c3: {  	v61 =	vsub.f32 $2.546222210e-01, v30;
	v58 =	vmul.f32 $7.473614810e-02, v26;
	v30 =	vmul.f32 $1.442695020e+00, v32  }
0x1c4: {  	v41 =	vadd.s32 v28, v36;
	v63 =	vmul.f32 v60, v24;
	(erf) = vpow2.f32 v31;
	v42 =	vld.idx.msk [tilespmem:v35+s3+$0x0], $0xffff  }
0x1c5: {  	v31 =	vmul.f32 v61, v22;
	(erf) = vpow2.f32 v30;
	v30 =	vsub.f32 $2.546222210e-01, v62;
	v39 =	vld.idx.msk [tilespmem:v29+s3+$0x0], $0xffff  }
0x1c6: {  	p1 =	por $0x1, $0x1;
	v32 =	vadd.f32 $-4.866430760e-01, v63;
	v29 =	vsub.f32 $2.546222210e-01, v58;
	(erf) = vpow2.f32 v59;
	v33 =	vld.idx.msk [tilespmem:v33+s3+$0x0], $0xffff  }
0x1c7: {  	_ =	sdelay $0x1  }
0x1c8: {  	[dreg:$0xd] =	wrdreg s21  }
0x1c9: {  	v37 =	vadd.f32 $-4.866430760e-01, v31;
	v44 =	vmul.f32 v30, v25;
	v35 =	vld [tilespmem:s0+$0x55FF]  }
0x1ca: {  	p2 =	sgt.s32 s15, $0xD0;
	s2 =	smov.u32 s23;
	p3 =	sgt.s32 s15, $0xE0;
	v36 =	vmul.f32 v29, v26;
	v41 =	vld.idx.msk [tilespmem:v41+s3+$0x0], $0xffff;
	v60 =	vmul.f32 v32, v24;
	v38 =	vadd.f32 v42, v38  }
0x1cb: {  	s9 =	smov.u32 s23;
	s2 =	smov.u32 @p2 s7;
	v45 =	vld [tilespmem:s1+$0x560F];
	p2 =	sgt.s32 s15, $0xF0;
	v61 =	vadd.f32 $-4.866430760e-01, v44;
	v37 =	vmul.f32 v37, v22;
	v39 =	vadd.f32 v39, v43  }
0x1cc: {  	s9 =	smov.u32 @p3 s7;
	v46 =	vld [tilespmem:s0+$0x5600];
	s11 =	sadd.s32 $0xC0, s2;
	s2 =	smov.u32 s23;
	v36 =	vadd.f32 $-4.866430760e-01, v36;
	v43 =	vadd.f32 $9.996203780e-01, v60;
	v34 =	vpop (erf);
	v47 =	vmax.f32 v27, v38  }
0x1cd: {  	s26 =	smov.u32 s30;
	s30 =	sadd.s32 $0xC0, s9;
	v62 =	vld [tilespmem:s11+$0x4F90];
	s2 =	smov.u32 @p2 s7;
	v27 =	vmin.f32 v27, v38;
	v38 =	vmul.f32 v61, v25;
	v59 =	vmul.f32 $7.473614810e-02, v34  }
0x1ce: {  	v63 =	vld [tilespmem:s30+$0x4FA0];
	s31 =	sadd.s32 $0xC0, s2;
	v48 =	vmax.f32 v40, v39;
	v39 =	vmin.f32 v40, v39;
	v53 =	vsub.f32 v27, v47  }
0x1cf: {  	p2 =	sgt.s32 s15, $0xC0;
	s2 =	smov.u32 s23;
	v50 =	vld [tilespmem:s31+$0x4FB0];
	v57 =	vmul.f32 v36, v26;
	v39 =	vsub.f32 v39, v48;
	v33 =	vadd.f32 v33, v35  }
0x1d0: {  	s2 =	smov.u32 @p2 s7;
	v58 =	vadd.f32 v41, v45;
	v45 =	vmul.f32 v43, v24;
	v52 =	vsub.f32 $2.546222210e-01, v59  }
0x1d1: {  	s2 =	sadd.s32 $0xC0, s2;
	v59 =	vadd.f32 $9.996203780e-01, v37;
	v60 =	vadd.f32 $9.996203780e-01, v57;
	v53 =	vmul.f32 $1.442695020e+00, v53  }
0x1d2: {  	v51 =	vld [tilespmem:s2+$0x4F80];
	v49 =	vmax.f32 v46, v33;
	v27 =	vmul.f32 $1.442695020e+00, v39;
	v41 =	vadd.s32 v28, v62  }
0x1d3: {  	v37 =	vpop (erf);
	v54 =	vmax.f32 v14, v58;
	v40 =	vadd.s32 v28, v63;
	v42 =	vmin.f32 v14, v58  }
0x1d4: {  	v62 =	vadd.f32 $9.996203780e-01, v38;
	v55 =	vmul.f32 $7.473614810e-02, v37;
	v61 =	vadd.s32 v28, v50  }
0x1d5: {  	v43 =	vld [tilespmem:s31+$0x562F];
	v36 =	vpop (erf);
	v33 =	vmin.f32 v46, v33;
	v44 =	vmul.f32 v59, v22;
	(erf) = vpow2.f32 v27  }
0x1d6: {  	v14 =	vld [tilespmem:s11+$0x5610];
	v35 =	vpop (erf);
	v42 =	vsub.f32 v42, v54;
	v56 =	vmul.f32 v60, v26;
	v33 =	vsub.f32 v33, v49  }
0x1d7: {  	p3 =	sgt.s32 s16, $0x100;
	v38 =	vld [tilespmem:s30+$0x561F];
	v63 =	vmul.f32 $7.473614810e-02, v35;
	v58 =	vmul.f32 v62, v25;
	v51 =	vadd.s32 v28, v51  }
.Ltmp9:
0x1d8: {  	v27 =	vld [tilespmem:s30+$0x5620];
	v60 =	vsub.f32 $2.546222210e-01, v55;
	v57 =	vmul.f32 $1.442695020e+00, v42;
	v44 =	vadd.f32 v44, v16;
	(pc) =	sbr.rel @!p3 .LBB2_16-.Ltmp9, $4  }
0x1d9: {  	v62 =	vmul.f32 $7.473614810e-02, v36;
	v56 =	vadd.f32 v56, v15;
	v39 =	vld.idx.msk [tilespmem:v61+s3+$0x0], $0xffff;
	v61 =	vmul.f32 $1.442695020e+00, v33  }
0x1da: {  	v50 =	vsub.f32 $2.546222210e-01, v63;
	v63 =	vmul.f32 v60, v37;
	v42 =	vld.idx.msk [tilespmem:v40+s3+$0x0], $0xffff;
	(erf) = vpow2.f32 v57  }
0x1db: {  	s14 =	smov.u32 s12;
	v52 =	vmul.f32 v52, v34;
	v46 =	vadd.f32 v58, v18;
	[tilespmem:s19+$0x5C20] =	vst v56;
	v40 =	vld [tilespmem:s31+$0x5630];
	(erf) = vpow2.f32 v61  }
0x1dc: {  	s13 =	smov.u32 s18;
	s9 =	simm.s32 $0x100;
	p2 =	por $0x1, $0x1;
	[tilespmem:s17+$0x5C30] =	vst v44;
	v44 =	vmovc v17;
	v33 =	vld.idx.msk [tilespmem:v51+s3+$0x0], $0xffff;
	v51 =	vsub.f32 $2.546222210e-01, v62;
	(erf) = vpow2.f32 v53;
	v53 =	vadd.f32 $-4.866430760e-01, v63  }
.LBB2_17:
0x1dd: {  	s20 =	sadd.s32 $0x10, s9;
	s21 =	sadd.s32 $0x20, s9  }
0x1de: {  	v56 =	vpop (erf);
	s22 =	smov.u32 s9;
	s9 =	sadd.s32 $0x40, s9;
	s4 =	smov.u32 s23  }
0x1df: {  	v55 =	vld [tilespmem:s2+$0x55FF];
	v50 =	vmul.f32 v50, v35;
	v52 =	vadd.f32 $-4.866430760e-01, v52;
	v45 =	vadd.f32 v45, v44;
	v44 =	vmovc v19;
	v19 =	vmovc v54;
	p4 =	slt.s32 s20, s15;
	p5 =	slt.s32 s21, s15;
	p3 =	slt.s32 s9, s16  }
0x1e0: {  	v38 =	vadd.f32 v42, v38;
	v51 =	vmul.f32 v51, v36;
	v41 =	vld.idx.msk [tilespmem:v41+s3+$0x0], $0xffff;
	v42 =	vmul.f32 $7.473614810e-02, v56;
	[tilespmem:s14+$0x5C00] =	vst v46;
	s14 =	smov.u32 s23;
	s20 =	smov.u32 s23;
	s21 =	sadd.s32 $0x30, s22  }
0x1e1: {  	s14 =	smov.u32 @p4 s7;
	s20 =	smov.u32 @p5 s7;
	v46 =	vld [tilespmem:s11+$0x560F];
	v39 =	vadd.f32 v39, v43;
	v43 =	vmul.f32 v53, v37;
	v50 =	vadd.f32 $-4.866430760e-01, v50;
	[tilespmem:s13+$0x5C10] =	vst v45;
	p4 =	slt.s32 s21, s15  }
0x1e2: {  	v57 =	vmax.f32 v27, v38;
	v27 =	vmin.f32 v27, v38;
	v38 =	vadd.f32 $-4.866430760e-01, v51;
	s21 =	smov.u32 s23;
	s14 =	sadd.s32 s22, s14;
	s20 =	sadd.s32 s22, s20;
	v53 =	vld [tilespmem:s2+$0x5600]  }
0x1e3: {  	s13 =	smov.u32 s8;
	s8 =	smov.u32 s1;
	s21 =	smov.u32 @p4 s7;
	v51 =	vld [tilespmem:s14+$0x4F90];
	v58 =	vmax.f32 v40, v39;
	v39 =	vmin.f32 v40, v39;
	v40 =	vmul.f32 v52, v34  }
0x1e4: {  	s1 =	smov.u32 s11;
	p4 =	slt.s32 s22, s15;
	s21 =	sadd.s32 s22, s21;
	v38 =	vmul.f32 v38, v36;
	v43 =	vadd.f32 $9.996203780e-01, v43;
	v52 =	vld [tilespmem:s20+$0x4FA0];
	v54 =	vsub.f32 v39, v58  }
0x1e5: {  	s4 =	smov.u32 @p4 s7;
	v50 =	vmul.f32 v50, v35;
	s11 =	smov.u32 s14;
	s14 =	smov.u32 s10;
	v33 =	vadd.f32 v33, v55;
	v55 =	vsub.f32 $2.546222210e-01, v42;
	v59 =	vld [tilespmem:s21+$0x4FB0];
	v42 =	vpop (erf)  }
0x1e6: {  	s10 =	smov.u32 s0;
	s0 =	smov.u32 s2;
	s2 =	sadd.s32 s22, s4;
	v45 =	vmul.f32 v43, v37;
	v40 =	vadd.f32 $9.996203780e-01, v40;
	v46 =	vadd.f32 v41, v46;
	v60 =	vpop (erf)  }
0x1e7: {  	v62 =	vsub.f32 v27, v57;
	v27 =	vmul.f32 $1.442695020e+00, v54;
	v43 =	vld [tilespmem:s2+$0x4F80];
	v61 =	vmax.f32 v53, v33;
	v39 =	vpop (erf)  }
0x1e8: {  	v50 =	vadd.f32 $9.996203780e-01, v50;
	v37 =	vmovc v42;
	v41 =	vadd.s32 v28, v51;
	v54 =	vmax.f32 v14, v46  }
0x1e9: {  	v40 =	vmul.f32 v40, v34;
	v34 =	vmovc v56;
	v46 =	vmin.f32 v14, v46;
	v42 =	vadd.s32 v28, v52  }
0x1ea: {  	v52 =	vadd.f32 $9.996203780e-01, v38;
	v51 =	vadd.s32 v28, v59;
	(erf) = vpow2.f32 v27  }
0x1eb: {  	v33 =	vmin.f32 v53, v33;
	v53 =	vmul.f32 $7.473614810e-02, v39;
	v46 =	vsub.f32 v46, v54;
	v14 =	vld [tilespmem:s11+$0x5610]  }
0x1ec: {  	v59 =	vmul.f32 v50, v35;
	v35 =	vmovc v39;
	v56 =	vadd.s32 v28, v43;
	v27 =	vld [tilespmem:s20+$0x5620];
	v43 =	vmul.f32 $7.473614810e-02, v37  }
0x1ed: {  	v33 =	vsub.f32 v33, v61;
	v46 =	vmul.f32 $1.442695020e+00, v46;
	v63 =	vmul.f32 v52, v36;
	v36 =	vmovc v60;
	v38 =	vld [tilespmem:s20+$0x561F]  }
.Ltmp10:
0x1ee: {  	v50 =	vsub.f32 $2.546222210e-01, v53;
	v60 =	vmul.f32 $1.442695020e+00, v62;
	v42 =	vld.idx.msk [tilespmem:v42+s3+$0x0], $0xffff;
	v52 =	vsub.f32 $2.546222210e-01, v43;
	(pc) =	sbr.rel @p3 .LBB2_17-.Ltmp10, $4  }
0x1ef: {  	v53 =	vmul.f32 $7.473614810e-02, v36;
	v59 =	vadd.f32 v59, v20;
	v20 =	vmovc v47;
	v47 =	vmovc v57;
	v39 =	vld.idx.msk [tilespmem:v51+s3+$0x0], $0xffff;
	v51 =	vmul.f32 $1.442695020e+00, v33  }
0x1f0: {  	v57 =	vadd.f32 v40, v21;
	v21 =	vmovc v48;
	v48 =	vmovc v58;
	v43 =	vld [tilespmem:s21+$0x562F];
	(erf) = vpow2.f32 v46;
	v46 =	vmul.f32 v52, v37  }
0x1f1: {  	v52 =	vmul.f32 v55, v34;
	v33 =	vld.idx.msk [tilespmem:v56+s3+$0x0], $0xffff;
	(erf) = vpow2.f32 v51;
	v51 =	vsub.f32 $2.546222210e-01, v53;
	[tilespmem:s6+$0x5C20] =	vst v59;
	s6 =	smov.u32 s28;
	s28 =	smov.u32 s30;
	s30 =	smov.u32 s20  }
0x1f2: {  	v40 =	vld [tilespmem:s21+$0x5630];
	(erf) = vpow2.f32 v60;
	v53 =	vadd.f32 $-4.866430760e-01, v46;
	v46 =	vadd.f32 v63, v23;
	[tilespmem:s5+$0x5C30] =	vst v57;
	v23 =	vmovc v49;
	v49 =	vmovc v61;
	s5 =	smov.u32 s29;
	s29 =	smov.u32 s31;
	s31 =	smov.u32 s21  }
0x1f3: {  	s7 =	smov.u32 s8  }
0x1f4: {  	s16 =	smov.u32 s10;
	s9 =	smov.u32 s6;
	s20 =	smov.u32 s5  }
0x1f5: {  	s8 =	smov.u32 s1;
	s10 =	smov.u32 s0;
	s4 =	smov.u32 s28  }
0x1f6: {  	v28 =	vmov v19;
	v55 =	vmov v20;
	v56 =	vmov v21;
	s6 =	smov.u32 s30;
	s5 =	smov.u32 s31;
	s31 =	rddreg [dreg:$0xa]  }
0x1f7: {  	v57 =	vmovc v23;
	v19 =	vmovc v54;
	v20 =	vmov v47;
	v21 =	vmov v48;
	v23 =	vmov v49;
	s15 =	smov.u32 s29;
	s30 =	smov.u32 s26;
	s21 =	rddreg [dreg:$0xd]  }
.LBB2_19:
0x1f8: {  	_ =	sdelay $0x1  }
0x1f9: {  	v47 =	vmul.f32 @p1 v50, v35;
	v48 =	vadd.f32 @p1 $-4.866430760e-01, v52  }
0x1fa: {  	v44 =	vadd.f32 @p2 v45, v44;
	v42 =	vadd.f32 v42, v38;
	v45 =	vmul.f32 @p1 v51, v36  }
0x1fb: {  	v41 =	vld.idx.msk [tilespmem:v41+s3+$0x0], $0xffff;
	v39 =	vadd.f32 v39, v43;
	v43 =	vmul.f32 @p1 v53, v37;
	v28 =	vpsel p1, v28, v0  }
0x1fc: {  	v17 =	vpsel p0, v19, v17;
	v19 =	vmovc @p0 v21;
	v15 =	vpsel p0, v20, v15;
	v18 =	vpsel p0, v23, v18  }
0x1fd: {  	v49 =	vld [tilespmem:s11+$0x560F];
	v16 =	vpsel p0, v19, v16;
	v17 =	vpsel p0, v17, v0;
	v47 =	vadd.f32 @p1 $-4.866430760e-01, v47  }
0x1fe: {  	v60 =	vld [tilespmem:s2+$0x55FF];
	v51 =	vpop @p0 (erf);
	v38 =	vmax.f32 v27, v42;
	v42 =	vmin.f32 v27, v42;
	v45 =	vadd.f32 @p1 $-4.866430760e-01, v45  }
0x1ff: {  	v50 =	vpop @p0 (erf);
	v27 =	vmax.f32 v40, v39;
	v39 =	vmin.f32 v40, v39;
	v40 =	vmul.f32 @p1 v48, v34  }
0x200: {  	v48 =	vmul.f32 @p0 $7.473614810e-02, v51;
	v43 =	vadd.f32 @p1 $9.996203780e-01, v43;
	v24 =	vpsel p0, v50, v24  }
0x201: {  	v61 =	vld [tilespmem:s2+$0x5600];
	v39 =	vsub.f32 v39, v27;
	v42 =	vsub.f32 v42, v38;
	v45 =	vmul.f32 @p1 v45, v36  }
0x202: {  	v40 =	vadd.f32 @p1 $9.996203780e-01, v40;
	v47 =	vmul.f32 @p1 v47, v35;
	v37 =	vmul.f32 @p1 v43, v37  }
0x203: {  	v41 =	vadd.f32 v41, v49;
	v62 =	vadd.f32 v33, v60;
	v39 =	vmul.f32 $1.442695020e+00, v39  }
0x204: {  	v42 =	vmul.f32 $1.442695020e+00, v42;
	v34 =	vmul.f32 @p1 v40, v34;
	v47 =	vadd.f32 @p1 $9.996203780e-01, v47  }
0x205: {  	v45 =	vadd.f32 @p1 $9.996203780e-01, v45;
	v33 =	vmax.f32 v14, v41;
	v41 =	vmin.f32 v14, v41  }
0x206: {  	v14 =	vmax.f32 v61, v62;
	v49 =	vmin.f32 v61, v62;
	v41 =	vsub.f32 v41, v33  }
0x207: {  	(erf) = vpow2.f32 v39;
	v35 =	vmul.f32 @p1 v47, v35;
	v49 =	vsub.f32 v49, v14  }
0x208: {  	v48 =	vsub.f32 @p0 $2.546222210e-01, v48;
	v40 =	vpop @p0 (erf);
	v47 =	vmul.f32 @p0 $7.473614810e-02, v50;
	v41 =	vmul.f32 $1.442695020e+00, v41  }
0x209: {  	v37 =	vpsel p1, v37, v0;
	v36 =	vmul.f32 @p1 v45, v36;
	v39 =	vpop @p0 (erf);
	v49 =	vmul.f32 $1.442695020e+00, v49  }
0x20a: {  	v28 =	vadd.f32 @p1 v37, v28;
	v52 =	vmul.f32 @p0 $7.473614810e-02, v39;
	(erf) = vpow2.f32 v41  }
0x20b: {  	v34 =	vadd.f32 @p1 v34, v56;
	v45 =	vsub.f32 @p0 $2.546222210e-01, v47;
	(erf) = vpow2.f32 v49  }
0x20c: {  	v21 =	vpsel p0, v40, v25;
	v47 =	vsub.f32 @p0 $2.546222210e-01, v52;
	v52 =	vmul.f32 @p0 $7.473614810e-02, v40  }
0x20d: {  	v35 =	vadd.f32 @p1 v35, v55;
	v45 =	vmul.f32 @p0 v45, v50;
	(erf) = vpow2.f32 v42  }
0x20e: {  	v36 =	vadd.f32 @p1 v36, v57;
	v26 =	vpsel p0, v39, v26;
	v41 =	vmovc @p0 v51;
	v49 =	vsub.f32 @p0 $2.546222210e-01, v52  }
0x20f: {  	v42 =	vadd.f32 @p0 $-4.866430760e-01, v45;
	v29 =	vpsel p0, v47, v29;
	v48 =	vmul.f32 @p0 v48, v41  }
0x210: {  	v22 =	vpsel p0, v41, v22;
	v23 =	vmul.f32 @p0 v29, v26;
	v25 =	vpsel p0, v49, v30  }
0x211: {  	v32 =	vpsel p0, v42, v32;
	v63 =	vpop (erf);
	v31 =	vpsel p0, v48, v31;
	v20 =	vmul.f32 @p0 v25, v21  }
0x212: {  	v45 =	vmul.f32 $7.473614810e-02, v63;
	v23 =	vadd.f32 @p0 $-4.866430760e-01, v23;
	v25 =	vadd.f32 @p0 $-4.866430760e-01, v31  }
0x213: {  	v30 =	vpsel p1, v36, v0;
	v31 =	vmul.f32 @p0 v32, v24;
	v20 =	vadd.f32 @p0 $-4.866430760e-01, v20;
	v42 =	vpop (erf)  }
0x214: {  	v36 =	vsub.f32 $2.546222210e-01, v45;
	v23 =	vmul.f32 @p0 v23, v26;
	v25 =	vmul.f32 @p0 v25, v22;
	v43 =	vpop (erf)  }
0x215: {  	v31 =	vadd.f32 @p0 $9.996203780e-01, v31;
	v20 =	vmul.f32 @p0 v20, v21;
	v50 =	vmul.f32 $7.473614810e-02, v43  }
0x216: {  	v23 =	vadd.f32 @p0 $9.996203780e-01, v23;
	v25 =	vadd.f32 @p0 $9.996203780e-01, v25;
	v51 =	vmul.f32 $7.473614810e-02, v42;
	v47 =	vpop (erf)  }
0x217: {  	v52 =	vmul.f32 v36, v63;
	v48 =	vmul.f32 $7.473614810e-02, v47;
	v39 =	vsub.f32 $2.546222210e-01, v50  }
0x218: {  	v24 =	vmul.f32 @p0 v31, v24;
	v22 =	vmul.f32 @p0 v25, v22;
	v25 =	vsub.f32 $2.546222210e-01, v51  }
0x219: {  	v20 =	vadd.f32 @p0 $9.996203780e-01, v20;
	v49 =	vsub.f32 $2.546222210e-01, v48;
	v53 =	vmul.f32 v39, v43  }
0x21a: {  	[tilespmem:s14+$0x5C00] =	vst @p2 v46;
	s1 =	smov.u32 @p1 s7;
	v23 =	vmul.f32 @p0 v23, v26;
	v55 =	vadd.f32 $-4.866430760e-01, v52;
	v54 =	vmul.f32 v25, v42  }
0x21b: {  	s1 =	smov.u32 @p1 s1;
	[tilespmem:s13+$0x5C10] =	vst @p2 v44;
	v20 =	vmul.f32 @p0 v20, v21;
	v31 =	vmul.f32 v49, v47;
	v21 =	vadd.f32 $-4.866430760e-01, v53  }
0x21c: {  	s0 =	smov.u32 @p1 s16;
	[tilespmem:s1+$0x5C10] =	vst @p1 v28;
	v15 =	vadd.f32 @p0 v23, v15;
	v57 =	vmul.f32 v55, v63;
	v23 =	vadd.f32 $-4.866430760e-01, v54  }
0x21d: {  	s7 =	smov.u32 @p0 s8;
	s8 =	smov.u32 @p0 s10;
	s0 =	smov.u32 @p1 s0;
	[tilespmem:s20+$0x5C30] =	vst @p1 v34;
	v16 =	vadd.f32 @p0 v22, v16;
	v31 =	vadd.f32 $-4.866430760e-01, v31;
	v21 =	vmul.f32 v21, v43  }
0x21e: {  	s19 =	smov.u32 @p0 s4;
	s12 =	smov.u32 @p0 s8;
	[tilespmem:s0+$0x5C00] =	vst @p1 v30;
	s0 =	smov.u32 @p0 s15;
	v18 =	vadd.f32 @p0 v20, v18;
	v20 =	vadd.f32 $9.996203780e-01, v57;
	v23 =	vmul.f32 v23, v42  }
0x21f: {  	s17 =	smov.u32 @p0 s0;
	s0 =	smov.u32 @p0 s12;
	v24 =	vpsel p0, v24, v0;
	[tilespmem:s19+$0x5C20] =	vst @p0 v15;
	v56 =	vmul.f32 v31, v47;
	v58 =	vadd.f32 $9.996203780e-01, v21  }
0x220: {  	s18 =	smov.u32 @p0 s7;
	s0 =	smov.u32 @p0 s0;
	[tilespmem:s17+$0x5C30] =	vst @p0 v16;
	v15 =	vpsel p0, v18, v0;
	v19 =	vmul.f32 v20, v63;
	v60 =	vadd.f32 $9.996203780e-01, v23  }
0x221: {  	s1 =	smov.u32 @p0 s18;
	v16 =	vadd.f32 @p0 v24, v17;
	[tilespmem:s0+$0x5C00] =	vst @p0 v15;
	v22 =	vadd.f32 $9.996203780e-01, v56;
	v15 =	vmul.f32 v58, v43  }
0x222: {  	s1 =	smov.u32 @p0 s1;
	[tilespmem:s9+$0x5C20] =	vst @p1 v35;
	v63 =	vadd.f32 v19, v27;
	v62 =	vmul.f32 v60, v42  }
0x223: {  	[tilespmem:s1+$0x5C10] =	vst @p0 v16;
	v59 =	vmul.f32 v22, v47;
	v14 =	vadd.f32 v15, v14  }
0x224: {  	[tilespmem:s5+$0x5C30] =	vst v63;
	v15 =	vadd.f32 v62, v33  }
0x225: {  	v61 =	vadd.f32 v59, v38;
	[tilespmem:s2+$0x5C00] =	vst v14  }
0x226: {  	[tilespmem:s11+$0x5C10] =	vst v15  }
0x227: {  	[tilespmem:s6+$0x5C20] =	vst v61  }
.LBB2_20:
0x228: {  	s0 =	ssub.s32 $0x7FE, s25  }
0x229: {  	s1 =	ssub.s32 s30, s0  }
0x22a: {  	p0 =	sgt.s32 s1, $0x0  }
0x22b: {  	s4 =	ssub.s32 s31, s0;
	p1 =	slt.s32 s1, $0x1;
	s1 =	simm.s32 @!p0 $0x0  }
0x22c: {  	p2 =	sgt.s32 s4, $0x0;
	s2 =	sand.u32 $0xF, s1  }
0x22d: {  	p3 =	slt.s32 s4, $0x1;
	s4 =	simm.s32 @!p2 $0x0;
	p5 =	sne.s32 s2, $0x0  }
0x22e: {  	s5 =	sadd.s32 $0x2, s25;
	s22 =	sand.u32 $0xF, s4;
	p0 =	por !p1, !p5  }
0x22f: {  	s0 =	simm.s32 $0xFFFFFFFF;
	p6 =	sne.s32 s22, $0x0;
	p0 =	por !p0, !p0  }
0x230: {  	s2 =	sshrl.u32 s5, $0x4;
	s5 =	rddreg [dreg:$0xb];
	s0 =	simm.s32 @!p0 $0x0  }
0x231: {  	p1 =	slt.s32 s2, s5;
	p0 =	por !p3, !p6;
	s0 =	sshll.u32 s0, $0x4  }
0x232: {  	p0 =	por !p0, !p0;
	s0 =	sadd.s32 s1, s0;
	s1 =	simm.s32 $0xFFFFFFFF  }
0x233: {  	s6 =	rddreg [dreg:$0xc];
	s5 =	smov.u32 @p1 s2;
	s1 =	simm.s32 @!p0 $0x0  }
0x234: {  	s5 =	sshll.u32 s5, $0x4;
	p0 =	slt.s32 s2, s6;
	s1 =	sshll.u32 s1, $0x4  }
0x235: {  	s0 =	sand.u32 $0xFFFFFFF0, s0;
	s6 =	smov.u32 @p0 s2;
	s1 =	sadd.s32 s4, s1  }
0x236: {  	s23 =	ssub.s32 s5, s0;
	s25 =	sshll.u32 s6, $0x4;
	s1 =	sand.u32 $0xFFFFFFF0, s1  }
0x237: {  	s15 =	sadd.s32 $0x10, s23;
	s26 =	ssub.s32 s25, s1  }
0x238: {  	s2 =	sadd.s32 s15, s26  }
0x239: {  	s2 =	sadd.s32 $0x4F, s2  }
0x23a: {  	s28 =	sshra.s32 s2, $0x1F  }
0x23b: {  	s29 =	sshrl.u32 s28, $0x1A  }
0x23c: {  	s2 =	sadd.s32 s29, s2  }
0x23d: {  	s2 =	sshrl.u32 s2, $0x6  }
0x23e: {  	s2 =	sadd.s32 s28, s2  }
0x23f: {  	s16 =	sshll.u32 s2, $0x6  }
0x240: {  	p0 =	sgt.s32 s16, $0x0  }
.Ltmp11:
0x241: {  	_ = 	snop;
	(pc) =	sbr.rel @!p0 .LBB2_23-.Ltmp11, $1  }
0x242: {  	_ =	sdelay $0x3  }
0x243: {  	s1 =	ssub.s32 s1, s15  }
0x244: {  	s4 =	sadd.s32 $0x380, s1  }
0x245: {  	s7 =	sadd.s32 $0x80, s0;
	p0 =	sgt.s32 s15, $0x20;
	s0 =	smov.u32 s4  }
0x246: {  	s0 =	smov.u32 @p0 s7  }
0x247: {  	s1 =	smov.u32 s4;
	p0 =	sgt.s32 s15, $0x30;
	s28 =	sadd.s32 $0x0, s0  }
0x248: {  	s1 =	smov.u32 @p0 s7;
	p0 =	sgt.s32 s15, $0x0;
	s0 =	smov.u32 s4  }
0x249: {  	v14 =	vld [tilespmem:s28+$0x4FA0];
	s29 =	sadd.s32 $0x0, s1;
	s0 =	smov.u32 @p0 s7  }
0x24a: {  	v15 =	vld [tilespmem:s29+$0x4FB0];
	s0 =	sadd.s32 $0x0, s0  }
0x24b: {  	v16 =	vld [tilespmem:s0+$0x4F80]  }
0x24c: {  	s2 =	sadd.s32 $0x5, s21  }
0x24d: {  	v28 =	vmov s2;
	p0 =	sgt.s32 s15, $0x10;
	s1 =	smov.u32 s4;
	v27 =	vld [tilespmem:s28+$0x5C20]  }
0x24e: {  	v38 =	vld [tilespmem:s28+$0x5C1F];
	s1 =	smov.u32 @p0 s7;
	v17 =	vadd.s32 v28, v14  }
0x24f: {  	v43 =	vld [tilespmem:s29+$0x5C2F];
	s1 =	sadd.s32 $0x0, s1;
	v15 =	vadd.s32 v28, v15  }
0x250: {  	p3 =	sgt.s32 s16, $0x40;
	v18 =	vld [tilespmem:s1+$0x4F90];
	v16 =	vadd.s32 v28, v16  }
.Ltmp12:
0x251: {  	v40 =	vld [tilespmem:s29+$0x5C30];
	(pc) =	sbr.rel @!p3 .LBB2_22-.Ltmp12, $4  }
0x252: {  	v14 =	vld [tilespmem:s1+$0x5C10]  }
0x253: {  	v42 =	vld.idx.msk [tilespmem:v17+s3+$0x0], $0xffff  }
0x254: {  	v39 =	vld.idx.msk [tilespmem:v15+s3+$0x0], $0xffff  }
0x255: {  	p1 =	por $0x0, $0x0;
	p2 =	por $0x0, $0x0;
	p0 =	por $0x0, $0x0;
	v41 =	vadd.s32 v28, v18;
	v33 =	vld.idx.msk [tilespmem:v16+s3+$0x0], $0xffff  }
0x256: {  	_ =	sdelay $0x3  }
0x257: {  	p0 =	sgt.s32 s15, $0x60;
	s2 =	smov.u32 s4;
	v18 =	vld.idx.msk [tilespmem:v41+s3+$0x0], $0xffff  }
0x258: {  	v19 =	vld [tilespmem:s1+$0x5C0F];
	s2 =	smov.u32 @p0 s7  }
0x259: {  	v17 =	vld [tilespmem:s0+$0x5BFF];
	s5 =	smov.u32 s4;
	p0 =	sgt.s32 s15, $0x70;
	s25 =	sadd.s32 $0x40, s2  }
0x25a: {  	v24 =	vld [tilespmem:s0+$0x5C00];
	s5 =	smov.u32 @p0 s7;
	p0 =	sgt.s32 s15, $0x40;
	s2 =	smov.u32 s4  }
0x25b: {  	v22 =	vadd.f32 v42, v38;
	v20 =	vld [tilespmem:s25+$0x4FA0];
	s26 =	sadd.s32 $0x40, s5;
	s2 =	smov.u32 @p0 s7  }
0x25c: {  	v23 =	vadd.f32 v39, v43;
	v21 =	vld [tilespmem:s26+$0x4FB0];
	s2 =	sadd.s32 $0x40, s2  }
0x25d: {  	v15 =	vmax.f32 v27, v22;
	v25 =	vld [tilespmem:s2+$0x4F80];
	v18 =	vadd.f32 v18, v19  }
0x25e: {  	v16 =	vmax.f32 v40, v23;
	v19 =	vmin.f32 v40, v23;
	v63 =	vadd.f32 v33, v17  }
0x25f: {  	p0 =	sgt.s32 s15, $0x50;
	s5 =	smov.u32 s4;
	v38 =	vld [tilespmem:s25+$0x5C1F];
	v22 =	vmin.f32 v27, v22;
	v19 =	vsub.f32 v19, v16;
	v17 =	vmax.f32 v14, v18  }
0x260: {  	s5 =	smov.u32 @p0 s7;
	v27 =	vld [tilespmem:s25+$0x5C20];
	v29 =	vmin.f32 v14, v18;
	v18 =	vmax.f32 v24, v63;
	v20 =	vadd.s32 v28, v20  }
0x261: {  	v43 =	vld [tilespmem:s26+$0x5C2F];
	s11 =	sadd.s32 $0x40, s5;
	v23 =	vmin.f32 v24, v63;
	v24 =	vsub.f32 v29, v17;
	v21 =	vadd.s32 v28, v21  }
0x262: {  	p3 =	sgt.s32 s16, $0x80;
	v26 =	vld [tilespmem:s11+$0x4F90];
	v19 =	vmul.f32 $1.442695020e+00, v19;
	v23 =	vsub.f32 v23, v18;
	v25 =	vadd.s32 v28, v25  }
.Ltmp13:
0x263: {  	v22 =	vsub.f32 v22, v15;
	v40 =	vld [tilespmem:s26+$0x5C30];
	v24 =	vmul.f32 $1.442695020e+00, v24;
	(pc) =	sbr.rel @!p3 .LBB2_29-.Ltmp13, $4  }
0x264: {  	v14 =	vld [tilespmem:s11+$0x5C10];
	(erf) = vpow2.f32 v19;
	v19 =	vmul.f32 $1.442695020e+00, v23  }
0x265: {  	(erf) = vpow2.f32 v24;
	v42 =	vld.idx.msk [tilespmem:v20+s3+$0x0], $0xffff;
	v20 =	vmul.f32 $1.442695020e+00, v22  }
0x266: {  	(erf) = vpow2.f32 v19;
	v39 =	vld.idx.msk [tilespmem:v21+s3+$0x0], $0xffff  }
0x267: {  	p0 =	por $0x1, $0x1;
	v41 =	vadd.s32 v28, v26;
	v33 =	vld.idx.msk [tilespmem:v25+s3+$0x0], $0xffff;
	(erf) = vpow2.f32 v20  }
0x268: {  	_ =	sdelay $0x2  }
0x269: {  	v19 =	vld [tilespmem:s2+$0x5BFF]  }
0x26a: {  	v23 =	vld.idx.msk [tilespmem:v41+s3+$0x0], $0xffff  }
0x26b: {  	p1 =	sgt.s32 s15, $0xA0;
	s5 =	smov.u32 s4;
	v24 =	vld [tilespmem:s11+$0x5C0F]  }
0x26c: {  	s8 =	smov.u32 s4;
	v26 =	vld [tilespmem:s2+$0x5C00];
	s5 =	smov.u32 @p1 s7;
	p1 =	sgt.s32 s15, $0xB0;
	v21 =	vadd.f32 v42, v38  }
0x26d: {  	s6 =	sadd.s32 $0x80, s5;
	s8 =	smov.u32 @p1 s7;
	v31 =	vadd.f32 v39, v43  }
0x26e: {  	p1 =	sgt.s32 s15, $0x80;
	v25 =	vld [tilespmem:s6+$0x4FA0];
	s5 =	sadd.s32 $0x80, s8;
	s8 =	smov.u32 s4;
	v20 =	vmax.f32 v27, v21  }
0x26f: {  	s8 =	smov.u32 @p1 s7;
	v27 =	vmin.f32 v27, v21;
	v32 =	vadd.f32 v33, v19;
	v21 =	vmax.f32 v40, v31  }
0x270: {  	v29 =	vld [tilespmem:s5+$0x4FB0];
	v22 =	vpop (erf);
	s12 =	sadd.s32 $0x80, s8;
	v19 =	vmin.f32 v40, v31;
	v31 =	vadd.f32 v23, v24;
	v37 =	vsub.f32 v27, v20  }
0x271: {  	v30 =	vmul.f32 $7.473614810e-02, v22;
	v56 =	vld [tilespmem:s12+$0x4F80];
	v34 =	vsub.f32 v19, v21;
	v23 =	vmax.f32 v26, v32  }
0x272: {  	p1 =	sgt.s32 s15, $0x90;
	s8 =	smov.u32 s4;
	v24 =	vpop (erf);
	v19 =	vmax.f32 v14, v31;
	v31 =	vmin.f32 v14, v31;
	v32 =	vmin.f32 v26, v32  }
0x273: {  	v38 =	vld [tilespmem:s6+$0x5C1F];
	s8 =	smov.u32 @p1 s7;
	v57 =	vmul.f32 $7.473614810e-02, v24;
	v59 =	vmul.f32 $1.442695020e+00, v37;
	v35 =	vadd.s32 v28, v25  }
0x274: {  	v43 =	vld [tilespmem:s5+$0x5C2F];
	s18 =	sadd.s32 $0x80, s8;
	v34 =	vmul.f32 $1.442695020e+00, v34;
	v31 =	vsub.f32 v31, v19;
	v32 =	vsub.f32 v32, v23  }
0x275: {  	v36 =	vld [tilespmem:s18+$0x4F90];
	v25 =	vpop (erf);
	v61 =	vsub.f32 $2.546222210e-01, v30;
	v29 =	vadd.s32 v28, v29;
	v60 =	vsub.f32 $2.546222210e-01, v57  }
0x276: {  	p3 =	sgt.s32 s16, $0xC0;
	v27 =	vld [tilespmem:s6+$0x5C20];
	v26 =	vpop (erf);
	v62 =	vmul.f32 $7.473614810e-02, v25;
	(erf) = vpow2.f32 v34;
	v33 =	vadd.s32 v28, v56  }
.Ltmp14:
0x277: {  	v40 =	vld [tilespmem:s5+$0x5C30];
	v58 =	vmul.f32 $7.473614810e-02, v26;
	v31 =	vmul.f32 $1.442695020e+00, v31;
	(pc) =	sbr.rel @!p3 .LBB2_31-.Ltmp14, $4  }
0x278: {  	v14 =	vld [tilespmem:s18+$0x5C10];
	v30 =	vmul.f32 $1.442695020e+00, v32;
	v63 =	vmul.f32 v60, v24  }
0x279: {  	(erf) = vpow2.f32 v31;
	v31 =	vmul.f32 v61, v22;
	v42 =	vld.idx.msk [tilespmem:v35+s3+$0x0], $0xffff  }
0x27a: {  	v41 =	vadd.s32 v28, v36;
	(erf) = vpow2.f32 v30;
	v30 =	vsub.f32 $2.546222210e-01, v62;
	v39 =	vld.idx.msk [tilespmem:v29+s3+$0x0], $0xffff  }
0x27b: {  	p1 =	por $0x1, $0x1;
	v32 =	vadd.f32 $-4.866430760e-01, v63;
	v29 =	vsub.f32 $2.546222210e-01, v58;
	(erf) = vpow2.f32 v59;
	v33 =	vld.idx.msk [tilespmem:v33+s3+$0x0], $0xffff  }
0x27c: {  	_ =	sdelay $0x2  }
0x27d: {  	v35 =	vld [tilespmem:s12+$0x5BFF]  }
0x27e: {  	v37 =	vadd.f32 $-4.866430760e-01, v31;
	p2 =	sgt.s32 s15, $0xD0;
	v41 =	vld.idx.msk [tilespmem:v41+s3+$0x0], $0xffff;
	v44 =	vmul.f32 v30, v25;
	s8 =	smov.u32 s4  }
0x27f: {  	p3 =	sgt.s32 s15, $0xE0;
	v45 =	vld [tilespmem:s18+$0x5C0F];
	v36 =	vmul.f32 v29, v26;
	s8 =	smov.u32 @p2 s7;
	v60 =	vmul.f32 v32, v24;
	v38 =	vadd.f32 v42, v38  }
0x280: {  	s9 =	smov.u32 s4;
	v46 =	vld [tilespmem:s12+$0x5C00];
	p2 =	sgt.s32 s15, $0xF0;
	s13 =	sadd.s32 $0xC0, s8;
	v61 =	vadd.f32 $-4.866430760e-01, v44;
	v37 =	vmul.f32 v37, v22;
	v34 =	vpop (erf);
	v39 =	vadd.f32 v39, v43  }
0x281: {  	s9 =	smov.u32 @p3 s7;
	s8 =	smov.u32 s4;
	v36 =	vadd.f32 $-4.866430760e-01, v36;
	v43 =	vadd.f32 $9.996203780e-01, v60;
	v59 =	vmul.f32 $7.473614810e-02, v34  }
0x282: {  	s19 =	sadd.s32 $0xC0, s9;
	v62 =	vld [tilespmem:s13+$0x4F90];
	s8 =	smov.u32 @p2 s7;
	v47 =	vmax.f32 v27, v38;
	v27 =	vmin.f32 v27, v38;
	v38 =	vmul.f32 v61, v25  }
0x283: {  	v63 =	vld [tilespmem:s19+$0x4FA0];
	s17 =	sadd.s32 $0xC0, s8;
	v48 =	vmax.f32 v40, v39;
	v39 =	vmin.f32 v40, v39;
	v33 =	vadd.f32 v33, v35  }
0x284: {  	p2 =	sgt.s32 s15, $0xC0;
	s8 =	smov.u32 s4;
	v50 =	vld [tilespmem:s17+$0x4FB0];
	v57 =	vmul.f32 v36, v26;
	v58 =	vadd.f32 v41, v45;
	v53 =	vsub.f32 v27, v47  }
0x285: {  	s8 =	smov.u32 @p2 s7;
	v45 =	vmul.f32 v43, v24;
	v39 =	vsub.f32 v39, v48;
	v52 =	vsub.f32 $2.546222210e-01, v59  }
0x286: {  	s14 =	sadd.s32 $0xC0, s8;
	v59 =	vadd.f32 $9.996203780e-01, v37;
	v37 =	vpop (erf);
	v49 =	vmax.f32 v46, v33;
	v54 =	vmax.f32 v14, v58  }
0x287: {  	v51 =	vld [tilespmem:s14+$0x4F80];
	v60 =	vadd.f32 $9.996203780e-01, v57;
	v42 =	vmin.f32 v14, v58;
	v55 =	vmul.f32 $7.473614810e-02, v37  }
0x288: {  	v33 =	vmin.f32 v46, v33;
	v53 =	vmul.f32 $1.442695020e+00, v53;
	v27 =	vmul.f32 $1.442695020e+00, v39  }
0x289: {  	v36 =	vpop (erf);
	v41 =	vadd.s32 v28, v62;
	v40 =	vadd.s32 v28, v63;
	v61 =	vadd.s32 v28, v50  }
0x28a: {  	v43 =	vld [tilespmem:s17+$0x5C2F];
	v44 =	vmul.f32 v59, v22;
	v35 =	vpop (erf);
	v62 =	vadd.f32 $9.996203780e-01, v38;
	(erf) = vpow2.f32 v27  }
0x28b: {  	v14 =	vld [tilespmem:s13+$0x5C10];
	v42 =	vsub.f32 v42, v54;
	v33 =	vsub.f32 v33, v49;
	v63 =	vmul.f32 $7.473614810e-02, v35  }
0x28c: {  	p3 =	sgt.s32 s16, $0x100;
	v38 =	vld [tilespmem:s19+$0x5C1F];
	v56 =	vmul.f32 v60, v26;
	v60 =	vsub.f32 $2.546222210e-01, v55;
	v51 =	vadd.s32 v28, v51  }
.Ltmp15:
0x28d: {  	v27 =	vld [tilespmem:s19+$0x5C20];
	v57 =	vmul.f32 $1.442695020e+00, v42;
	v58 =	vmul.f32 v62, v25;
	v44 =	vadd.f32 v44, v16;
	(pc) =	sbr.rel @!p3 .LBB2_33-.Ltmp15, $4  }
0x28e: {  	v62 =	vmul.f32 $7.473614810e-02, v36;
	v50 =	vsub.f32 $2.546222210e-01, v63;
	v39 =	vld.idx.msk [tilespmem:v61+s3+$0x0], $0xffff;
	v61 =	vmul.f32 $1.442695020e+00, v33  }
0x28f: {  	v56 =	vadd.f32 v56, v15;
	v63 =	vmul.f32 v60, v37;
	(erf) = vpow2.f32 v57;
	v42 =	vld.idx.msk [tilespmem:v40+s3+$0x0], $0xffff  }
0x290: {  	s10 =	smov.u32 s0;
	v52 =	vmul.f32 v52, v34;
	v46 =	vadd.f32 v58, v18;
	[tilespmem:s29+$0x5630] =	vst v44;
	v40 =	vld [tilespmem:s17+$0x5C30];
	(erf) = vpow2.f32 v61  }
0x291: {  	s9 =	simm.s32 $0x100;
	p2 =	por $0x1, $0x1;
	s8 =	smov.u32 s1;
	[tilespmem:s28+$0x5620] =	vst v56;
	v44 =	vmovc v17;
	v33 =	vld.idx.msk [tilespmem:v51+s3+$0x0], $0xffff;
	v51 =	vsub.f32 $2.546222210e-01, v62;
	(erf) = vpow2.f32 v53;
	v53 =	vadd.f32 $-4.866430760e-01, v63  }
.LBB2_34:
0x292: {  	s20 =	sadd.s32 $0x10, s9;
	s21 =	sadd.s32 $0x20, s9  }
0x293: {  	v56 =	vpop (erf);
	s22 =	smov.u32 s9;
	s9 =	sadd.s32 $0x40, s9;
	s23 =	smov.u32 s4  }
0x294: {  	v55 =	vld [tilespmem:s14+$0x5BFF];
	v50 =	vmul.f32 v50, v35;
	v52 =	vadd.f32 $-4.866430760e-01, v52;
	v45 =	vadd.f32 v45, v44;
	v44 =	vmovc v19;
	v19 =	vmovc v54;
	p4 =	slt.s32 s20, s15;
	p5 =	slt.s32 s21, s15;
	p3 =	slt.s32 s9, s16  }
0x295: {  	v38 =	vadd.f32 v42, v38;
	v51 =	vmul.f32 v51, v36;
	v41 =	vld.idx.msk [tilespmem:v41+s3+$0x0], $0xffff;
	v42 =	vmul.f32 $7.473614810e-02, v56;
	[tilespmem:s10+$0x5600] =	vst v46;
	s10 =	smov.u32 s4;
	s20 =	smov.u32 s4;
	s21 =	sadd.s32 $0x30, s22  }
0x296: {  	s10 =	smov.u32 @p4 s7;
	s20 =	smov.u32 @p5 s7;
	v46 =	vld [tilespmem:s13+$0x5C0F];
	v39 =	vadd.f32 v39, v43;
	v43 =	vmul.f32 v53, v37;
	v50 =	vadd.f32 $-4.866430760e-01, v50;
	[tilespmem:s8+$0x5610] =	vst v45;
	p4 =	slt.s32 s21, s15  }
0x297: {  	v57 =	vmax.f32 v27, v38;
	v27 =	vmin.f32 v27, v38;
	v38 =	vadd.f32 $-4.866430760e-01, v51;
	s21 =	smov.u32 s4;
	s10 =	sadd.s32 s22, s10;
	s20 =	sadd.s32 s22, s20;
	v53 =	vld [tilespmem:s14+$0x5C00]  }
0x298: {  	s8 =	smov.u32 s11;
	s11 =	smov.u32 s18;
	s21 =	smov.u32 @p4 s7;
	v51 =	vld [tilespmem:s10+$0x4F90];
	v58 =	vmax.f32 v40, v39;
	v39 =	vmin.f32 v40, v39;
	v40 =	vmul.f32 v52, v34  }
0x299: {  	s18 =	smov.u32 s13;
	p4 =	slt.s32 s22, s15;
	s21 =	sadd.s32 s22, s21;
	v38 =	vmul.f32 v38, v36;
	v43 =	vadd.f32 $9.996203780e-01, v43;
	v52 =	vld [tilespmem:s20+$0x4FA0];
	v54 =	vsub.f32 v39, v58  }
0x29a: {  	s23 =	smov.u32 @p4 s7;
	v50 =	vmul.f32 v50, v35;
	s13 =	smov.u32 s10;
	s10 =	smov.u32 s2;
	v33 =	vadd.f32 v33, v55;
	v55 =	vsub.f32 $2.546222210e-01, v42;
	v59 =	vld [tilespmem:s21+$0x4FB0];
	v42 =	vpop (erf)  }
0x29b: {  	s2 =	smov.u32 s12;
	s12 =	smov.u32 s14;
	s14 =	sadd.s32 s22, s23;
	v45 =	vmul.f32 v43, v37;
	v40 =	vadd.f32 $9.996203780e-01, v40;
	v46 =	vadd.f32 v41, v46;
	v60 =	vpop (erf)  }
0x29c: {  	v62 =	vsub.f32 v27, v57;
	v27 =	vmul.f32 $1.442695020e+00, v54;
	v43 =	vld [tilespmem:s14+$0x4F80];
	v61 =	vmax.f32 v53, v33;
	v39 =	vpop (erf)  }
0x29d: {  	v50 =	vadd.f32 $9.996203780e-01, v50;
	v37 =	vmovc v42;
	v41 =	vadd.s32 v28, v51;
	v54 =	vmax.f32 v14, v46  }
0x29e: {  	v40 =	vmul.f32 v40, v34;
	v34 =	vmovc v56;
	v46 =	vmin.f32 v14, v46;
	v42 =	vadd.s32 v28, v52  }
0x29f: {  	v52 =	vadd.f32 $9.996203780e-01, v38;
	v51 =	vadd.s32 v28, v59;
	(erf) = vpow2.f32 v27  }
0x2a0: {  	v33 =	vmin.f32 v53, v33;
	v53 =	vmul.f32 $7.473614810e-02, v39;
	v46 =	vsub.f32 v46, v54;
	v14 =	vld [tilespmem:s13+$0x5C10]  }
0x2a1: {  	v59 =	vmul.f32 v50, v35;
	v35 =	vmovc v39;
	v56 =	vadd.s32 v28, v43;
	v27 =	vld [tilespmem:s20+$0x5C20];
	v43 =	vmul.f32 $7.473614810e-02, v37  }
0x2a2: {  	v33 =	vsub.f32 v33, v61;
	v46 =	vmul.f32 $1.442695020e+00, v46;
	v63 =	vmul.f32 v52, v36;
	v36 =	vmovc v60;
	v38 =	vld [tilespmem:s20+$0x5C1F]  }
.Ltmp16:
0x2a3: {  	v50 =	vsub.f32 $2.546222210e-01, v53;
	v60 =	vmul.f32 $1.442695020e+00, v62;
	v42 =	vld.idx.msk [tilespmem:v42+s3+$0x0], $0xffff;
	v52 =	vsub.f32 $2.546222210e-01, v43;
	(pc) =	sbr.rel @p3 .LBB2_34-.Ltmp16, $4  }
0x2a4: {  	v53 =	vmul.f32 $7.473614810e-02, v36;
	v59 =	vadd.f32 v59, v20;
	v20 =	vmovc v47;
	v47 =	vmovc v57;
	v39 =	vld.idx.msk [tilespmem:v51+s3+$0x0], $0xffff;
	v51 =	vmul.f32 $1.442695020e+00, v33  }
0x2a5: {  	v57 =	vadd.f32 v40, v21;
	v21 =	vmovc v48;
	v48 =	vmovc v58;
	v43 =	vld [tilespmem:s21+$0x5C2F];
	(erf) = vpow2.f32 v46;
	v46 =	vmul.f32 v52, v37  }
0x2a6: {  	v52 =	vmul.f32 v55, v34;
	v33 =	vld.idx.msk [tilespmem:v56+s3+$0x0], $0xffff;
	(erf) = vpow2.f32 v51;
	v51 =	vsub.f32 $2.546222210e-01, v53;
	[tilespmem:s25+$0x5620] =	vst v59;
	s25 =	smov.u32 s6;
	s6 =	smov.u32 s19;
	s19 =	smov.u32 s20  }
0x2a7: {  	v40 =	vld [tilespmem:s21+$0x5C30];
	(erf) = vpow2.f32 v60;
	v53 =	vadd.f32 $-4.866430760e-01, v46;
	v46 =	vadd.f32 v63, v23;
	[tilespmem:s26+$0x5630] =	vst v57;
	v23 =	vmovc v49;
	v49 =	vmovc v61;
	s26 =	smov.u32 s5;
	s5 =	smov.u32 s17;
	s17 =	smov.u32 s21  }
.Ltmp17:
0x2a8: {  	(pc) =	sbr.rel .LBB2_36-.Ltmp17, $4  }
0x2a9: {  	s7 =	smov.u32 s11  }
0x2aa: {  	s16 =	smov.u32 s2;
	s9 =	smov.u32 s25;
	s20 =	smov.u32 s26  }
0x2ab: {  	v28 =	vmov v19;
	v55 =	vmov v20;
	v56 =	vmov v21;
	s11 =	smov.u32 s18;
	s2 =	smov.u32 s12;
	s4 =	smov.u32 s6  }
0x2ac: {  	v57 =	vmovc v23;
	v19 =	vmovc v54;
	v20 =	vmov v47;
	v21 =	vmov v48;
	s25 =	smov.u32 s19;
	v23 =	vmov v49;
	s15 =	smov.u32 s5;
	s26 =	smov.u32 s17  }
.LBB2_10:
.Ltmp18:
0x2ad: {  	(pc) =	sbr.rel .LBB2_19-.Ltmp18, $3  }
0x2ae: {  	_ =	sdelay $0x1  }
0x2af: {  	s2 =	smov.u32 s12  }
0x2b0: {  	s11 =	smov.u32 s18;
	s6 =	smov.u32 s19;
	s5 =	smov.u32 s17  }
.LBB2_12:
.Ltmp19:
0x2b1: {  	(pc) =	sbr.rel .LBB2_19-.Ltmp19, $3  }
0x2b2: {  	_ =	sdelay $0x1  }
0x2b3: {  	s2 =	smov.u32 s10;
	s11 =	smov.u32 s8;
	s8 =	smov.u32 s18  }
0x2b4: {  	v19 =	vmovc v17;
	s10 =	smov.u32 s12;
	v20 =	vmov v15;
	v21 =	vmov v16;
	s4 =	smov.u32 s19;
	v23 =	vmov v18;
	s15 =	smov.u32 s17  }
.LBB2_29:
.Ltmp20:
0x2b5: {  	(pc) =	sbr.rel .LBB2_36-.Ltmp20, $3  }
0x2b6: {  	_ =	sdelay $0x1  }
0x2b7: {  	s14 =	smov.u32 s2;
	s13 =	smov.u32 s11;
	s11 =	smov.u32 s1  }
0x2b8: {  	v19 =	vmovc v17;
	s2 =	smov.u32 s0;
	v20 =	vmov v15;
	v21 =	vmov v16;
	s4 =	smov.u32 s28;
	v23 =	vmov v18;
	s15 =	smov.u32 s29  }
.LBB2_14:
.Ltmp21:
0x2b9: {  	(pc) =	sbr.rel .LBB2_19-.Ltmp21, $4  }
0x2ba: {  	s4 =	smov.u32 s6  }
0x2bb: {  	s15 =	smov.u32 s5;
	s2 =	smov.u32 s0;
	v35 =	vmov v26;
	v52 =	vmov v31;
	s11 =	smov.u32 s1  }
0x2bc: {  	v28 =	vmovc v17;
	v36 =	vmovc v25;
	v51 =	vmov v30;
	v37 =	vmov v24;
	v34 =	vmov v22;
	s7 =	smov.u32 s18;
	s16 =	smov.u32 s12;
	s9 =	smov.u32 s19  }
0x2bd: {  	v55 =	vmovc v15;
	v56 =	vmovc v16;
	s6 =	smov.u32 s28;
	v57 =	vmov v18;
	s20 =	smov.u32 s17;
	s5 =	smov.u32 s29;
	v50 =	vmov v29;
	v53 =	vmov v32  }
.LBB2_31:
.Ltmp22:
0x2be: {  	(pc) =	sbr.rel .LBB2_36-.Ltmp22, $4  }
0x2bf: {  	s4 =	smov.u32 s25  }
0x2c0: {  	s15 =	smov.u32 s26;
	s14 =	smov.u32 s12;
	v35 =	vmov v26;
	v52 =	vmov v31;
	s13 =	smov.u32 s18  }
0x2c1: {  	v28 =	vmovc v17;
	v36 =	vmovc v25;
	v51 =	vmov v30;
	v37 =	vmov v24;
	v34 =	vmov v22;
	s7 =	smov.u32 s1;
	s16 =	smov.u32 s0;
	s9 =	smov.u32 s28  }
0x2c2: {  	v55 =	vmovc v15;
	v56 =	vmovc v16;
	s25 =	smov.u32 s6;
	v57 =	vmov v18;
	s20 =	smov.u32 s29;
	s26 =	smov.u32 s5;
	v50 =	vmov v29;
	v53 =	vmov v32  }
.LBB2_16:
0x2c3: {  	s7 =	smov.u32 s8  }
.Ltmp23:
0x2c4: {  	s16 =	smov.u32 s10;
	s9 =	smov.u32 s6;
	(pc) =	sbr.rel .LBB2_19-.Ltmp23, $4  }
0x2c5: {  	s20 =	smov.u32 s5;
	s14 =	smov.u32 s12;
	s13 =	smov.u32 s18  }
0x2c6: {  	s8 =	smov.u32 s1;
	s10 =	smov.u32 s0;
	s4 =	smov.u32 s28  }
0x2c7: {  	v28 =	vmovc v19;
	v55 =	vmov v20;
	v56 =	vmov v21;
	v57 =	vmov v23;
	s6 =	smov.u32 s30;
	s5 =	smov.u32 s31;
	s31 =	rddreg [dreg:$0xa]  }
0x2c8: {  	v44 =	vmovc v17;
	v19 =	vmovc v54;
	v20 =	vmov v47;
	v21 =	vmov v48;
	v23 =	vmov v49;
	s15 =	smov.u32 s29;
	s30 =	smov.u32 s26;
	s21 =	rddreg [dreg:$0xd]  }
.LBB2_33:
.Ltmp24:
0x2c9: {  	(pc) =	sbr.rel .LBB2_36-.Ltmp24, $4  }
0x2ca: {  	s7 =	smov.u32 s11;
	s16 =	smov.u32 s2;
	s9 =	smov.u32 s25  }
0x2cb: {  	s20 =	smov.u32 s26;
	s10 =	smov.u32 s0;
	s8 =	smov.u32 s1  }
0x2cc: {  	v28 =	vmovc v19;
	v55 =	vmov v20;
	v56 =	vmov v21;
	v57 =	vmov v23;
	s11 =	smov.u32 s18;
	s2 =	smov.u32 s12;
	s4 =	smov.u32 s6  }
0x2cd: {  	v44 =	vmovc v17;
	v19 =	vmovc v54;
	v20 =	vmov v47;
	v21 =	vmov v48;
	s25 =	smov.u32 s19;
	v23 =	vmov v49;
	s15 =	smov.u32 s5;
	s26 =	smov.u32 s17  }
.LBB2_24:
0x2ce: {  	(xrf2) =	vadd.scan.msk.f32 $0xffff, v12  }
0x2cf: {  	(xrf2) =	vadd.scan.msk.f32 $0xffff, v13;
	_ =	sdelay $0x6  }
0x2d0: {  	s0 =	simm.s32 $0x59B0;
	s2 =	simm.s32 $0x0  }
0x2d1: {  	s1 =	sand.u32 $0x3C0, s2;
	v16 =	vld [tilespmem:s0+$0x0]  }
0x2d2: {  	v19 =	vld [tilespmem:s1+$0x5980];
	v12, _, _ =	vpop (xrf2)  }
0x2d3: {  	v18 =	vld [tilespmem:s1+$0x5680];
	v13, _, _ =	vpop (xrf2)  }
0x2d4: {  	v17 =	vld [tilespmem:s0+$0xFFFFFCE0];
	v13 =	vbroadcast v13, $0xF  }
0x2d5: {  	v15 =	vld [tilespmem:s0+$0xFFFFFFE0]  }
0x2d6: {  	s4 =	simm.s32 $0x59B0;
	v14 =	vld [tilespmem:s0+$0xFFFFFCF0];
	v12 =	vbroadcast v12, $0xF;
	v20 =	vadd.f32 v16, v13  }
0x2d7: {  	s7 =	simm.s32 $0x1;
	s8 =	simm.s32 $0x400;
	s9 =	simm.s32 $0x80;
	v19 =	vadd.f32 v19, v13;
	v16 =	vld [tilespmem:s0+$0xFFFFFFF0]  }
.LBB2_25:
0x2d8: {  	s2 =	sadd.s32 $0x40, s2;
	v18 =	vadd.f32 v18, v12;
	v21 =	vld [tilespmem:s0+$0xFFFFFD00];
	[tilespmem:s0+$0x0] =	vst v20;
	s4 =	sadd.s32 $0x40, s4  }
0x2d9: {  	s5 =	sand.u32 $0x3C0, s2;
	v20 =	vld [tilespmem:s4+$0x0];
	p0 =	slt.u32 s2, $0x240;
	[tilespmem:s1+$0x5980] =	vst v19;
	v17 =	vadd.f32 v17, v12  }
0x2da: {  	v19 =	vld [tilespmem:s5+$0x5980];
	[tilespmem:s1+$0x5680] =	vst v18;
	v15 =	vadd.f32 v15, v13;
	s1 =	smov.u32 s5  }
.Ltmp25:
0x2db: {  	v18 =	vld [tilespmem:s1+$0x5680];
	[tilespmem:s0+$0xFFFFFCE0] =	vst v17;
	v14 =	vadd.f32 v14, v12;
	(pc) =	sbr.rel @p0 .LBB2_25-.Ltmp25, $4  }
0x2dc: {  	v17 =	vld [tilespmem:s4+$0xFFFFFCE0];
	[tilespmem:s0+$0xFFFFFFE0] =	vst v15;
	v16 =	vadd.f32 v16, v13  }
0x2dd: {  	v15 =	vld [tilespmem:s4+$0xFFFFFFE0];
	[tilespmem:s0+$0xFFFFFCF0] =	vst v14;
	v21 =	vadd.f32 v21, v12  }
0x2de: {  	v14 =	vld [tilespmem:s4+$0xFFFFFCF0];
	v20 =	vadd.f32 v20, v13;
	[tilespmem:s0+$0xFFFFFFF0] =	vst v16  }
0x2df: {  	v19 =	vadd.f32 v19, v13;
	v16 =	vld [tilespmem:s4+$0xFFFFFFF0];
	[tilespmem:s0+$0xFFFFFD00] =	vst v21;
	s0 =	smov.u32 s4  }
0x2e0: {  	v21 =	vld [tilespmem:s0+$0xFFFFFD00];
	v18 =	vadd.f32 v18, v12;
	[tilespmem:s0+$0x0] =	vst v20  }
0x2e1: {  	[tilespmem:s1+$0x5980] =	vst v19;
	v17 =	vadd.f32 v17, v12  }
0x2e2: {  	[tilespmem:s1+$0x5680] =	vst v18;
	v15 =	vadd.f32 v15, v13  }
0x2e3: {  	[tilespmem:s0+$0xFFFFFCE0] =	vst v17;
	v14 =	vadd.f32 v14, v12  }
0x2e4: {  	[tilespmem:s0+$0xFFFFFFE0] =	vst v15;
	v62 =	vadd.f32 v16, v13  }
0x2e5: {  	[tilespmem:s0+$0xFFFFFCF0] =	vst v14;
	v63 =	vadd.f32 v21, v12  }
0x2e6: {  	[tilespmem:s0+$0xFFFFFFF0] =	vst v62  }
0x2e7: {  	[tilespmem:s0+$0xFFFFFD00] =	vst v63  }
0x2e8: {  	s1 =	rddreg [dreg:$0x5]  }
0x2e9: {  	s0 =	rddreg [dreg:$0x8]  }
0x2ea: {  	s2 =	simm.s32 $0x5680;
	s0 =	sadd.s32 s1, s0  }
0x2eb: {  	[hbm4b:s0+s9] =	stream.strided.scatter [tilespmem:s2], [sflag:$0x1], $0x280, s8, s9, $0x38;
	[tilespmem:$0x6280] =	vst v63  }
0x2ec: {  	_ =	swait.ge [sflag:s7], $0x280  }
0x2ed: {  	[sflag:s7] =	ssyncset.done $0x0;
	s28 =	rddreg [dreg:$0x9]  }
0x2ee: {  	s29 =	simm.s32 $0x5980;
	[sflag:s7] =	ssyncadd.s32 $0xFFFFFD80;
	s0 =	sadd.s32 s1, s28  }
0x2ef: {  	[hbm4b:s0+s9] =	stream.strided.scatter [tilespmem:s29], [sflag:$0x1], $0x280, s8, s9, $0x38;
	[tilespmem:$0x6280] =	vst v63  }
0x2f0: {  	_ =	swait.ge [sflag:s7], $0x280  }
0x2f1: {  	s30 =	rddreg [dreg:$0x7]  }
0x2f2: {  	s31 =	rddreg [dreg:$0x6];
	s1 =	sadd.s32 $0x1, s30  }
0x2f3: {  	p0 =	sne.s32 s1, s31  }
.Ltmp26:
0x2f4: {  	_ = 	snop;
	(pc) =	sbr.rel @p0 .LBB2_1-.Ltmp26, $3  }
0x2f5: {  	_ =	sdelay $0x1  }
0x2f6: {  	[sflag:s7] =	ssyncset.done $0x0  }
0x2f7: {  	[sflag:s7] =	ssyncadd.s32 $0xFFFFFD80  }
0x2f8: {  	_ =	sfence.sel $0x180000  }
0x2f9: {  	[bflag:$0x0] =	sbarrier.arrive $0xFFFF  }
0x2fa: {  	_ =	strace $0x90000047  }
0x2fb: {  	s0 =	stileid.u32;
	[bflag:$0x2] =	sbarrier.arrive $0xFFFF  }
0x2fc: {  	p0 =	sne.s32 s0, $0x0;
	s0 =	rddreg [dreg:$0x2]  }
0x2fd: {  	s0 =	sadd.s32 @!p0 $0x100000, s0  }
0x2fe: {  	[sflag:s0] =	ssyncadd.tile.s32 @!p0 $0x1;
	_ =	shalt  }
.Lfunc_end2:
_tile_overlayer_lowered:
.L_overlay_start_2:
0x2ff: {  	(tag) =	ssettag $0x2  }
0x300: {  	s0 =	rddreg [dreg:$0x0];
	s2 =	stileid.u32  }
0x301: {  	s1 =	rddreg [dreg:$0x1];
	p0 =	sne.s32 s2, $0x0  }
0x302: {  	s3 =	rddreg [dreg:$0x2];
	[bflag:$0x3] =	sbarrier.arrive $0xFFFF;
	s2 =	simm.s32 @!p0 $0x1C01  }
0x303: {  	[timem:s3], [sflag:s2] =	dma.local @!p0 [hbm:s0], s1  }
0x304: {  	s0 =	simm.s32 @!p0 $0x1  }
0x305: {  	_ =	swait.ge @!p0 [sflag:s0], s1  }
0x306: {  	s1 =	ssub.s32 @!p0 $0x0, s1;
	[sflag:s0] =	ssyncset.done @!p0 $0x0  }
0x307: {  	[sflag:s0] =	ssyncadd.s32 @!p0 s1  }
0x308: {  	[bflag:$0x3] =	sbarrier.arrive $0xFFFF  }
0x309: {  	_ =	shalt  }

</sc_bundles>
